<compile_context>
chip_gen: v7x
topology: tpu7x:2x2x1
jax: 0.10.2.dev20260603
libtpu: 0.0.44.dev20260713+nightly
codegen_flags: <defaults>
</compile_context>

<pallas_src>
import functools

import jax
import jax.numpy as jnp
from jax import lax
from jax.experimental import pallas as pl
from jax.experimental.pallas import tpu as pltpu
from jax.experimental.pallas import tpu_sc as plsc

_NX, _NY, _NZ = 360, 360, 2
_V = _NZ * _NY * _NX
_B = 2
_C = 64
_P = 120000
_PER = _P // _B
_NPAD = 128
_TR = 16896
_VC = 384
_NCK = _TR // _VC
_CB = 1200
_NB = _PER // _CB
_LO_MAX = _V - _TR


def _sc_body(feat, coords, canvas, masks, coords_v0, coords_v1,
             inv_v, gath0, gath1, outt0, outt1, mask0, mask1,
             gsem0, gsem1, wsem0, wsem1):
    c = lax.axis_index("c")
    t = lax.axis_index("s")
    iota = lax.iota(jnp.int32, 16)
    lo = pl.multiple_of(jnp.minimum(t * _TR, _LO_MAX), 128)
    cbuf = (coords_v0, coords_v1)
    gath = (gath0, gath1)
    outt = (outt0, outt1)
    maskb = (mask0, mask1)
    gsem = (gsem0, gsem1)
    wsem = (wsem0, wsem1)

    def fill_body(ii, carry):
        inv_v[pl.ds(ii * 16, 16)] = jnp.full((16,), -1, jnp.int32)
        return carry
    lax.fori_loop(0, _TR // 16, fill_body, 0)

    def fire_coords(blk, b):
        base_p = pl.multiple_of(c * _PER + blk * _CB, 8)
        pltpu.async_copy(coords.at[:, pl.ds(base_p, _CB)], cbuf[b], gsem[b])

    def drain_coords(b):
        pltpu.make_async_copy(
            coords.at[:, pl.ds(0, _CB)], cbuf[b], gsem[b]).wait()

    fire_coords(0, 0)

    def blk_pair(i, carry):
        for b in range(2):
            blk = i * 2 + b
            base_p = pl.multiple_of(c * _PER + blk * _CB, 8)

            @pl.when(blk + 1 < _NB)
            def _():
                fire_coords(blk + 1, b ^ 1)
            drain_coords(b)

            @plsc.parallel_loop(0, _CB // 16, unroll=2)
            def _(g):
                zc = cbuf[b][0, pl.ds(g * 16, 16)]
                yc = cbuf[b][1, pl.ds(g * 16, 16)]
                xc = cbuf[b][2, pl.ds(g * 16, 16)]
                v = zc * (_NY * _NX) + yc * _NX + xc
                m = (v >= lo) & (v < lo + _TR)
                idx = jnp.clip(v - lo, 0, _TR - 1)
                plsc.store_scatter(inv_v, [idx], base_p + g * 16 + iota,
                                   mask=m)
        return carry
    lax.fori_loop(0, _NB // 2, blk_pair, 0)

    def fire_gather(kk, b):
        @plsc.parallel_loop(0, _VC, unroll=4)
        def _(vi):
            for q in range(_C // 16):
                gath[b][vi, pl.ds(q * 16, 16)] = jnp.zeros((16,), jnp.float32)
        for j in range(_VC // 128):
            idx = plsc.Indices(
                inv_v.at[pl.ds(kk * _VC + j * 128, 128)], ignored_value=-1)
            pltpu.async_copy(
                feat.at[idx], gath[b].at[pl.ds(j * 128, 128)], gsem[b])

    def drain_gather(b):
        for j in range(_VC // 128):
            idx = plsc.Indices(
                inv_v.at[pl.ds(j * 128, 128)], ignored_value=-1)
            pltpu.make_async_copy(
                feat.at[idx], gath[b].at[pl.ds(j * 128, 128)], gsem[b]).wait()

    def drain_writes(b):
        pltpu.make_async_copy(
            outt[b].at[:, pl.ds(0, _VC)],
            canvas.at[pl.ds(c * _C, _C), pl.ds(0, _VC)],
            wsem[b]).wait()
        pltpu.make_async_copy(
            maskb[b], masks.at[pl.ds(0, _VC)], wsem[b]).wait()

    fire_gather(0, 0)

    def pair_body(i, carry):
        for b in range(2):
            kk = i * 2 + b
            v0 = pl.multiple_of(lo + kk * _VC, 128)

            @pl.when(kk + 1 < _NCK)
            def _():
                fire_gather(kk + 1, b ^ 1)
            drain_gather(b)

            @pl.when(kk >= 2)
            def _():
                drain_writes(b)

            @plsc.parallel_loop(0, _VC, unroll=4)
            def _(vi):
                vv = jnp.full((16,), 0, jnp.int32) + vi
                for q in range(_C // 16):
                    plsc.store_scatter(
                        outt[b], [iota + q * 16, vv],
                        gath[b][vi, pl.ds(q * 16, 16)])

            for o in range(_VC // 16):
                vv = inv_v[pl.ds(kk * _VC + o * 16, 16)]
                maskb[b][pl.ds(o * 16, 16)] = jnp.where(
                    vv >= 0, jnp.int32(1), jnp.int32(0))

            pltpu.async_copy(
                outt[b].at[:, pl.ds(0, _VC)],
                canvas.at[pl.ds(c * _C, _C), pl.ds(v0, _VC)],
                wsem[b])
            pltpu.async_copy(
                maskb[b], masks.at[pl.ds(c * _V + v0, _VC)], wsem[b])
        return carry
    lax.fori_loop(0, _NCK // 2, pair_body, 0)
    drain_writes(0)
    drain_writes(1)


@functools.partial(
    pl.kernel,
    out_type=(
        jax.ShapeDtypeStruct((_B * _C, _V), jnp.float32),
        jax.ShapeDtypeStruct((_B * _V,), jnp.int32),
    ),
    mesh=plsc.VectorSubcoreMesh(core_axis_name="c", subcore_axis_name="s"),
    compiler_params=pltpu.CompilerParams(
        needs_layout_passes=False, use_tc_tiling_on_sc=False),
    scratch_types=[
        pltpu.VMEM((3, _CB), jnp.int32),
        pltpu.VMEM((3, _CB), jnp.int32),
        pltpu.VMEM((_TR,), jnp.int32),
        pltpu.VMEM((_VC, _C), jnp.float32),
        pltpu.VMEM((_VC, _C), jnp.float32),
        pltpu.VMEM((_C, _VC + 1), jnp.float32),
        pltpu.VMEM((_C, _VC + 1), jnp.float32),
        pltpu.VMEM((_VC,), jnp.int32),
        pltpu.VMEM((_VC,), jnp.int32),
        pltpu.SemaphoreType.DMA,
        pltpu.SemaphoreType.DMA,
        pltpu.SemaphoreType.DMA,
        pltpu.SemaphoreType.DMA,
    ],
)
def _scatter3d_sc(feat, coords, canvas, masks, *scratch):
    _sc_body(feat, coords, canvas, masks, *scratch)


def kernel(pillar_features, coords):
    zyx = coords[:, 1:4].T
    canvas, masks_i32 = _scatter3d_sc(pillar_features, zyx)
    batch_spatial_features = canvas.reshape(_B, _C * _NZ, _NY, _NX)
    masks = masks_i32.reshape(_B, _V) != 0
    return batch_spatial_features, masks

# --- scband reference (transcript-rebuilt; emitter-appended) ---
"""Pipeline reference for scband-point-pillar-scatter3d-1563368096565 (READ-ONLY COPY).

The authoritative reference and input builder live on the scoring server;
editing this copy changes nothing except your own understanding.
"""

import jax, jax.numpy as jnp
import numpy as np

NX, NY, NZ = 360, 360, 2
NUM_BEV = 128
C = NUM_BEV // NZ  # channels before compression = 64
P = 120000
B = 2


def setup_inputs(seed: int = 0) -> dict:
    key = jax.random.key(seed)
    pillar_features = jax.random.normal(key, (P, C), dtype=jnp.float32)
    # Build coords = [batch_idx, z, y, x] with UNIQUE flat voxel indices per batch
    # so the overwrite-scatter is deterministic (torch spatial_feature[:, idx] = pillars
    # is order-undefined under duplicate indices).
    rng = np.random.default_rng(0)
    per = P // B
    cols = []
    for b in range(B):
        flat = rng.choice(NZ * NY * NX, size=per, replace=False)
        c1 = flat // (NY * NX)
        rem = flat % (NY * NX)
        c2 = rem // NX
        c3 = rem % NX
        cols.append(np.stack([np.full(per, b, dtype=np.int64), c1, c2, c3], axis=1))
    coords = jnp.asarray(np.concatenate(cols, axis=0), dtype=jnp.int32)
    return {"pillar_features": pillar_features, "coords": coords}


def reference(pillar_features, coords):
    c = pillar_features.shape[1]
    batch_size = B
    b_idx = coords[:, 0]
    indices = coords[:, 1] * (NY * NX) + coords[:, 2] * NX + coords[:, 3]
    # scatter-overwrite pillar features into dense BEV canvas [B, C, nz*ny*nx]
    spatial = jnp.zeros((batch_size, c, NZ * NY * NX), dtype=pillar_features.dtype)
    spatial = spatial.at[b_idx, :, indices].set(pillar_features)
    masks = jnp.zeros((batch_size, NZ * NY * NX), dtype=bool)
    masks = masks.at[b_idx, indices].set(True)
    # view(batch, C_before * nz, ny, nx): layout is [B, C, nz, ny, nx] flattened
    batch_spatial_features = spatial.reshape(batch_size, c * NZ, NY, NX)
    return batch_spatial_features, masks

if __name__ == "__main__":
    import jax
    _d = setup_inputs()
    print(jax.jit(kernel)(*tuple(_d.values())))

</pallas_src>

<mosaic_0001>
#map = affine_map<(d0, d1) -> (0, 0)>
#map1 = affine_map<(d0, d1) -> (0)>
module attributes {stable_mosaic.version = 14 : i64} {
  func.func @_scatter3d_sc(%arg0: i32, %arg1: i32, %arg2: memref<120000x64xf32, #tpu.memory_space<hbm>>, %arg3: memref<3x120000xi32, #tpu.memory_space<hbm>>, %arg4: memref<128x259200xf32, #tpu.memory_space<hbm>>, %arg5: memref<518400xi32, #tpu.memory_space<hbm>>, %arg6: memref<3x1200xi32, #tpu.memory_space<vmem>>, %arg7: memref<3x1200xi32, #tpu.memory_space<vmem>>, %arg8: memref<16896xi32, #tpu.memory_space<vmem>>, %arg9: memref<384x64xf32, #tpu.memory_space<vmem>>, %arg10: memref<384x64xf32, #tpu.memory_space<vmem>>, %arg11: memref<64x385xf32, #tpu.memory_space<vmem>>, %arg12: memref<64x385xf32, #tpu.memory_space<vmem>>, %arg13: memref<384xi32, #tpu.memory_space<vmem>>, %arg14: memref<384xi32, #tpu.memory_space<vmem>>, %arg15: memref<!tpu.dma_semaphore, #tpu.memory_space<semaphore_mem>>, %arg16: memref<!tpu.dma_semaphore, #tpu.memory_space<semaphore_mem>>, %arg17: memref<!tpu.dma_semaphore, #tpu.memory_space<semaphore_mem>>, %arg18: memref<!tpu.dma_semaphore, #tpu.memory_space<semaphore_mem>>) attributes {dimension_semantics = [#tpu.dimension_semantics<core_parallel>, #tpu.dimension_semantics<subcore_parallel>], iteration_bounds = array<i64: 2, 16>, scalar_prefetch = 0 : i64, scratch_operands = 13 : i64, tpu.core_type = #tpu.core_type<sc_vector_subcore>, window_params = [{transform_indices = #map}, {transform_indices = #map}, {transform_indices = #map}, {transform_indices = #map1}]} {
    %iota3A = tpu.iota {dimensions = array<i32: 0>} : vector<16xi32>
    %mul3A = arith.constant 16896 : i32
    %mul3A_0 = arith.muli %arg1, %mul3A : i32
    %min3A = arith.constant 242304 : i32
    %min3A_1 = arith.minsi %mul3A_0, %min3A : i32
    %multiple_of3A = tpu.assume_multiple %min3A_1, 128 : i32
    %scan3A = arith.constant 0 : i32
    %scan3A_2 = arith.constant 0 : i32
    %scan3A_3 = arith.constant 1056 : i32
    %scan3A_4 = arith.addi %scan3A_2, %scan3A_3 : i32
    %scan3A_5 = arith.constant 1 : i32
    scf.for %scan3A_86 = %scan3A_2 to %scan3A_4 step %scan3A_5  : i32 {
      %broadcast_in_dim3A = arith.constant -1 : i32
      %broadcast_in_dim3A_87 = vector.broadcast %broadcast_in_dim3A : i32 to vector<16xi32>
      %mul3A_88 = arith.constant 16 : i32
      %mul3A_89 = arith.muli %scan3A_86, %mul3A_88 : i32
      %swap3A = arith.index_cast %mul3A_89 : i32 to index
      %swap3A_90 = tpu.vector_load %arg8[%swap3A] {strides = array<i32>} : memref<16896xi32, #tpu.memory_space<vmem>>, vector<16xi32>,
      tpu.vector_store %arg8[%swap3A], %broadcast_in_dim3A_87 {strides = array<i32>} : memref<16896xi32, #tpu.memory_space<vmem>>, vector<16xi32>,
    }
    %scan3A_6 = arith.constant 1056 : i32
    %mul3A_7 = arith.constant 60000 : i32
    %mul3A_8 = arith.muli %arg0, %mul3A_7 : i32
    %add3A = arith.constant 0 : i32
    %add3A_9 = arith.addi %mul3A_8, %add3A : i32
    %multiple_of3A_10 = tpu.assume_multiple %add3A_9, 8 : i32
    %dma_start3A = arith.constant 0 : i32
    %dma_start3A_11 = tpu.memref_slice %arg3[%dma_start3A, %multiple_of3A_10] : memref<3x120000xi32, #tpu.memory_space<hbm>> -> memref<3x1200xi32, #tpu.memory_space<hbm>>
    %dma_start3A_12 = arith.constant 0 : i32
    %dma_start3A_13 = tpu.memref_slice %arg3[%dma_start3A_12, %multiple_of3A_10] : memref<3x120000xi32, #tpu.memory_space<hbm>> -> memref<3x1200xi32, #tpu.memory_space<hbm>>
    tpu.enqueue_dma source(%dma_start3A_13 : memref<3x1200xi32, #tpu.memory_space<hbm>>) target(%arg6 : memref<3x1200xi32, #tpu.memory_space<vmem>>) target_semaphore(%arg15 : memref<!tpu.dma_semaphore, #tpu.memory_space<semaphore_mem>>)
    %scan3A_14 = arith.constant 0 : i32
    %scan3A_15 = arith.constant 0 : i32
    %scan3A_16 = arith.constant 25 : i32
    %scan3A_17 = arith.addi %scan3A_15, %scan3A_16 : i32
    %scan3A_18 = arith.constant 1 : i32
    scf.for %scan3A_86 = %scan3A_15 to %scan3A_17 step %scan3A_18  : i32 {
      %mul3A_87 = arith.constant 2 : i32
      %mul3A_88 = arith.muli %scan3A_86, %mul3A_87 : i32
      %add3A_89 = arith.constant 0 : i32
      %add3A_90 = arith.addi %mul3A_88, %add3A_89 : i32
      %mul3A_91 = arith.constant 60000 : i32
      %mul3A_92 = arith.muli %arg0, %mul3A_91 : i32
      %mul3A_93 = arith.constant 1200 : i32
      %mul3A_94 = arith.muli %add3A_90, %mul3A_93 : i32
      %add3A_95 = arith.addi %mul3A_92, %mul3A_94 : i32
      %multiple_of3A_96 = tpu.assume_multiple %add3A_95, 8 : i32
      %add3A_97 = arith.constant 1 : i32
      %add3A_98 = arith.addi %add3A_90, %add3A_97 : i32
      %lt3A = arith.constant 50 : i32
      %lt3A_99 = arith.cmpi slt, %add3A_98, %lt3A : i32
      %convert_element_type3A = arith.extui %lt3A_99 : i1 to i32
      %cond3A = arith.constant 0 : i32
      %cond3A_100 = arith.cmpi ne, %convert_element_type3A, %cond3A : i32
      scf.if %cond3A_100 {
        %add3A_136 = arith.constant 1 : i32
        %add3A_137 = arith.addi %add3A_90, %add3A_136 : i32
        %mul3A_138 = arith.constant 60000 : i32
        %mul3A_139 = arith.muli %arg0, %mul3A_138 : i32
        %mul3A_140 = arith.constant 1200 : i32
        %mul3A_141 = arith.muli %add3A_137, %mul3A_140 : i32
        %add3A_142 = arith.addi %mul3A_139, %mul3A_141 : i32
        %multiple_of3A_143 = tpu.assume_multiple %add3A_142, 8 : i32
        %dma_start3A_144 = arith.constant 0 : i32
        %dma_start3A_145 = tpu.memref_slice %arg3[%dma_start3A_144, %multiple_of3A_143] : memref<3x120000xi32, #tpu.memory_space<hbm>> -> memref<3x1200xi32, #tpu.memory_space<hbm>>
        %dma_start3A_146 = arith.constant 0 : i32
        %dma_start3A_147 = tpu.memref_slice %arg3[%dma_start3A_146, %multiple_of3A_143] : memref<3x120000xi32, #tpu.memory_space<hbm>> -> memref<3x1200xi32, #tpu.memory_space<hbm>>
        tpu.enqueue_dma source(%dma_start3A_147 : memref<3x1200xi32, #tpu.memory_space<hbm>>) target(%arg7 : memref<3x1200xi32, #tpu.memory_space<vmem>>) target_semaphore(%arg16 : memref<!tpu.dma_semaphore, #tpu.memory_space<semaphore_mem>>)
      } else {
      }
      %dma_wait3A_101 = arith.constant 0 : i32
      %dma_wait3A_102 = arith.constant 0 : i32
      %dma_wait3A_103 = tpu.memref_slice %arg3[%dma_wait3A_101, %dma_wait3A_102] : memref<3x120000xi32, #tpu.memory_space<hbm>> -> memref<3x1200xi32, #tpu.memory_space<hbm>>
      %dma_wait3A_104 = arith.constant 0 : i32
      %dma_wait3A_105 = arith.constant 0 : i32
      %dma_wait3A_106 = tpu.memref_slice %arg3[%dma_wait3A_104, %dma_wait3A_105] : memref<3x120000xi32, #tpu.memory_space<hbm>> -> memref<3x1200xi32, #tpu.memory_space<hbm>>
      tpu.wait_dma2 semaphore(%arg15 : memref<!tpu.dma_semaphore, #tpu.memory_space<semaphore_mem>>) src(%dma_wait3A_106 : memref<3x1200xi32, #tpu.memory_space<hbm>>) dst(%arg6 : memref<3x1200xi32, #tpu.memory_space<vmem>>)
      %parallel_loop3A_107 = arith.constant 0 : i32
      %parallel_loop3A_108 = arith.constant 75 : i32
      %parallel_loop3A_109 = arith.constant 1 : i32
      scf.for %parallel_loop3A_136 = %parallel_loop3A_107 to %parallel_loop3A_108 step %parallel_loop3A_109  : i32 {
        %parallel_loop3A_137 = arith.constant 16 : i32
        %parallel_loop3A_138 = arith.muli %parallel_loop3A_136, %parallel_loop3A_137 : i32
        %parallel_loop3A_139 = arith.constant 0 : i32
        %parallel_loop3A_140 = arith.index_cast %parallel_loop3A_139 : i32 to index
        %parallel_loop3A_141 = arith.index_cast %parallel_loop3A_138 : i32 to index
        %parallel_loop3A_142 = tpu.vector_load %arg6[%parallel_loop3A_140, %parallel_loop3A_141] {strides = array<i32>} : memref<3x1200xi32, #tpu.memory_space<vmem>>, vector<16xi32>,
        %parallel_loop3A_143 = arith.constant 16 : i32
        %parallel_loop3A_144 = arith.muli %parallel_loop3A_136, %parallel_loop3A_143 : i32
        %parallel_loop3A_145 = arith.constant 1 : i32
        %parallel_loop3A_146 = arith.index_cast %parallel_loop3A_145 : i32 to index
        %parallel_loop3A_147 = arith.index_cast %parallel_loop3A_144 : i32 to index
        %parallel_loop3A_148 = tpu.vector_load %arg6[%parallel_loop3A_146, %parallel_loop3A_147] {strides = array<i32>} : memref<3x1200xi32, #tpu.memory_space<vmem>>, vector<16xi32>,
        %parallel_loop3A_149 = arith.constant 16 : i32
        %parallel_loop3A_150 = arith.muli %parallel_loop3A_136, %parallel_loop3A_149 : i32
        %parallel_loop3A_151 = arith.constant 2 : i32
        %parallel_loop3A_152 = arith.index_cast %parallel_loop3A_151 : i32 to index
        %parallel_loop3A_153 = arith.index_cast %parallel_loop3A_150 : i32 to index
        %parallel_loop3A_154 = tpu.vector_load %arg6[%parallel_loop3A_152, %parallel_loop3A_153] {strides = array<i32>} : memref<3x1200xi32, #tpu.memory_space<vmem>>, vector<16xi32>,
        %parallel_loop3A_155 = arith.constant 129600 : i32
        %parallel_loop3A_156 = vector.broadcast %parallel_loop3A_155 : i32 to vector<16xi32>
        %parallel_loop3A_157 = arith.muli %parallel_loop3A_142, %parallel_loop3A_156 : vector<16xi32>
        %parallel_loop3A_158 = arith.constant 360 : i32
        %parallel_loop3A_159 = vector.broadcast %parallel_loop3A_158 : i32 to vector<16xi32>
        %parallel_loop3A_160 = arith.muli %parallel_loop3A_148, %parallel_loop3A_159 : vector<16xi32>
        %parallel_loop3A_161 = arith.addi %parallel_loop3A_157, %parallel_loop3A_160 : vector<16xi32>
        %parallel_loop3A_162 = arith.addi %parallel_loop3A_161, %parallel_loop3A_154 : vector<16xi32>
        %parallel_loop3A_163 = vector.broadcast %multiple_of3A : i32 to vector<16xi32>
        %parallel_loop3A_164 = arith.cmpi sge, %parallel_loop3A_162, %parallel_loop3A_163 : vector<16xi32>
        %parallel_loop3A_165 = arith.constant 16896 : i32
        %parallel_loop3A_166 = arith.addi %multiple_of3A, %parallel_loop3A_165 : i32
        %parallel_loop3A_167 = vector.broadcast %parallel_loop3A_166 : i32 to vector<16xi32>
        %parallel_loop3A_168 = arith.cmpi slt, %parallel_loop3A_162, %parallel_loop3A_167 : vector<16xi32>
        %parallel_loop3A_169 = arith.andi %parallel_loop3A_164, %parallel_loop3A_168 : vector<16xi1>
        %parallel_loop3A_170 = vector.broadcast %multiple_of3A : i32 to vector<16xi32>
        %parallel_loop3A_171 = arith.subi %parallel_loop3A_162, %parallel_loop3A_170 : vector<16xi32>
        %parallel_loop3A_172 = arith.constant 0 : i32
        %parallel_loop3A_173 = arith.constant 16895 : i32
        %parallel_loop3A_174 = vector.broadcast %parallel_loop3A_172 : i32 to vector<16xi32>
        %parallel_loop3A_175 = arith.maxsi %parallel_loop3A_174, %parallel_loop3A_171 : vector<16xi32>
        %parallel_loop3A_176 = vector.broadcast %parallel_loop3A_173 : i32 to vector<16xi32>
        %parallel_loop3A_177 = arith.minsi %parallel_loop3A_176, %parallel_loop3A_175 : vector<16xi32>
        %parallel_loop3A_178 = arith.constant 16 : i32
        %parallel_loop3A_179 = arith.muli %parallel_loop3A_136, %parallel_loop3A_178 : i32
        %parallel_loop3A_180 = arith.addi %multiple_of3A_96, %parallel_loop3A_179 : i32
        %parallel_loop3A_181 = vector.broadcast %parallel_loop3A_180 : i32 to vector<16xi32>
        %parallel_loop3A_182 = arith.addi %parallel_loop3A_181, %iota3A : vector<16xi32>
        tpu.vector_store_idx %arg8[%parallel_loop3A_177], %parallel_loop3A_182 masked %parallel_loop3A_169 : memref<16896xi32, #tpu.memory_space<vmem>>[vector<16xi32>], vector<16xi32>, vector<16xi1>
      } {sc.loop_unroll_factor = 2 : i64, sc.parallel_access}
      %mul3A_110 = arith.constant 2 : i32
      %mul3A_111 = arith.muli %scan3A_86, %mul3A_110 : i32
      %add3A_112 = arith.constant 1 : i32
      %add3A_113 = arith.addi %mul3A_111, %add3A_112 : i32
      %mul3A_114 = arith.constant 60000 : i32
      %mul3A_115 = arith.muli %arg0, %mul3A_114 : i32
      %mul3A_116 = arith.constant 1200 : i32
      %mul3A_117 = arith.muli %add3A_113, %mul3A_116 : i32
      %add3A_118 = arith.addi %mul3A_115, %mul3A_117 : i32
      %multiple_of3A_119 = tpu.assume_multiple %add3A_118, 8 : i32
      %add3A_120 = arith.constant 1 : i32
      %add3A_121 = arith.addi %add3A_113, %add3A_120 : i32
      %lt3A_122 = arith.constant 50 : i32
      %lt3A_123 = arith.cmpi slt, %add3A_121, %lt3A_122 : i32
      %convert_element_type3A_124 = arith.extui %lt3A_123 : i1 to i32
      %cond3A_125 = arith.constant 0 : i32
      %cond3A_126 = arith.cmpi ne, %convert_element_type3A_124, %cond3A_125 : i32
      scf.if %cond3A_126 {
        %add3A_136 = arith.constant 1 : i32
        %add3A_137 = arith.addi %add3A_113, %add3A_136 : i32
        %mul3A_138 = arith.constant 60000 : i32
        %mul3A_139 = arith.muli %arg0, %mul3A_138 : i32
        %mul3A_140 = arith.constant 1200 : i32
        %mul3A_141 = arith.muli %add3A_137, %mul3A_140 : i32
        %add3A_142 = arith.addi %mul3A_139, %mul3A_141 : i32
        %multiple_of3A_143 = tpu.assume_multiple %add3A_142, 8 : i32
        %dma_start3A_144 = arith.constant 0 : i32
        %dma_start3A_145 = tpu.memref_slice %arg3[%dma_start3A_144, %multiple_of3A_143] : memref<3x120000xi32, #tpu.memory_space<hbm>> -> memref<3x1200xi32, #tpu.memory_space<hbm>>
        %dma_start3A_146 = arith.constant 0 : i32
        %dma_start3A_147 = tpu.memref_slice %arg3[%dma_start3A_146, %multiple_of3A_143] : memref<3x120000xi32, #tpu.memory_space<hbm>> -> memref<3x1200xi32, #tpu.memory_space<hbm>>
        tpu.enqueue_dma source(%dma_start3A_147 : memref<3x1200xi32, #tpu.memory_space<hbm>>) target(%arg6 : memref<3x1200xi32, #tpu.memory_space<vmem>>) target_semaphore(%arg15 : memref<!tpu.dma_semaphore, #tpu.memory_space<semaphore_mem>>)
      } else {
      }
      %dma_wait3A_127 = arith.constant 0 : i32
      %dma_wait3A_128 = arith.constant 0 : i32
      %dma_wait3A_129 = tpu.memref_slice %arg3[%dma_wait3A_127, %dma_wait3A_128] : memref<3x120000xi32, #tpu.memory_space<hbm>> -> memref<3x1200xi32, #tpu.memory_space<hbm>>
      %dma_wait3A_130 = arith.constant 0 : i32
      %dma_wait3A_131 = arith.constant 0 : i32
      %dma_wait3A_132 = tpu.memref_slice %arg3[%dma_wait3A_130, %dma_wait3A_131] : memref<3x120000xi32, #tpu.memory_space<hbm>> -> memref<3x1200xi32, #tpu.memory_space<hbm>>
      tpu.wait_dma2 semaphore(%arg16 : memref<!tpu.dma_semaphore, #tpu.memory_space<semaphore_mem>>) src(%dma_wait3A_132 : memref<3x1200xi32, #tpu.memory_space<hbm>>) dst(%arg7 : memref<3x1200xi32, #tpu.memory_space<vmem>>)
      %parallel_loop3A_133 = arith.constant 0 : i32
      %parallel_loop3A_134 = arith.constant 75 : i32
      %parallel_loop3A_135 = arith.constant 1 : i32
      scf.for %parallel_loop3A_136 = %parallel_loop3A_133 to %parallel_loop3A_134 step %parallel_loop3A_135  : i32 {
        %parallel_loop3A_137 = arith.constant 16 : i32
        %parallel_loop3A_138 = arith.muli %parallel_loop3A_136, %parallel_loop3A_137 : i32
        %parallel_loop3A_139 = arith.constant 0 : i32
        %parallel_loop3A_140 = arith.index_cast %parallel_loop3A_139 : i32 to index
        %parallel_loop3A_141 = arith.index_cast %parallel_loop3A_138 : i32 to index
        %parallel_loop3A_142 = tpu.vector_load %arg7[%parallel_loop3A_140, %parallel_loop3A_141] {strides = array<i32>} : memref<3x1200xi32, #tpu.memory_space<vmem>>, vector<16xi32>,
        %parallel_loop3A_143 = arith.constant 16 : i32
        %parallel_loop3A_144 = arith.muli %parallel_loop3A_136, %parallel_loop3A_143 : i32
        %parallel_loop3A_145 = arith.constant 1 : i32
        %parallel_loop3A_146 = arith.index_cast %parallel_loop3A_145 : i32 to index
        %parallel_loop3A_147 = arith.index_cast %parallel_loop3A_144 : i32 to index
        %parallel_loop3A_148 = tpu.vector_load %arg7[%parallel_loop3A_146, %parallel_loop3A_147] {strides = array<i32>} : memref<3x1200xi32, #tpu.memory_space<vmem>>, vector<16xi32>,
        %parallel_loop3A_149 = arith.constant 16 : i32
        %parallel_loop3A_150 = arith.muli %parallel_loop3A_136, %parallel_loop3A_149 : i32
        %parallel_loop3A_151 = arith.constant 2 : i32
        %parallel_loop3A_152 = arith.index_cast %parallel_loop3A_151 : i32 to index
        %parallel_loop3A_153 = arith.index_cast %parallel_loop3A_150 : i32 to index
        %parallel_loop3A_154 = tpu.vector_load %arg7[%parallel_loop3A_152, %parallel_loop3A_153] {strides = array<i32>} : memref<3x1200xi32, #tpu.memory_space<vmem>>, vector<16xi32>,
        %parallel_loop3A_155 = arith.constant 129600 : i32
        %parallel_loop3A_156 = vector.broadcast %parallel_loop3A_155 : i32 to vector<16xi32>
        %parallel_loop3A_157 = arith.muli %parallel_loop3A_142, %parallel_loop3A_156 : vector<16xi32>
        %parallel_loop3A_158 = arith.constant 360 : i32
        %parallel_loop3A_159 = vector.broadcast %parallel_loop3A_158 : i32 to vector<16xi32>
        %parallel_loop3A_160 = arith.muli %parallel_loop3A_148, %parallel_loop3A_159 : vector<16xi32>
        %parallel_loop3A_161 = arith.addi %parallel_loop3A_157, %parallel_loop3A_160 : vector<16xi32>
        %parallel_loop3A_162 = arith.addi %parallel_loop3A_161, %parallel_loop3A_154 : vector<16xi32>
        %parallel_loop3A_163 = vector.broadcast %multiple_of3A : i32 to vector<16xi32>
        %parallel_loop3A_164 = arith.cmpi sge, %parallel_loop3A_162, %parallel_loop3A_163 : vector<16xi32>
        %parallel_loop3A_165 = arith.constant 16896 : i32
        %parallel_loop3A_166 = arith.addi %multiple_of3A, %parallel_loop3A_165 : i32
        %parallel_loop3A_167 = vector.broadcast %parallel_loop3A_166 : i32 to vector<16xi32>
        %parallel_loop3A_168 = arith.cmpi slt, %parallel_loop3A_162, %parallel_loop3A_167 : vector<16xi32>
        %parallel_loop3A_169 = arith.andi %parallel_loop3A_164, %parallel_loop3A_168 : vector<16xi1>
        %parallel_loop3A_170 = vector.broadcast %multiple_of3A : i32 to vector<16xi32>
        %parallel_loop3A_171 = arith.subi %parallel_loop3A_162, %parallel_loop3A_170 : vector<16xi32>
        %parallel_loop3A_172 = arith.constant 0 : i32
        %parallel_loop3A_173 = arith.constant 16895 : i32
        %parallel_loop3A_174 = vector.broadcast %parallel_loop3A_172 : i32 to vector<16xi32>
        %parallel_loop3A_175 = arith.maxsi %parallel_loop3A_174, %parallel_loop3A_171 : vector<16xi32>
        %parallel_loop3A_176 = vector.broadcast %parallel_loop3A_173 : i32 to vector<16xi32>
        %parallel_loop3A_177 = arith.minsi %parallel_loop3A_176, %parallel_loop3A_175 : vector<16xi32>
        %parallel_loop3A_178 = arith.constant 16 : i32
        %parallel_loop3A_179 = arith.muli %parallel_loop3A_136, %parallel_loop3A_178 : i32
        %parallel_loop3A_180 = arith.addi %multiple_of3A_119, %parallel_loop3A_179 : i32
        %parallel_loop3A_181 = vector.broadcast %parallel_loop3A_180 : i32 to vector<16xi32>
        %parallel_loop3A_182 = arith.addi %parallel_loop3A_181, %iota3A : vector<16xi32>
        tpu.vector_store_idx %arg8[%parallel_loop3A_177], %parallel_loop3A_182 masked %parallel_loop3A_169 : memref<16896xi32, #tpu.memory_space<vmem>>[vector<16xi32>], vector<16xi32>, vector<16xi1>
      } {sc.loop_unroll_factor = 2 : i64, sc.parallel_access}
    }
    %scan3A_19 = arith.constant 25 : i32
    %parallel_loop3A = arith.constant 0 : i32
    %parallel_loop3A_20 = arith.constant 384 : i32
    %parallel_loop3A_21 = arith.constant 1 : i32
    scf.for %parallel_loop3A_86 = %parallel_loop3A to %parallel_loop3A_20 step %parallel_loop3A_21  : i32 {
      %parallel_loop3A_87 = arith.constant 0.000000e+00 : f32
      %parallel_loop3A_88 = vector.broadcast %parallel_loop3A_87 : f32 to vector<16xf32>
      %parallel_loop3A_89 = arith.index_cast %parallel_loop3A_86 : i32 to index
      %parallel_loop3A_90 = arith.constant 0 : index
      %parallel_loop3A_91 = tpu.vector_load %arg9[%parallel_loop3A_89, %parallel_loop3A_90] {strides = array<i32>} : memref<384x64xf32, #tpu.memory_space<vmem>>, vector<16xf32>,
      tpu.vector_store %arg9[%parallel_loop3A_89, %parallel_loop3A_90], %parallel_loop3A_88 {strides = array<i32>} : memref<384x64xf32, #tpu.memory_space<vmem>>, vector<16xf32>,
      %parallel_loop3A_92 = arith.constant 0.000000e+00 : f32
      %parallel_loop3A_93 = vector.broadcast %parallel_loop3A_92 : f32 to vector<16xf32>
      %parallel_loop3A_94 = arith.index_cast %parallel_loop3A_86 : i32 to index
      %parallel_loop3A_95 = arith.constant 16 : index
      %parallel_loop3A_96 = tpu.vector_load %arg9[%parallel_loop3A_94, %parallel_loop3A_95] {strides = array<i32>} : memref<384x64xf32, #tpu.memory_space<vmem>>, vector<16xf32>,
      tpu.vector_store %arg9[%parallel_loop3A_94, %parallel_loop3A_95], %parallel_loop3A_93 {strides = array<i32>} : memref<384x64xf32, #tpu.memory_space<vmem>>, vector<16xf32>,
      %parallel_loop3A_97 = arith.constant 0.000000e+00 : f32
      %parallel_loop3A_98 = vector.broadcast %parallel_loop3A_97 : f32 to vector<16xf32>
      %parallel_loop3A_99 = arith.index_cast %parallel_loop3A_86 : i32 to index
      %parallel_loop3A_100 = arith.constant 32 : index
      %parallel_loop3A_101 = tpu.vector_load %arg9[%parallel_loop3A_99, %parallel_loop3A_100] {strides = array<i32>} : memref<384x64xf32, #tpu.memory_space<vmem>>, vector<16xf32>,
      tpu.vector_store %arg9[%parallel_loop3A_99, %parallel_loop3A_100], %parallel_loop3A_98 {strides = array<i32>} : memref<384x64xf32, #tpu.memory_space<vmem>>, vector<16xf32>,
      %parallel_loop3A_102 = arith.constant 0.000000e+00 : f32
      %parallel_loop3A_103 = vector.broadcast %parallel_loop3A_102 : f32 to vector<16xf32>
      %parallel_loop3A_104 = arith.index_cast %parallel_loop3A_86 : i32 to index
      %parallel_loop3A_105 = arith.constant 48 : index
      %parallel_loop3A_106 = tpu.vector_load %arg9[%parallel_loop3A_104, %parallel_loop3A_105] {strides = array<i32>} : memref<384x64xf32, #tpu.memory_space<vmem>>, vector<16xf32>,
      tpu.vector_store %arg9[%parallel_loop3A_104, %parallel_loop3A_105], %parallel_loop3A_103 {strides = array<i32>} : memref<384x64xf32, #tpu.memory_space<vmem>>, vector<16xf32>,
    } {sc.loop_unroll_factor = 4 : i64, sc.parallel_access}
    %dma_start3A_22 = arith.constant 0 : i32
    %dma_start3A_23 = arith.constant 0 : i32
    %dma_start3A_24 = tpu.memref_slice %arg9[%dma_start3A_22, %dma_start3A_23] : memref<384x64xf32, #tpu.memory_space<vmem>> -> memref<128x64xf32, #tpu.memory_space<vmem>>
    %dma_start3A_25 = arith.constant 0 : i32
    %dma_start3A_26 = tpu.memref_slice %arg8[%dma_start3A_25] : memref<16896xi32, #tpu.memory_space<vmem>> -> memref<128xi32, #tpu.memory_space<vmem>>
    %dma_start3A_27 = arith.constant 0 : i32
    %dma_start3A_28 = arith.constant 0 : i32
    %dma_start3A_29 = tpu.memref_slice %arg2[%dma_start3A_27, %dma_start3A_28] : memref<120000x64xf32, #tpu.memory_space<hbm>> -> memref<120000x64xf32, #tpu.memory_space<hbm>>
    %dma_start3A_30 = arith.constant -1 : i32
    tpu.enqueue_indirect_dma source(%dma_start3A_29 : memref<120000x64xf32, #tpu.memory_space<hbm>>) target(%dma_start3A_24 : memref<128x64xf32, #tpu.memory_space<vmem>>) offsets(%dma_start3A_26 : memref<128xi32, #tpu.memory_space<vmem>>) offset_filter(%dma_start3A_30) semaphore(%arg15 : memref<!tpu.dma_semaphore, #tpu.memory_space<semaphore_mem>>)
    %dma_start3A_31 = arith.constant 128 : i32
    %dma_start3A_32 = arith.constant 0 : i32
    %dma_start3A_33 = tpu.memref_slice %arg9[%dma_start3A_31, %dma_start3A_32] : memref<384x64xf32, #tpu.memory_space<vmem>> -> memref<128x64xf32, #tpu.memory_space<vmem>>
    %dma_start3A_34 = arith.constant 128 : i32
    %dma_start3A_35 = tpu.memref_slice %arg8[%dma_start3A_34] : memref<16896xi32, #tpu.memory_space<vmem>> -> memref<128xi32, #tpu.memory_space<vmem>>
    %dma_start3A_36 = arith.constant 0 : i32
    %dma_start3A_37 = arith.constant 0 : i32
    %dma_start3A_38 = tpu.memref_slice %arg2[%dma_start3A_36, %dma_start3A_37] : memref<120000x64xf32, #tpu.memory_space<hbm>> -> memref<120000x64xf32, #tpu.memory_space<hbm>>
    %dma_start3A_39 = arith.constant -1 : i32
    tpu.enqueue_indirect_dma source(%dma_start3A_38 : memref<120000x64xf32, #tpu.memory_space<hbm>>) target(%dma_start3A_33 : memref<128x64xf32, #tpu.memory_space<vmem>>) offsets(%dma_start3A_35 : memref<128xi32, #tpu.memory_space<vmem>>) offset_filter(%dma_start3A_39) semaphore(%arg15 : memref<!tpu.dma_semaphore, #tpu.memory_space<semaphore_mem>>)
    %dma_start3A_40 = arith.constant 256 : i32
    %dma_start3A_41 = arith.constant 0 : i32
    %dma_start3A_42 = tpu.memref_slice %arg9[%dma_start3A_40, %dma_start3A_41] : memref<384x64xf32, #tpu.memory_space<vmem>> -> memref<128x64xf32, #tpu.memory_space<vmem>>
    %dma_start3A_43 = arith.constant 256 : i32
    %dma_start3A_44 = tpu.memref_slice %arg8[%dma_start3A_43] : memref<16896xi32, #tpu.memory_space<vmem>> -> memref<128xi32, #tpu.memory_space<vmem>>
    %dma_start3A_45 = arith.constant 0 : i32
    %dma_start3A_46 = arith.constant 0 : i32
    %dma_start3A_47 = tpu.memref_slice %arg2[%dma_start3A_45, %dma_start3A_46] : memref<120000x64xf32, #tpu.memory_space<hbm>> -> memref<120000x64xf32, #tpu.memory_space<hbm>>
    %dma_start3A_48 = arith.constant -1 : i32
    tpu.enqueue_indirect_dma source(%dma_start3A_47 : memref<120000x64xf32, #tpu.memory_space<hbm>>) target(%dma_start3A_42 : memref<128x64xf32, #tpu.memory_space<vmem>>) offsets(%dma_start3A_44 : memref<128xi32, #tpu.memory_space<vmem>>) offset_filter(%dma_start3A_48) semaphore(%arg15 : memref<!tpu.dma_semaphore, #tpu.memory_space<semaphore_mem>>)
    %scan3A_49 = arith.constant 0 : i32
    %scan3A_50 = arith.constant 0 : i32
    %scan3A_51 = arith.constant 22 : i32
    %scan3A_52 = arith.addi %scan3A_50, %scan3A_51 : i32
    %scan3A_53 = arith.constant 1 : i32
    scf.for %scan3A_86 = %scan3A_50 to %scan3A_52 step %scan3A_53  : i32 {
      %mul3A_87 = arith.constant 2 : i32
      %mul3A_88 = arith.muli %scan3A_86, %mul3A_87 : i32
      %add3A_89 = arith.constant 0 : i32
      %add3A_90 = arith.addi %mul3A_88, %add3A_89 : i32
      %mul3A_91 = arith.constant 384 : i32
      %mul3A_92 = arith.muli %add3A_90, %mul3A_91 : i32
      %add3A_93 = arith.addi %multiple_of3A, %mul3A_92 : i32
      %multiple_of3A_94 = tpu.assume_multiple %add3A_93, 128 : i32
      %add3A_95 = arith.constant 1 : i32
      %add3A_96 = arith.addi %add3A_90, %add3A_95 : i32
      %lt3A = arith.constant 44 : i32
      %lt3A_97 = arith.cmpi slt, %add3A_96, %lt3A : i32
      %convert_element_type3A = arith.extui %lt3A_97 : i1 to i32
      %cond3A = arith.constant 0 : i32
      %cond3A_98 = arith.cmpi ne, %convert_element_type3A, %cond3A : i32
      scf.if %cond3A_98 {
        %add3A_970 = arith.constant 1 : i32
        %add3A_971 = arith.addi %add3A_90, %add3A_970 : i32
        %parallel_loop3A_972 = arith.constant 0 : i32
        %parallel_loop3A_973 = arith.constant 384 : i32
        %parallel_loop3A_974 = arith.constant 1 : i32
        scf.for %parallel_loop3A_1011 = %parallel_loop3A_972 to %parallel_loop3A_973 step %parallel_loop3A_974  : i32 {
          %parallel_loop3A_1012 = arith.constant 0.000000e+00 : f32
          %parallel_loop3A_1013 = vector.broadcast %parallel_loop3A_1012 : f32 to vector<16xf32>
          %parallel_loop3A_1014 = arith.index_cast %parallel_loop3A_1011 : i32 to index
          %parallel_loop3A_1015 = arith.constant 0 : index
          %parallel_loop3A_1016 = tpu.vector_load %arg10[%parallel_loop3A_1014, %parallel_loop3A_1015] {strides = array<i32>} : memref<384x64xf32, #tpu.memory_space<vmem>>, vector<16xf32>,
          tpu.vector_store %arg10[%parallel_loop3A_1014, %parallel_loop3A_1015], %parallel_loop3A_1013 {strides = array<i32>} : memref<384x64xf32, #tpu.memory_space<vmem>>, vector<16xf32>,
          %parallel_loop3A_1017 = arith.constant 0.000000e+00 : f32
          %parallel_loop3A_1018 = vector.broadcast %parallel_loop3A_1017 : f32 to vector<16xf32>
          %parallel_loop3A_1019 = arith.index_cast %parallel_loop3A_1011 : i32 to index
          %parallel_loop3A_1020 = arith.constant 16 : index
          %parallel_loop3A_1021 = tpu.vector_load %arg10[%parallel_loop3A_1019, %parallel_loop3A_1020] {strides = array<i32>} : memref<384x64xf32, #tpu.memory_space<vmem>>, vector<16xf32>,
          tpu.vector_store %arg10[%parallel_loop3A_1019, %parallel_loop3A_1020], %parallel_loop3A_1018 {strides = array<i32>} : memref<384x64xf32, #tpu.memory_space<vmem>>, vector<16xf32>,
          %parallel_loop3A_1022 = arith.constant 0.000000e+00 : f32
          %parallel_loop3A_1023 = vector.broadcast %parallel_loop3A_1022 : f32 to vector<16xf32>
          %parallel_loop3A_1024 = arith.index_cast %parallel_loop3A_1011 : i32 to index
          %parallel_loop3A_1025 = arith.constant 32 : index
          %parallel_loop3A_1026 = tpu.vector_load %arg10[%parallel_loop3A_1024, %parallel_loop3A_1025] {strides = array<i32>} : memref<384x64xf32, #tpu.memory_space<vmem>>, vector<16xf32>,
          tpu.vector_store %arg10[%parallel_loop3A_1024, %parallel_loop3A_1025], %parallel_loop3A_1023 {strides = array<i32>} : memref<384x64xf32, #tpu.memory_space<vmem>>, vector<16xf32>,
          %parallel_loop3A_1027 = arith.constant 0.000000e+00 : f32
          %parallel_loop3A_1028 = vector.broadcast %parallel_loop3A_1027 : f32 to vector<16xf32>
          %parallel_loop3A_1029 = arith.index_cast %parallel_loop3A_1011 : i32 to index
          %parallel_loop3A_1030 = arith.constant 48 : index
          %parallel_loop3A_1031 = tpu.vector_load %arg10[%parallel_loop3A_1029, %parallel_loop3A_1030] {strides = array<i32>} : memref<384x64xf32, #tpu.memory_space<vmem>>, vector<16xf32>,
          tpu.vector_store %arg10[%parallel_loop3A_1029, %parallel_loop3A_1030], %parallel_loop3A_1028 {strides = array<i32>} : memref<384x64xf32, #tpu.memory_space<vmem>>, vector<16xf32>,
        } {sc.loop_unroll_factor = 4 : i64, sc.parallel_access}
        %mul3A_975 = arith.constant 384 : i32
        %mul3A_976 = arith.muli %add3A_971, %mul3A_975 : i32
        %add3A_977 = arith.constant 0 : i32
        %add3A_978 = arith.addi %mul3A_976, %add3A_977 : i32
        %dma_start3A_979 = arith.constant 0 : i32
        %dma_start3A_980 = arith.constant 0 : i32
        %dma_start3A_981 = tpu.memref_slice %arg10[%dma_start3A_979, %dma_start3A_980] : memref<384x64xf32, #tpu.memory_space<vmem>> -> memref<128x64xf32, #tpu.memory_space<vmem>>
        %dma_start3A_982 = tpu.memref_slice %arg8[%add3A_978] : memref<16896xi32, #tpu.memory_space<vmem>> -> memref<128xi32, #tpu.memory_space<vmem>>
        %dma_start3A_983 = arith.constant 0 : i32
        %dma_start3A_984 = arith.constant 0 : i32
        %dma_start3A_985 = tpu.memref_slice %arg2[%dma_start3A_983, %dma_start3A_984] : memref<120000x64xf32, #tpu.memory_space<hbm>> -> memref<120000x64xf32, #tpu.memory_space<hbm>>
        %dma_start3A_986 = arith.constant -1 : i32
        tpu.enqueue_indirect_dma source(%dma_start3A_985 : memref<120000x64xf32, #tpu.memory_space<hbm>>) target(%dma_start3A_981 : memref<128x64xf32, #tpu.memory_space<vmem>>) offsets(%dma_start3A_982 : memref<128xi32, #tpu.memory_space<vmem>>) offset_filter(%dma_start3A_986) semaphore(%arg16 : memref<!tpu.dma_semaphore, #tpu.memory_space<semaphore_mem>>)
        %mul3A_987 = arith.constant 384 : i32
        %mul3A_988 = arith.muli %add3A_971, %mul3A_987 : i32
        %add3A_989 = arith.constant 128 : i32
        %add3A_990 = arith.addi %mul3A_988, %add3A_989 : i32
        %dma_start3A_991 = arith.constant 128 : i32
        %dma_start3A_992 = arith.constant 0 : i32
        %dma_start3A_993 = tpu.memref_slice %arg10[%dma_start3A_991, %dma_start3A_992] : memref<384x64xf32, #tpu.memory_space<vmem>> -> memref<128x64xf32, #tpu.memory_space<vmem>>
        %dma_start3A_994 = tpu.memref_slice %arg8[%add3A_990] : memref<16896xi32, #tpu.memory_space<vmem>> -> memref<128xi32, #tpu.memory_space<vmem>>
        %dma_start3A_995 = arith.constant 0 : i32
        %dma_start3A_996 = arith.constant 0 : i32
        %dma_start3A_997 = tpu.memref_slice %arg2[%dma_start3A_995, %dma_start3A_996] : memref<120000x64xf32, #tpu.memory_space<hbm>> -> memref<120000x64xf32, #tpu.memory_space<hbm>>
        %dma_start3A_998 = arith.constant -1 : i32
        tpu.enqueue_indirect_dma source(%dma_start3A_997 : memref<120000x64xf32, #tpu.memory_space<hbm>>) target(%dma_start3A_993 : memref<128x64xf32, #tpu.memory_space<vmem>>) offsets(%dma_start3A_994 : memref<128xi32, #tpu.memory_space<vmem>>) offset_filter(%dma_start3A_998) semaphore(%arg16 : memref<!tpu.dma_semaphore, #tpu.memory_space<semaphore_mem>>)
        %mul3A_999 = arith.constant 384 : i32
        %mul3A_1000 = arith.muli %add3A_971, %mul3A_999 : i32
        %add3A_1001 = arith.constant 256 : i32
        %add3A_1002 = arith.addi %mul3A_1000, %add3A_1001 : i32
        %dma_start3A_1003 = arith.constant 256 : i32
        %dma_start3A_1004 = arith.constant 0 : i32
        %dma_start3A_1005 = tpu.memref_slice %arg10[%dma_start3A_1003, %dma_start3A_1004] : memref<384x64xf32, #tpu.memory_space<vmem>> -> memref<128x64xf32, #tpu.memory_space<vmem>>
        %dma_start3A_1006 = tpu.memref_slice %arg8[%add3A_1002] : memref<16896xi32, #tpu.memory_space<vmem>> -> memref<128xi32, #tpu.memory_space<vmem>>
        %dma_start3A_1007 = arith.constant 0 : i32
        %dma_start3A_1008 = arith.constant 0 : i32
        %dma_start3A_1009 = tpu.memref_slice %arg2[%dma_start3A_1007, %dma_start3A_1008] : memref<120000x64xf32, #tpu.memory_space<hbm>> -> memref<120000x64xf32, #tpu.memory_space<hbm>>
        %dma_start3A_1010 = arith.constant -1 : i32
        tpu.enqueue_indirect_dma source(%dma_start3A_1009 : memref<120000x64xf32, #tpu.memory_space<hbm>>) target(%dma_start3A_1005 : memref<128x64xf32, #tpu.memory_space<vmem>>) offsets(%dma_start3A_1006 : memref<128xi32, #tpu.memory_space<vmem>>) offset_filter(%dma_start3A_1010) semaphore(%arg16 : memref<!tpu.dma_semaphore, #tpu.memory_space<semaphore_mem>>)
      } else {
      }
      %dma_wait3A_99 = arith.constant 0 : i32
      %dma_wait3A_100 = arith.constant 0 : i32
      %dma_wait3A_101 = tpu.memref_slice %arg9[%dma_wait3A_99, %dma_wait3A_100] : memref<384x64xf32, #tpu.memory_space<vmem>> -> memref<128x64xf32, #tpu.memory_space<vmem>>
      %dma_wait3A_102 = arith.constant 0 : i32
      %dma_wait3A_103 = tpu.memref_slice %arg8[%dma_wait3A_102] : memref<16896xi32, #tpu.memory_space<vmem>> -> memref<128xi32, #tpu.memory_space<vmem>>
      %dma_wait3A_104 = arith.constant 0 : i32
      %dma_wait3A_105 = arith.constant 0 : i32
      %dma_wait3A_106 = tpu.memref_slice %arg2[%dma_wait3A_104, %dma_wait3A_105] : memref<120000x64xf32, #tpu.memory_space<hbm>> -> memref<120000x64xf32, #tpu.memory_space<hbm>>
      tpu.wait_indirect_dma semaphore(%arg15 : memref<!tpu.dma_semaphore, #tpu.memory_space<semaphore_mem>>) src(%dma_wait3A_106 : memref<120000x64xf32, #tpu.memory_space<hbm>>) dst(%dma_wait3A_101 : memref<128x64xf32, #tpu.memory_space<vmem>>)
      %dma_wait3A_107 = arith.constant 128 : i32
      %dma_wait3A_108 = arith.constant 0 : i32
      %dma_wait3A_109 = tpu.memref_slice %arg9[%dma_wait3A_107, %dma_wait3A_108] : memref<384x64xf32, #tpu.memory_space<vmem>> -> memref<128x64xf32, #tpu.memory_space<vmem>>
      %dma_wait3A_110 = arith.constant 128 : i32
      %dma_wait3A_111 = tpu.memref_slice %arg8[%dma_wait3A_110] : memref<16896xi32, #tpu.memory_space<vmem>> -> memref<128xi32, #tpu.memory_space<vmem>>
      %dma_wait3A_112 = arith.constant 0 : i32
      %dma_wait3A_113 = arith.constant 0 : i32
      %dma_wait3A_114 = tpu.memref_slice %arg2[%dma_wait3A_112, %dma_wait3A_113] : memref<120000x64xf32, #tpu.memory_space<hbm>> -> memref<120000x64xf32, #tpu.memory_space<hbm>>
      tpu.wait_indirect_dma semaphore(%arg15 : memref<!tpu.dma_semaphore, #tpu.memory_space<semaphore_mem>>) src(%dma_wait3A_114 : memref<120000x64xf32, #tpu.memory_space<hbm>>) dst(%dma_wait3A_109 : memref<128x64xf32, #tpu.memory_space<vmem>>)
      %dma_wait3A_115 = arith.constant 256 : i32
      %dma_wait3A_116 = arith.constant 0 : i32
      %dma_wait3A_117 = tpu.memref_slice %arg9[%dma_wait3A_115, %dma_wait3A_116] : memref<384x64xf32, #tpu.memory_space<vmem>> -> memref<128x64xf32, #tpu.memory_space<vmem>>
      %dma_wait3A_118 = arith.constant 256 : i32
      %dma_wait3A_119 = tpu.memref_slice %arg8[%dma_wait3A_118] : memref<16896xi32, #tpu.memory_space<vmem>> -> memref<128xi32, #tpu.memory_space<vmem>>
      %dma_wait3A_120 = arith.constant 0 : i32
      %dma_wait3A_121 = arith.constant 0 : i32
      %dma_wait3A_122 = tpu.memref_slice %arg2[%dma_wait3A_120, %dma_wait3A_121] : memref<120000x64xf32, #tpu.memory_space<hbm>> -> memref<120000x64xf32, #tpu.memory_space<hbm>>
      tpu.wait_indirect_dma semaphore(%arg15 : memref<!tpu.dma_semaphore, #tpu.memory_space<semaphore_mem>>) src(%dma_wait3A_122 : memref<120000x64xf32, #tpu.memory_space<hbm>>) dst(%dma_wait3A_117 : memref<128x64xf32, #tpu.memory_space<vmem>>)
      %ge3A = arith.constant 2 : i32
      %ge3A_123 = arith.cmpi sge, %add3A_90, %ge3A : i32
      %convert_element_type3A_124 = arith.extui %ge3A_123 : i1 to i32
      %cond3A_125 = arith.constant 0 : i32
      %cond3A_126 = arith.cmpi ne, %convert_element_type3A_124, %cond3A_125 : i32
      scf.if %cond3A_126 {
        %mul3A_970 = arith.constant 64 : i32
        %mul3A_971 = arith.muli %arg0, %mul3A_970 : i32
        %dma_wait3A_972 = arith.constant 0 : i32
        %dma_wait3A_973 = arith.constant 0 : i32
        %dma_wait3A_974 = tpu.memref_slice %arg11[%dma_wait3A_972, %dma_wait3A_973] : memref<64x385xf32, #tpu.memory_space<vmem>> -> memref<64x384xf32, #tpu.memory_space<vmem>>
        %dma_wait3A_975 = arith.constant 0 : i32
        %dma_wait3A_976 = tpu.memref_slice %arg4[%mul3A_971, %dma_wait3A_975] : memref<128x259200xf32, #tpu.memory_space<hbm>> -> memref<64x384xf32, #tpu.memory_space<hbm>>
        %dma_wait3A_977 = arith.constant 0 : i32
        %dma_wait3A_978 = tpu.memref_slice %arg4[%mul3A_971, %dma_wait3A_977] : memref<128x259200xf32, #tpu.memory_space<hbm>> -> memref<64x384xf32, #tpu.memory_space<hbm>>
        %dma_wait3A_979 = arith.constant 0 : i32
        %dma_wait3A_980 = arith.constant 0 : i32
        %dma_wait3A_981 = tpu.memref_slice %arg11[%dma_wait3A_979, %dma_wait3A_980] : memref<64x385xf32, #tpu.memory_space<vmem>> -> memref<64x384xf32, #tpu.memory_space<vmem>>
        tpu.wait_dma2 semaphore(%arg17 : memref<!tpu.dma_semaphore, #tpu.memory_space<semaphore_mem>>) src(%dma_wait3A_981 : memref<64x384xf32, #tpu.memory_space<vmem>>) dst(%dma_wait3A_978 : memref<64x384xf32, #tpu.memory_space<hbm>>)
        %dma_wait3A_982 = arith.constant 0 : i32
        %dma_wait3A_983 = tpu.memref_slice %arg5[%dma_wait3A_982] : memref<518400xi32, #tpu.memory_space<hbm>> -> memref<384xi32, #tpu.memory_space<hbm>>
        %dma_wait3A_984 = arith.constant 0 : i32
        %dma_wait3A_985 = tpu.memref_slice %arg5[%dma_wait3A_984] : memref<518400xi32, #tpu.memory_space<hbm>> -> memref<384xi32, #tpu.memory_space<hbm>>
        tpu.wait_dma2 semaphore(%arg17 : memref<!tpu.dma_semaphore, #tpu.memory_space<semaphore_mem>>) src(%arg13 : memref<384xi32, #tpu.memory_space<vmem>>) dst(%dma_wait3A_985 : memref<384xi32, #tpu.memory_space<hbm>>)
      } else {
      }
      %parallel_loop3A_127 = arith.constant 0 : i32
      %parallel_loop3A_128 = arith.constant 384 : i32
      %parallel_loop3A_129 = arith.constant 1 : i32
      scf.for %parallel_loop3A_970 = %parallel_loop3A_127 to %parallel_loop3A_128 step %parallel_loop3A_129  : i32 {
        %parallel_loop3A_971 = arith.constant 0 : i32
        %parallel_loop3A_972 = vector.broadcast %parallel_loop3A_971 : i32 to vector<16xi32>
        %parallel_loop3A_973 = vector.broadcast %parallel_loop3A_970 : i32 to vector<16xi32>
        %parallel_loop3A_974 = arith.addi %parallel_loop3A_972, %parallel_loop3A_973 : vector<16xi32>
        %parallel_loop3A_975 = arith.constant 0 : i32
        %parallel_loop3A_976 = vector.broadcast %parallel_loop3A_975 : i32 to vector<16xi32>
        %parallel_loop3A_977 = arith.addi %iota3A, %parallel_loop3A_976 : vector<16xi32>
        %parallel_loop3A_978 = arith.index_cast %parallel_loop3A_970 : i32 to index
        %parallel_loop3A_979 = arith.constant 0 : index
        %parallel_loop3A_980 = tpu.vector_load %arg9[%parallel_loop3A_978, %parallel_loop3A_979] {strides = array<i32>} : memref<384x64xf32, #tpu.memory_space<vmem>>, vector<16xf32>,
        tpu.vector_store_idx %arg11[%parallel_loop3A_977, %parallel_loop3A_974], %parallel_loop3A_980 : memref<64x385xf32, #tpu.memory_space<vmem>>[vector<16xi32>, vector<16xi32>], vector<16xf32>,
        %parallel_loop3A_981 = arith.constant 16 : i32
        %parallel_loop3A_982 = vector.broadcast %parallel_loop3A_981 : i32 to vector<16xi32>
        %parallel_loop3A_983 = arith.addi %iota3A, %parallel_loop3A_982 : vector<16xi32>
        %parallel_loop3A_984 = arith.index_cast %parallel_loop3A_970 : i32 to index
        %parallel_loop3A_985 = arith.constant 16 : index
        %parallel_loop3A_986 = tpu.vector_load %arg9[%parallel_loop3A_984, %parallel_loop3A_985] {strides = array<i32>} : memref<384x64xf32, #tpu.memory_space<vmem>>, vector<16xf32>,
        tpu.vector_store_idx %arg11[%parallel_loop3A_983, %parallel_loop3A_974], %parallel_loop3A_986 : memref<64x385xf32, #tpu.memory_space<vmem>>[vector<16xi32>, vector<16xi32>], vector<16xf32>,
        %parallel_loop3A_987 = arith.constant 32 : i32
        %parallel_loop3A_988 = vector.broadcast %parallel_loop3A_987 : i32 to vector<16xi32>
        %parallel_loop3A_989 = arith.addi %iota3A, %parallel_loop3A_988 : vector<16xi32>
        %parallel_loop3A_990 = arith.index_cast %parallel_loop3A_970 : i32 to index
        %parallel_loop3A_991 = arith.constant 32 : index
        %parallel_loop3A_992 = tpu.vector_load %arg9[%parallel_loop3A_990, %parallel_loop3A_991] {strides = array<i32>} : memref<384x64xf32, #tpu.memory_space<vmem>>, vector<16xf32>,
        tpu.vector_store_idx %arg11[%parallel_loop3A_989, %parallel_loop3A_974], %parallel_loop3A_992 : memref<64x385xf32, #tpu.memory_space<vmem>>[vector<16xi32>, vector<16xi32>], vector<16xf32>,
        %parallel_loop3A_993 = arith.constant 48 : i32
        %parallel_loop3A_994 = vector.broadcast %parallel_loop3A_993 : i32 to vector<16xi32>
        %parallel_loop3A_995 = arith.addi %iota3A, %parallel_loop3A_994 : vector<16xi32>
        %parallel_loop3A_996 = arith.index_cast %parallel_loop3A_970 : i32 to index
        %parallel_loop3A_997 = arith.constant 48 : index
        %parallel_loop3A_998 = tpu.vector_load %arg9[%parallel_loop3A_996, %parallel_loop3A_997] {strides = array<i32>} : memref<384x64xf32, #tpu.memory_space<vmem>>, vector<16xf32>,
        tpu.vector_store_idx %arg11[%parallel_loop3A_995, %parallel_loop3A_974], %parallel_loop3A_998 : memref<64x385xf32, #tpu.memory_space<vmem>>[vector<16xi32>, vector<16xi32>], vector<16xf32>,
      } {sc.loop_unroll_factor = 4 : i64, sc.parallel_access}
      %mul3A_130 = arith.constant 384 : i32
      %mul3A_131 = arith.muli %add3A_90, %mul3A_130 : i32
      %add3A_132 = arith.constant 0 : i32
      %add3A_133 = arith.addi %mul3A_131, %add3A_132 : i32
      %get3A = arith.index_cast %add3A_133 : i32 to index
      %get3A_134 = tpu.vector_load %arg8[%get3A] {strides = array<i32>} : memref<16896xi32, #tpu.memory_space<vmem>>, vector<16xi32>,
      %ge3A_135 = arith.constant 0 : i32
      %ge3A_136 = vector.broadcast %ge3A_135 : i32 to vector<16xi32>
      %ge3A_137 = arith.cmpi sge, %get3A_134, %ge3A_136 : vector<16xi32>
      %jit3A = arith.constant 1 : i32
      %jit3A_138 = arith.constant 0 : i32
      %broadcast_in_dim3A = vector.broadcast %jit3A : i32 to vector<16xi32>
      %broadcast_in_dim3A_139 = vector.broadcast %jit3A_138 : i32 to vector<16xi32>
      %select_n3A = arith.select %ge3A_137, %broadcast_in_dim3A, %broadcast_in_dim3A_139 : vector<16xi1>, vector<16xi32>
      %swap3A = arith.constant 0 : index
      %swap3A_140 = tpu.vector_load %arg13[%swap3A] {strides = array<i32>} : memref<384xi32, #tpu.memory_space<vmem>>, vector<16xi32>,
      tpu.vector_store %arg13[%swap3A], %select_n3A {strides = array<i32>} : memref<384xi32, #tpu.memory_space<vmem>>, vector<16xi32>,
      %mul3A_141 = arith.constant 384 : i32
      %mul3A_142 = arith.muli %add3A_90, %mul3A_141 : i32
      %add3A_143 = arith.constant 16 : i32
      %add3A_144 = arith.addi %mul3A_142, %add3A_143 : i32
      %get3A_145 = arith.index_cast %add3A_144 : i32 to index
      %get3A_146 = tpu.vector_load %arg8[%get3A_145] {strides = array<i32>} : memref<16896xi32, #tpu.memory_space<vmem>>, vector<16xi32>,
      %ge3A_147 = arith.constant 0 : i32
      %ge3A_148 = vector.broadcast %ge3A_147 : i32 to vector<16xi32>
      %ge3A_149 = arith.cmpi sge, %get3A_146, %ge3A_148 : vector<16xi32>
      %jit3A_150 = arith.constant 1 : i32
      %jit3A_151 = arith.constant 0 : i32
      %broadcast_in_dim3A_152 = vector.broadcast %jit3A_150 : i32 to vector<16xi32>
      %broadcast_in_dim3A_153 = vector.broadcast %jit3A_151 : i32 to vector<16xi32>
      %select_n3A_154 = arith.select %ge3A_149, %broadcast_in_dim3A_152, %broadcast_in_dim3A_153 : vector<16xi1>, vector<16xi32>
      %swap3A_155 = arith.constant 16 : index
      %swap3A_156 = tpu.vector_load %arg13[%swap3A_155] {strides = array<i32>} : memref<384xi32, #tpu.memory_space<vmem>>, vector<16xi32>,
      tpu.vector_store %arg13[%swap3A_155], %select_n3A_154 {strides = array<i32>} : memref<384xi32, #tpu.memory_space<vmem>>, vector<16xi32>,
      %mul3A_157 = arith.constant 384 : i32
      %mul3A_158 = arith.muli %add3A_90, %mul3A_157 : i32
      %add3A_159 = arith.constant 32 : i32
      %add3A_160 = arith.addi %mul3A_158, %add3A_159 : i32
      %get3A_161 = arith.index_cast %add3A_160 : i32 to index
      %get3A_162 = tpu.vector_load %arg8[%get3A_161] {strides = array<i32>} : memref<16896xi32, #tpu.memory_space<vmem>>, vector<16xi32>,
      %ge3A_163 = arith.constant 0 : i32
      %ge3A_164 = vector.broadcast %ge3A_163 : i32 to vector<16xi32>
      %ge3A_165 = arith.cmpi sge, %get3A_162, %ge3A_164 : vector<16xi32>
      %jit3A_166 = arith.constant 1 : i32
      %jit3A_167 = arith.constant 0 : i32
      %broadcast_in_dim3A_168 = vector.broadcast %jit3A_166 : i32 to vector<16xi32>
      %broadcast_in_dim3A_169 = vector.broadcast %jit3A_167 : i32 to vector<16xi32>
      %select_n3A_170 = arith.select %ge3A_165, %broadcast_in_dim3A_168, %broadcast_in_dim3A_169 : vector<16xi1>, vector<16xi32>
      %swap3A_171 = arith.constant 32 : index
      %swap3A_172 = tpu.vector_load %arg13[%swap3A_171] {strides = array<i32>} : memref<384xi32, #tpu.memory_space<vmem>>, vector<16xi32>,
      tpu.vector_store %arg13[%swap3A_171], %select_n3A_170 {strides = array<i32>} : memref<384xi32, #tpu.memory_space<vmem>>, vector<16xi32>,
      %mul3A_173 = arith.constant 384 : i32
      %mul3A_174 = arith.muli %add3A_90, %mul3A_173 : i32
      %add3A_175 = arith.constant 48 : i32
      %add3A_176 = arith.addi %mul3A_174, %add3A_175 : i32
      %get3A_177 = arith.index_cast %add3A_176 : i32 to index
      %get3A_178 = tpu.vector_load %arg8[%get3A_177] {strides = array<i32>} : memref<16896xi32, #tpu.memory_space<vmem>>, vector<16xi32>,
      %ge3A_179 = arith.constant 0 : i32
      %ge3A_180 = vector.broadcast %ge3A_179 : i32 to vector<16xi32>
      %ge3A_181 = arith.cmpi sge, %get3A_178, %ge3A_180 : vector<16xi32>
      %jit3A_182 = arith.constant 1 : i32
      %jit3A_183 = arith.constant 0 : i32
      %broadcast_in_dim3A_184 = vector.broadcast %jit3A_182 : i32 to vector<16xi32>
      %broadcast_in_dim3A_185 = vector.broadcast %jit3A_183 : i32 to vector<16xi32>
      %select_n3A_186 = arith.select %ge3A_181, %broadcast_in_dim3A_184, %broadcast_in_dim3A_185 : vector<16xi1>, vector<16xi32>
      %swap3A_187 = arith.constant 48 : index
      %swap3A_188 = tpu.vector_load %arg13[%swap3A_187] {strides = array<i32>} : memref<384xi32, #tpu.memory_space<vmem>>, vector<16xi32>,
      tpu.vector_store %arg13[%swap3A_187], %select_n3A_186 {strides = array<i32>} : memref<384xi32, #tpu.memory_space<vmem>>, vector<16xi32>,
      %mul3A_189 = arith.constant 384 : i32
      %mul3A_190 = arith.muli %add3A_90, %mul3A_189 : i32
      %add3A_191 = arith.constant 64 : i32
      %add3A_192 = arith.addi %mul3A_190, %add3A_191 : i32
      %get3A_193 = arith.index_cast %add3A_192 : i32 to index
      %get3A_194 = tpu.vector_load %arg8[%get3A_193] {strides = array<i32>} : memref<16896xi32, #tpu.memory_space<vmem>>, vector<16xi32>,
      %ge3A_195 = arith.constant 0 : i32
      %ge3A_196 = vector.broadcast %ge3A_195 : i32 to vector<16xi32>
      %ge3A_197 = arith.cmpi sge, %get3A_194, %ge3A_196 : vector<16xi32>
      %jit3A_198 = arith.constant 1 : i32
      %jit3A_199 = arith.constant 0 : i32
      %broadcast_in_dim3A_200 = vector.broadcast %jit3A_198 : i32 to vector<16xi32>
      %broadcast_in_dim3A_201 = vector.broadcast %jit3A_199 : i32 to vector<16xi32>
      %select_n3A_202 = arith.select %ge3A_197, %broadcast_in_dim3A_200, %broadcast_in_dim3A_201 : vector<16xi1>, vector<16xi32>
      %swap3A_203 = arith.constant 64 : index
      %swap3A_204 = tpu.vector_load %arg13[%swap3A_203] {strides = array<i32>} : memref<384xi32, #tpu.memory_space<vmem>>, vector<16xi32>,
      tpu.vector_store %arg13[%swap3A_203], %select_n3A_202 {strides = array<i32>} : memref<384xi32, #tpu.memory_space<vmem>>, vector<16xi32>,
      %mul3A_205 = arith.constant 384 : i32
      %mul3A_206 = arith.muli %add3A_90, %mul3A_205 : i32
      %add3A_207 = arith.constant 80 : i32
      %add3A_208 = arith.addi %mul3A_206, %add3A_207 : i32
      %get3A_209 = arith.index_cast %add3A_208 : i32 to index
      %get3A_210 = tpu.vector_load %arg8[%get3A_209] {strides = array<i32>} : memref<16896xi32, #tpu.memory_space<vmem>>, vector<16xi32>,
      %ge3A_211 = arith.constant 0 : i32
      %ge3A_212 = vector.broadcast %ge3A_211 : i32 to vector<16xi32>
      %ge3A_213 = arith.cmpi sge, %get3A_210, %ge3A_212 : vector<16xi32>
      %jit3A_214 = arith.constant 1 : i32
      %jit3A_215 = arith.constant 0 : i32
      %broadcast_in_dim3A_216 = vector.broadcast %jit3A_214 : i32 to vector<16xi32>
      %broadcast_in_dim3A_217 = vector.broadcast %jit3A_215 : i32 to vector<16xi32>
      %select_n3A_218 = arith.select %ge3A_213, %broadcast_in_dim3A_216, %broadcast_in_dim3A_217 : vector<16xi1>, vector<16xi32>
      %swap3A_219 = arith.constant 80 : index
      %swap3A_220 = tpu.vector_load %arg13[%swap3A_219] {strides = array<i32>} : memref<384xi32, #tpu.memory_space<vmem>>, vector<16xi32>,
      tpu.vector_store %arg13[%swap3A_219], %select_n3A_218 {strides = array<i32>} : memref<384xi32, #tpu.memory_space<vmem>>, vector<16xi32>,
      %mul3A_221 = arith.constant 384 : i32
      %mul3A_222 = arith.muli %add3A_90, %mul3A_221 : i32
      %add3A_223 = arith.constant 96 : i32
      %add3A_224 = arith.addi %mul3A_222, %add3A_223 : i32
      %get3A_225 = arith.index_cast %add3A_224 : i32 to index
      %get3A_226 = tpu.vector_load %arg8[%get3A_225] {strides = array<i32>} : memref<16896xi32, #tpu.memory_space<vmem>>, vector<16xi32>,
      %ge3A_227 = arith.constant 0 : i32
      %ge3A_228 = vector.broadcast %ge3A_227 : i32 to vector<16xi32>
      %ge3A_229 = arith.cmpi sge, %get3A_226, %ge3A_228 : vector<16xi32>
      %jit3A_230 = arith.constant 1 : i32
      %jit3A_231 = arith.constant 0 : i32
      %broadcast_in_dim3A_232 = vector.broadcast %jit3A_230 : i32 to vector<16xi32>
      %broadcast_in_dim3A_233 = vector.broadcast %jit3A_231 : i32 to vector<16xi32>
      %select_n3A_234 = arith.select %ge3A_229, %broadcast_in_dim3A_232, %broadcast_in_dim3A_233 : vector<16xi1>, vector<16xi32>
      %swap3A_235 = arith.constant 96 : index
      %swap3A_236 = tpu.vector_load %arg13[%swap3A_235] {strides = array<i32>} : memref<384xi32, #tpu.memory_space<vmem>>, vector<16xi32>,
      tpu.vector_store %arg13[%swap3A_235], %select_n3A_234 {strides = array<i32>} : memref<384xi32, #tpu.memory_space<vmem>>, vector<16xi32>,
      %mul3A_237 = arith.constant 384 : i32
      %mul3A_238 = arith.muli %add3A_90, %mul3A_237 : i32
      %add3A_239 = arith.constant 112 : i32
      %add3A_240 = arith.addi %mul3A_238, %add3A_239 : i32
      %get3A_241 = arith.index_cast %add3A_240 : i32 to index
      %get3A_242 = tpu.vector_load %arg8[%get3A_241] {strides = array<i32>} : memref<16896xi32, #tpu.memory_space<vmem>>, vector<16xi32>,
      %ge3A_243 = arith.constant 0 : i32
      %ge3A_244 = vector.broadcast %ge3A_243 : i32 to vector<16xi32>
      %ge3A_245 = arith.cmpi sge, %get3A_242, %ge3A_244 : vector<16xi32>
      %jit3A_246 = arith.constant 1 : i32
      %jit3A_247 = arith.constant 0 : i32
      %broadcast_in_dim3A_248 = vector.broadcast %jit3A_246 : i32 to vector<16xi32>
      %broadcast_in_dim3A_249 = vector.broadcast %jit3A_247 : i32 to vector<16xi32>
      %select_n3A_250 = arith.select %ge3A_245, %broadcast_in_dim3A_248, %broadcast_in_dim3A_249 : vector<16xi1>, vector<16xi32>
      %swap3A_251 = arith.constant 112 : index
      %swap3A_252 = tpu.vector_load %arg13[%swap3A_251] {strides = array<i32>} : memref<384xi32, #tpu.memory_space<vmem>>, vector<16xi32>,
      tpu.vector_store %arg13[%swap3A_251], %select_n3A_250 {strides = array<i32>} : memref<384xi32, #tpu.memory_space<vmem>>, vector<16xi32>,
      %mul3A_253 = arith.constant 384 : i32
      %mul3A_254 = arith.muli %add3A_90, %mul3A_253 : i32
      %add3A_255 = arith.constant 128 : i32
      %add3A_256 = arith.addi %mul3A_254, %add3A_255 : i32
      %get3A_257 = arith.index_cast %add3A_256 : i32 to index
      %get3A_258 = tpu.vector_load %arg8[%get3A_257] {strides = array<i32>} : memref<16896xi32, #tpu.memory_space<vmem>>, vector<16xi32>,
      %ge3A_259 = arith.constant 0 : i32
      %ge3A_260 = vector.broadcast %ge3A_259 : i32 to vector<16xi32>
      %ge3A_261 = arith.cmpi sge, %get3A_258, %ge3A_260 : vector<16xi32>
      %jit3A_262 = arith.constant 1 : i32
      %jit3A_263 = arith.constant 0 : i32
      %broadcast_in_dim3A_264 = vector.broadcast %jit3A_262 : i32 to vector<16xi32>
      %broadcast_in_dim3A_265 = vector.broadcast %jit3A_263 : i32 to vector<16xi32>
      %select_n3A_266 = arith.select %ge3A_261, %broadcast_in_dim3A_264, %broadcast_in_dim3A_265 : vector<16xi1>, vector<16xi32>
      %swap3A_267 = arith.constant 128 : index
      %swap3A_268 = tpu.vector_load %arg13[%swap3A_267] {strides = array<i32>} : memref<384xi32, #tpu.memory_space<vmem>>, vector<16xi32>,
      tpu.vector_store %arg13[%swap3A_267], %select_n3A_266 {strides = array<i32>} : memref<384xi32, #tpu.memory_space<vmem>>, vector<16xi32>,
      %mul3A_269 = arith.constant 384 : i32
      %mul3A_270 = arith.muli %add3A_90, %mul3A_269 : i32
      %add3A_271 = arith.constant 144 : i32
      %add3A_272 = arith.addi %mul3A_270, %add3A_271 : i32
      %get3A_273 = arith.index_cast %add3A_272 : i32 to index
      %get3A_274 = tpu.vector_load %arg8[%get3A_273] {strides = array<i32>} : memref<16896xi32, #tpu.memory_space<vmem>>, vector<16xi32>,
      %ge3A_275 = arith.constant 0 : i32
      %ge3A_276 = vector.broadcast %ge3A_275 : i32 to vector<16xi32>
      %ge3A_277 = arith.cmpi sge, %get3A_274, %ge3A_276 : vector<16xi32>
      %jit3A_278 = arith.constant 1 : i32
      %jit3A_279 = arith.constant 0 : i32
      %broadcast_in_dim3A_280 = vector.broadcast %jit3A_278 : i32 to vector<16xi32>
      %broadcast_in_dim3A_281 = vector.broadcast %jit3A_279 : i32 to vector<16xi32>
      %select_n3A_282 = arith.select %ge3A_277, %broadcast_in_dim3A_280, %broadcast_in_dim3A_281 : vector<16xi1>, vector<16xi32>
      %swap3A_283 = arith.constant 144 : index
      %swap3A_284 = tpu.vector_load %arg13[%swap3A_283] {strides = array<i32>} : memref<384xi32, #tpu.memory_space<vmem>>, vector<16xi32>,
      tpu.vector_store %arg13[%swap3A_283], %select_n3A_282 {strides = array<i32>} : memref<384xi32, #tpu.memory_space<vmem>>, vector<16xi32>,
      %mul3A_285 = arith.constant 384 : i32
      %mul3A_286 = arith.muli %add3A_90, %mul3A_285 : i32
      %add3A_287 = arith.constant 160 : i32
      %add3A_288 = arith.addi %mul3A_286, %add3A_287 : i32
      %get3A_289 = arith.index_cast %add3A_288 : i32 to index
      %get3A_290 = tpu.vector_load %arg8[%get3A_289] {strides = array<i32>} : memref<16896xi32, #tpu.memory_space<vmem>>, vector<16xi32>,
      %ge3A_291 = arith.constant 0 : i32
      %ge3A_292 = vector.broadcast %ge3A_291 : i32 to vector<16xi32>
      %ge3A_293 = arith.cmpi sge, %get3A_290, %ge3A_292 : vector<16xi32>
      %jit3A_294 = arith.constant 1 : i32
      %jit3A_295 = arith.constant 0 : i32
      %broadcast_in_dim3A_296 = vector.broadcast %jit3A_294 : i32 to vector<16xi32>
      %broadcast_in_dim3A_297 = vector.broadcast %jit3A_295 : i32 to vector<16xi32>
      %select_n3A_298 = arith.select %ge3A_293, %broadcast_in_dim3A_296, %broadcast_in_dim3A_297 : vector<16xi1>, vector<16xi32>
      %swap3A_299 = arith.constant 160 : index
      %swap3A_300 = tpu.vector_load %arg13[%swap3A_299] {strides = array<i32>} : memref<384xi32, #tpu.memory_space<vmem>>, vector<16xi32>,
      tpu.vector_store %arg13[%swap3A_299], %select_n3A_298 {strides = array<i32>} : memref<384xi32, #tpu.memory_space<vmem>>, vector<16xi32>,
      %mul3A_301 = arith.constant 384 : i32
      %mul3A_302 = arith.muli %add3A_90, %mul3A_301 : i32
      %add3A_303 = arith.constant 176 : i32
      %add3A_304 = arith.addi %mul3A_302, %add3A_303 : i32
      %get3A_305 = arith.index_cast %add3A_304 : i32 to index
      %get3A_306 = tpu.vector_load %arg8[%get3A_305] {strides = array<i32>} : memref<16896xi32, #tpu.memory_space<vmem>>, vector<16xi32>,
      %ge3A_307 = arith.constant 0 : i32
      %ge3A_308 = vector.broadcast %ge3A_307 : i32 to vector<16xi32>
      %ge3A_309 = arith.cmpi sge, %get3A_306, %ge3A_308 : vector<16xi32>
      %jit3A_310 = arith.constant 1 : i32
      %jit3A_311 = arith.constant 0 : i32
      %broadcast_in_dim3A_312 = vector.broadcast %jit3A_310 : i32 to vector<16xi32>
      %broadcast_in_dim3A_313 = vector.broadcast %jit3A_311 : i32 to vector<16xi32>
      %select_n3A_314 = arith.select %ge3A_309, %broadcast_in_dim3A_312, %broadcast_in_dim3A_313 : vector<16xi1>, vector<16xi32>
      %swap3A_315 = arith.constant 176 : index
      %swap3A_316 = tpu.vector_load %arg13[%swap3A_315] {strides = array<i32>} : memref<384xi32, #tpu.memory_space<vmem>>, vector<16xi32>,
      tpu.vector_store %arg13[%swap3A_315], %select_n3A_314 {strides = array<i32>} : memref<384xi32, #tpu.memory_space<vmem>>, vector<16xi32>,
      %mul3A_317 = arith.constant 384 : i32
      %mul3A_318 = arith.muli %add3A_90, %mul3A_317 : i32
      %add3A_319 = arith.constant 192 : i32
      %add3A_320 = arith.addi %mul3A_318, %add3A_319 : i32
      %get3A_321 = arith.index_cast %add3A_320 : i32 to index
      %get3A_322 = tpu.vector_load %arg8[%get3A_321] {strides = array<i32>} : memref<16896xi32, #tpu.memory_space<vmem>>, vector<16xi32>,
      %ge3A_323 = arith.constant 0 : i32
      %ge3A_324 = vector.broadcast %ge3A_323 : i32 to vector<16xi32>
      %ge3A_325 = arith.cmpi sge, %get3A_322, %ge3A_324 : vector<16xi32>
      %jit3A_326 = arith.constant 1 : i32
      %jit3A_327 = arith.constant 0 : i32
      %broadcast_in_dim3A_328 = vector.broadcast %jit3A_326 : i32 to vector<16xi32>
      %broadcast_in_dim3A_329 = vector.broadcast %jit3A_327 : i32 to vector<16xi32>
      %select_n3A_330 = arith.select %ge3A_325, %broadcast_in_dim3A_328, %broadcast_in_dim3A_329 : vector<16xi1>, vector<16xi32>
      %swap3A_331 = arith.constant 192 : index
      %swap3A_332 = tpu.vector_load %arg13[%swap3A_331] {strides = array<i32>} : memref<384xi32, #tpu.memory_space<vmem>>, vector<16xi32>,
      tpu.vector_store %arg13[%swap3A_331], %select_n3A_330 {strides = array<i32>} : memref<384xi32, #tpu.memory_space<vmem>>, vector<16xi32>,
      %mul3A_333 = arith.constant 384 : i32
      %mul3A_334 = arith.muli %add3A_90, %mul3A_333 : i32
      %add3A_335 = arith.constant 208 : i32
      %add3A_336 = arith.addi %mul3A_334, %add3A_335 : i32
      %get3A_337 = arith.index_cast %add3A_336 : i32 to index
      %get3A_338 = tpu.vector_load %arg8[%get3A_337] {strides = array<i32>} : memref<16896xi32, #tpu.memory_space<vmem>>, vector<16xi32>,
      %ge3A_339 = arith.constant 0 : i32
      %ge3A_340 = vector.broadcast %ge3A_339 : i32 to vector<16xi32>
      %ge3A_341 = arith.cmpi sge, %get3A_338, %ge3A_340 : vector<16xi32>
      %jit3A_342 = arith.constant 1 : i32
      %jit3A_343 = arith.constant 0 : i32
      %broadcast_in_dim3A_344 = vector.broadcast %jit3A_342 : i32 to vector<16xi32>
      %broadcast_in_dim3A_345 = vector.broadcast %jit3A_343 : i32 to vector<16xi32>
      %select_n3A_346 = arith.select %ge3A_341, %broadcast_in_dim3A_344, %broadcast_in_dim3A_345 : vector<16xi1>, vector<16xi32>
      %swap3A_347 = arith.constant 208 : index
      %swap3A_348 = tpu.vector_load %arg13[%swap3A_347] {strides = array<i32>} : memref<384xi32, #tpu.memory_space<vmem>>, vector<16xi32>,
      tpu.vector_store %arg13[%swap3A_347], %select_n3A_346 {strides = array<i32>} : memref<384xi32, #tpu.memory_space<vmem>>, vector<16xi32>,
      %mul3A_349 = arith.constant 384 : i32
      %mul3A_350 = arith.muli %add3A_90, %mul3A_349 : i32
      %add3A_351 = arith.constant 224 : i32
      %add3A_352 = arith.addi %mul3A_350, %add3A_351 : i32
      %get3A_353 = arith.index_cast %add3A_352 : i32 to index
      %get3A_354 = tpu.vector_load %arg8[%get3A_353] {strides = array<i32>} : memref<16896xi32, #tpu.memory_space<vmem>>, vector<16xi32>,
      %ge3A_355 = arith.constant 0 : i32
      %ge3A_356 = vector.broadcast %ge3A_355 : i32 to vector<16xi32>
      %ge3A_357 = arith.cmpi sge, %get3A_354, %ge3A_356 : vector<16xi32>
      %jit3A_358 = arith.constant 1 : i32
      %jit3A_359 = arith.constant 0 : i32
      %broadcast_in_dim3A_360 = vector.broadcast %jit3A_358 : i32 to vector<16xi32>
      %broadcast_in_dim3A_361 = vector.broadcast %jit3A_359 : i32 to vector<16xi32>
      %select_n3A_362 = arith.select %ge3A_357, %broadcast_in_dim3A_360, %broadcast_in_dim3A_361 : vector<16xi1>, vector<16xi32>
      %swap3A_363 = arith.constant 224 : index
      %swap3A_364 = tpu.vector_load %arg13[%swap3A_363] {strides = array<i32>} : memref<384xi32, #tpu.memory_space<vmem>>, vector<16xi32>,
      tpu.vector_store %arg13[%swap3A_363], %select_n3A_362 {strides = array<i32>} : memref<384xi32, #tpu.memory_space<vmem>>, vector<16xi32>,
      %mul3A_365 = arith.constant 384 : i32
      %mul3A_366 = arith.muli %add3A_90, %mul3A_365 : i32
      %add3A_367 = arith.constant 240 : i32
      %add3A_368 = arith.addi %mul3A_366, %add3A_367 : i32
      %get3A_369 = arith.index_cast %add3A_368 : i32 to index
      %get3A_370 = tpu.vector_load %arg8[%get3A_369] {strides = array<i32>} : memref<16896xi32, #tpu.memory_space<vmem>>, vector<16xi32>,
      %ge3A_371 = arith.constant 0 : i32
      %ge3A_372 = vector.broadcast %ge3A_371 : i32 to vector<16xi32>
      %ge3A_373 = arith.cmpi sge, %get3A_370, %ge3A_372 : vector<16xi32>
      %jit3A_374 = arith.constant 1 : i32
      %jit3A_375 = arith.constant 0 : i32
      %broadcast_in_dim3A_376 = vector.broadcast %jit3A_374 : i32 to vector<16xi32>
      %broadcast_in_dim3A_377 = vector.broadcast %jit3A_375 : i32 to vector<16xi32>
      %select_n3A_378 = arith.select %ge3A_373, %broadcast_in_dim3A_376, %broadcast_in_dim3A_377 : vector<16xi1>, vector<16xi32>
      %swap3A_379 = arith.constant 240 : index
      %swap3A_380 = tpu.vector_load %arg13[%swap3A_379] {strides = array<i32>} : memref<384xi32, #tpu.memory_space<vmem>>, vector<16xi32>,
      tpu.vector_store %arg13[%swap3A_379], %select_n3A_378 {strides = array<i32>} : memref<384xi32, #tpu.memory_space<vmem>>, vector<16xi32>,
      %mul3A_381 = arith.constant 384 : i32
      %mul3A_382 = arith.muli %add3A_90, %mul3A_381 : i32
      %add3A_383 = arith.constant 256 : i32
      %add3A_384 = arith.addi %mul3A_382, %add3A_383 : i32
      %get3A_385 = arith.index_cast %add3A_384 : i32 to index
      %get3A_386 = tpu.vector_load %arg8[%get3A_385] {strides = array<i32>} : memref<16896xi32, #tpu.memory_space<vmem>>, vector<16xi32>,
      %ge3A_387 = arith.constant 0 : i32
      %ge3A_388 = vector.broadcast %ge3A_387 : i32 to vector<16xi32>
      %ge3A_389 = arith.cmpi sge, %get3A_386, %ge3A_388 : vector<16xi32>
      %jit3A_390 = arith.constant 1 : i32
      %jit3A_391 = arith.constant 0 : i32
      %broadcast_in_dim3A_392 = vector.broadcast %jit3A_390 : i32 to vector<16xi32>
      %broadcast_in_dim3A_393 = vector.broadcast %jit3A_391 : i32 to vector<16xi32>
      %select_n3A_394 = arith.select %ge3A_389, %broadcast_in_dim3A_392, %broadcast_in_dim3A_393 : vector<16xi1>, vector<16xi32>
      %swap3A_395 = arith.constant 256 : index
      %swap3A_396 = tpu.vector_load %arg13[%swap3A_395] {strides = array<i32>} : memref<384xi32, #tpu.memory_space<vmem>>, vector<16xi32>,
      tpu.vector_store %arg13[%swap3A_395], %select_n3A_394 {strides = array<i32>} : memref<384xi32, #tpu.memory_space<vmem>>, vector<16xi32>,
      %mul3A_397 = arith.constant 384 : i32
      %mul3A_398 = arith.muli %add3A_90, %mul3A_397 : i32
      %add3A_399 = arith.constant 272 : i32
      %add3A_400 = arith.addi %mul3A_398, %add3A_399 : i32
      %get3A_401 = arith.index_cast %add3A_400 : i32 to index
      %get3A_402 = tpu.vector_load %arg8[%get3A_401] {strides = array<i32>} : memref<16896xi32, #tpu.memory_space<vmem>>, vector<16xi32>,
      %ge3A_403 = arith.constant 0 : i32
      %ge3A_404 = vector.broadcast %ge3A_403 : i32 to vector<16xi32>
      %ge3A_405 = arith.cmpi sge, %get3A_402, %ge3A_404 : vector<16xi32>
      %jit3A_406 = arith.constant 1 : i32
      %jit3A_407 = arith.constant 0 : i32
      %broadcast_in_dim3A_408 = vector.broadcast %jit3A_406 : i32 to vector<16xi32>
      %broadcast_in_dim3A_409 = vector.broadcast %jit3A_407 : i32 to vector<16xi32>
      %select_n3A_410 = arith.select %ge3A_405, %broadcast_in_dim3A_408, %broadcast_in_dim3A_409 : vector<16xi1>, vector<16xi32>
      %swap3A_411 = arith.constant 272 : index
      %swap3A_412 = tpu.vector_load %arg13[%swap3A_411] {strides = array<i32>} : memref<384xi32, #tpu.memory_space<vmem>>, vector<16xi32>,
      tpu.vector_store %arg13[%swap3A_411], %select_n3A_410 {strides = array<i32>} : memref<384xi32, #tpu.memory_space<vmem>>, vector<16xi32>,
      %mul3A_413 = arith.constant 384 : i32
      %mul3A_414 = arith.muli %add3A_90, %mul3A_413 : i32
      %add3A_415 = arith.constant 288 : i32
      %add3A_416 = arith.addi %mul3A_414, %add3A_415 : i32
      %get3A_417 = arith.index_cast %add3A_416 : i32 to index
      %get3A_418 = tpu.vector_load %arg8[%get3A_417] {strides = array<i32>} : memref<16896xi32, #tpu.memory_space<vmem>>, vector<16xi32>,
      %ge3A_419 = arith.constant 0 : i32
      %ge3A_420 = vector.broadcast %ge3A_419 : i32 to vector<16xi32>
      %ge3A_421 = arith.cmpi sge, %get3A_418, %ge3A_420 : vector<16xi32>
      %jit3A_422 = arith.constant 1 : i32
      %jit3A_423 = arith.constant 0 : i32
      %broadcast_in_dim3A_424 = vector.broadcast %jit3A_422 : i32 to vector<16xi32>
      %broadcast_in_dim3A_425 = vector.broadcast %jit3A_423 : i32 to vector<16xi32>
      %select_n3A_426 = arith.select %ge3A_421, %broadcast_in_dim3A_424, %broadcast_in_dim3A_425 : vector<16xi1>, vector<16xi32>
      %swap3A_427 = arith.constant 288 : index
      %swap3A_428 = tpu.vector_load %arg13[%swap3A_427] {strides = array<i32>} : memref<384xi32, #tpu.memory_space<vmem>>, vector<16xi32>,
      tpu.vector_store %arg13[%swap3A_427], %select_n3A_426 {strides = array<i32>} : memref<384xi32, #tpu.memory_space<vmem>>, vector<16xi32>,
      %mul3A_429 = arith.constant 384 : i32
      %mul3A_430 = arith.muli %add3A_90, %mul3A_429 : i32
      %add3A_431 = arith.constant 304 : i32
      %add3A_432 = arith.addi %mul3A_430, %add3A_431 : i32
      %get3A_433 = arith.index_cast %add3A_432 : i32 to index
      %get3A_434 = tpu.vector_load %arg8[%get3A_433] {strides = array<i32>} : memref<16896xi32, #tpu.memory_space<vmem>>, vector<16xi32>,
      %ge3A_435 = arith.constant 0 : i32
      %ge3A_436 = vector.broadcast %ge3A_435 : i32 to vector<16xi32>
      %ge3A_437 = arith.cmpi sge, %get3A_434, %ge3A_436 : vector<16xi32>
      %jit3A_438 = arith.constant 1 : i32
      %jit3A_439 = arith.constant 0 : i32
      %broadcast_in_dim3A_440 = vector.broadcast %jit3A_438 : i32 to vector<16xi32>
      %broadcast_in_dim3A_441 = vector.broadcast %jit3A_439 : i32 to vector<16xi32>
      %select_n3A_442 = arith.select %ge3A_437, %broadcast_in_dim3A_440, %broadcast_in_dim3A_441 : vector<16xi1>, vector<16xi32>
      %swap3A_443 = arith.constant 304 : index
      %swap3A_444 = tpu.vector_load %arg13[%swap3A_443] {strides = array<i32>} : memref<384xi32, #tpu.memory_space<vmem>>, vector<16xi32>,
      tpu.vector_store %arg13[%swap3A_443], %select_n3A_442 {strides = array<i32>} : memref<384xi32, #tpu.memory_space<vmem>>, vector<16xi32>,
      %mul3A_445 = arith.constant 384 : i32
      %mul3A_446 = arith.muli %add3A_90, %mul3A_445 : i32
      %add3A_447 = arith.constant 320 : i32
      %add3A_448 = arith.addi %mul3A_446, %add3A_447 : i32
      %get3A_449 = arith.index_cast %add3A_448 : i32 to index
      %get3A_450 = tpu.vector_load %arg8[%get3A_449] {strides = array<i32>} : memref<16896xi32, #tpu.memory_space<vmem>>, vector<16xi32>,
      %ge3A_451 = arith.constant 0 : i32
      %ge3A_452 = vector.broadcast %ge3A_451 : i32 to vector<16xi32>
      %ge3A_453 = arith.cmpi sge, %get3A_450, %ge3A_452 : vector<16xi32>
      %jit3A_454 = arith.constant 1 : i32
      %jit3A_455 = arith.constant 0 : i32
      %broadcast_in_dim3A_456 = vector.broadcast %jit3A_454 : i32 to vector<16xi32>
      %broadcast_in_dim3A_457 = vector.broadcast %jit3A_455 : i32 to vector<16xi32>
      %select_n3A_458 = arith.select %ge3A_453, %broadcast_in_dim3A_456, %broadcast_in_dim3A_457 : vector<16xi1>, vector<16xi32>
      %swap3A_459 = arith.constant 320 : index
      %swap3A_460 = tpu.vector_load %arg13[%swap3A_459] {strides = array<i32>} : memref<384xi32, #tpu.memory_space<vmem>>, vector<16xi32>,
      tpu.vector_store %arg13[%swap3A_459], %select_n3A_458 {strides = array<i32>} : memref<384xi32, #tpu.memory_space<vmem>>, vector<16xi32>,
      %mul3A_461 = arith.constant 384 : i32
      %mul3A_462 = arith.muli %add3A_90, %mul3A_461 : i32
      %add3A_463 = arith.constant 336 : i32
      %add3A_464 = arith.addi %mul3A_462, %add3A_463 : i32
      %get3A_465 = arith.index_cast %add3A_464 : i32 to index
      %get3A_466 = tpu.vector_load %arg8[%get3A_465] {strides = array<i32>} : memref<16896xi32, #tpu.memory_space<vmem>>, vector<16xi32>,
      %ge3A_467 = arith.constant 0 : i32
      %ge3A_468 = vector.broadcast %ge3A_467 : i32 to vector<16xi32>
      %ge3A_469 = arith.cmpi sge, %get3A_466, %ge3A_468 : vector<16xi32>
      %jit3A_470 = arith.constant 1 : i32
      %jit3A_471 = arith.constant 0 : i32
      %broadcast_in_dim3A_472 = vector.broadcast %jit3A_470 : i32 to vector<16xi32>
      %broadcast_in_dim3A_473 = vector.broadcast %jit3A_471 : i32 to vector<16xi32>
      %select_n3A_474 = arith.select %ge3A_469, %broadcast_in_dim3A_472, %broadcast_in_dim3A_473 : vector<16xi1>, vector<16xi32>
      %swap3A_475 = arith.constant 336 : index
      %swap3A_476 = tpu.vector_load %arg13[%swap3A_475] {strides = array<i32>} : memref<384xi32, #tpu.memory_space<vmem>>, vector<16xi32>,
      tpu.vector_store %arg13[%swap3A_475], %select_n3A_474 {strides = array<i32>} : memref<384xi32, #tpu.memory_space<vmem>>, vector<16xi32>,
      %mul3A_477 = arith.constant 384 : i32
      %mul3A_478 = arith.muli %add3A_90, %mul3A_477 : i32
      %add3A_479 = arith.constant 352 : i32
      %add3A_480 = arith.addi %mul3A_478, %add3A_479 : i32
      %get3A_481 = arith.index_cast %add3A_480 : i32 to index
      %get3A_482 = tpu.vector_load %arg8[%get3A_481] {strides = array<i32>} : memref<16896xi32, #tpu.memory_space<vmem>>, vector<16xi32>,
      %ge3A_483 = arith.constant 0 : i32
      %ge3A_484 = vector.broadcast %ge3A_483 : i32 to vector<16xi32>
      %ge3A_485 = arith.cmpi sge, %get3A_482, %ge3A_484 : vector<16xi32>
      %jit3A_486 = arith.constant 1 : i32
      %jit3A_487 = arith.constant 0 : i32
      %broadcast_in_dim3A_488 = vector.broadcast %jit3A_486 : i32 to vector<16xi32>
      %broadcast_in_dim3A_489 = vector.broadcast %jit3A_487 : i32 to vector<16xi32>
      %select_n3A_490 = arith.select %ge3A_485, %broadcast_in_dim3A_488, %broadcast_in_dim3A_489 : vector<16xi1>, vector<16xi32>
      %swap3A_491 = arith.constant 352 : index
      %swap3A_492 = tpu.vector_load %arg13[%swap3A_491] {strides = array<i32>} : memref<384xi32, #tpu.memory_space<vmem>>, vector<16xi32>,
      tpu.vector_store %arg13[%swap3A_491], %select_n3A_490 {strides = array<i32>} : memref<384xi32, #tpu.memory_space<vmem>>, vector<16xi32>,
      %mul3A_493 = arith.constant 384 : i32
      %mul3A_494 = arith.muli %add3A_90, %mul3A_493 : i32
      %add3A_495 = arith.constant 368 : i32
      %add3A_496 = arith.addi %mul3A_494, %add3A_495 : i32
      %get3A_497 = arith.index_cast %add3A_496 : i32 to index
      %get3A_498 = tpu.vector_load %arg8[%get3A_497] {strides = array<i32>} : memref<16896xi32, #tpu.memory_space<vmem>>, vector<16xi32>,
      %ge3A_499 = arith.constant 0 : i32
      %ge3A_500 = vector.broadcast %ge3A_499 : i32 to vector<16xi32>
      %ge3A_501 = arith.cmpi sge, %get3A_498, %ge3A_500 : vector<16xi32>
      %jit3A_502 = arith.constant 1 : i32
      %jit3A_503 = arith.constant 0 : i32
      %broadcast_in_dim3A_504 = vector.broadcast %jit3A_502 : i32 to vector<16xi32>
      %broadcast_in_dim3A_505 = vector.broadcast %jit3A_503 : i32 to vector<16xi32>
      %select_n3A_506 = arith.select %ge3A_501, %broadcast_in_dim3A_504, %broadcast_in_dim3A_505 : vector<16xi1>, vector<16xi32>
      %swap3A_507 = arith.constant 368 : index
      %swap3A_508 = tpu.vector_load %arg13[%swap3A_507] {strides = array<i32>} : memref<384xi32, #tpu.memory_space<vmem>>, vector<16xi32>,
      tpu.vector_store %arg13[%swap3A_507], %select_n3A_506 {strides = array<i32>} : memref<384xi32, #tpu.memory_space<vmem>>, vector<16xi32>,
      %mul3A_509 = arith.constant 64 : i32
      %mul3A_510 = arith.muli %arg0, %mul3A_509 : i32
      %dma_start3A_511 = arith.constant 0 : i32
      %dma_start3A_512 = arith.constant 0 : i32
      %dma_start3A_513 = tpu.memref_slice %arg11[%dma_start3A_511, %dma_start3A_512] : memref<64x385xf32, #tpu.memory_space<vmem>> -> memref<64x384xf32, #tpu.memory_space<vmem>>
      %dma_start3A_514 = tpu.memref_slice %arg4[%mul3A_510, %multiple_of3A_94] : memref<128x259200xf32, #tpu.memory_space<hbm>> -> memref<64x384xf32, #tpu.memory_space<hbm>>
      %dma_start3A_515 = tpu.memref_slice %arg4[%mul3A_510, %multiple_of3A_94] : memref<128x259200xf32, #tpu.memory_space<hbm>> -> memref<64x384xf32, #tpu.memory_space<hbm>>
      %dma_start3A_516 = arith.constant 0 : i32
      %dma_start3A_517 = arith.constant 0 : i32
      %dma_start3A_518 = tpu.memref_slice %arg11[%dma_start3A_516, %dma_start3A_517] : memref<64x385xf32, #tpu.memory_space<vmem>> -> memref<64x384xf32, #tpu.memory_space<vmem>>
      tpu.enqueue_dma source(%dma_start3A_518 : memref<64x384xf32, #tpu.memory_space<vmem>>) target(%dma_start3A_515 : memref<64x384xf32, #tpu.memory_space<hbm>>) target_semaphore(%arg17 : memref<!tpu.dma_semaphore, #tpu.memory_space<semaphore_mem>>)
      %mul3A_519 = arith.constant 259200 : i32
      %mul3A_520 = arith.muli %arg0, %mul3A_519 : i32
      %add3A_521 = arith.addi %mul3A_520, %multiple_of3A_94 : i32
      %dma_start3A_522 = tpu.memref_slice %arg5[%add3A_521] : memref<518400xi32, #tpu.memory_space<hbm>> -> memref<384xi32, #tpu.memory_space<hbm>>
      %dma_start3A_523 = tpu.memref_slice %arg5[%add3A_521] : memref<518400xi32, #tpu.memory_space<hbm>> -> memref<384xi32, #tpu.memory_space<hbm>>
      tpu.enqueue_dma source(%arg13 : memref<384xi32, #tpu.memory_space<vmem>>) target(%dma_start3A_523 : memref<384xi32, #tpu.memory_space<hbm>>) target_semaphore(%arg17 : memref<!tpu.dma_semaphore, #tpu.memory_space<semaphore_mem>>)
      %mul3A_524 = arith.constant 2 : i32
      %mul3A_525 = arith.muli %scan3A_86, %mul3A_524 : i32
      %add3A_526 = arith.constant 1 : i32
      %add3A_527 = arith.addi %mul3A_525, %add3A_526 : i32
      %mul3A_528 = arith.constant 384 : i32
      %mul3A_529 = arith.muli %add3A_527, %mul3A_528 : i32
      %add3A_530 = arith.addi %multiple_of3A, %mul3A_529 : i32
      %multiple_of3A_531 = tpu.assume_multiple %add3A_530, 128 : i32
      %add3A_532 = arith.constant 1 : i32
      %add3A_533 = arith.addi %add3A_527, %add3A_532 : i32
      %lt3A_534 = arith.constant 44 : i32
      %lt3A_535 = arith.cmpi slt, %add3A_533, %lt3A_534 : i32
      %convert_element_type3A_536 = arith.extui %lt3A_535 : i1 to i32
      %cond3A_537 = arith.constant 0 : i32
      %cond3A_538 = arith.cmpi ne, %convert_element_type3A_536, %cond3A_537 : i32
      scf.if %cond3A_538 {
        %add3A_970 = arith.constant 1 : i32
        %add3A_971 = arith.addi %add3A_527, %add3A_970 : i32
        %parallel_loop3A_972 = arith.constant 0 : i32
        %parallel_loop3A_973 = arith.constant 384 : i32
        %parallel_loop3A_974 = arith.constant 1 : i32
        scf.for %parallel_loop3A_1011 = %parallel_loop3A_972 to %parallel_loop3A_973 step %parallel_loop3A_974  : i32 {
          %parallel_loop3A_1012 = arith.constant 0.000000e+00 : f32
          %parallel_loop3A_1013 = vector.broadcast %parallel_loop3A_1012 : f32 to vector<16xf32>
          %parallel_loop3A_1014 = arith.index_cast %parallel_loop3A_1011 : i32 to index
          %parallel_loop3A_1015 = arith.constant 0 : index
          %parallel_loop3A_1016 = tpu.vector_load %arg9[%parallel_loop3A_1014, %parallel_loop3A_1015] {strides = array<i32>} : memref<384x64xf32, #tpu.memory_space<vmem>>, vector<16xf32>,
          tpu.vector_store %arg9[%parallel_loop3A_1014, %parallel_loop3A_1015], %parallel_loop3A_1013 {strides = array<i32>} : memref<384x64xf32, #tpu.memory_space<vmem>>, vector<16xf32>,
          %parallel_loop3A_1017 = arith.constant 0.000000e+00 : f32
          %parallel_loop3A_1018 = vector.broadcast %parallel_loop3A_1017 : f32 to vector<16xf32>
          %parallel_loop3A_1019 = arith.index_cast %parallel_loop3A_1011 : i32 to index
          %parallel_loop3A_1020 = arith.constant 16 : index
          %parallel_loop3A_1021 = tpu.vector_load %arg9[%parallel_loop3A_1019, %parallel_loop3A_1020] {strides = array<i32>} : memref<384x64xf32, #tpu.memory_space<vmem>>, vector<16xf32>,
          tpu.vector_store %arg9[%parallel_loop3A_1019, %parallel_loop3A_1020], %parallel_loop3A_1018 {strides = array<i32>} : memref<384x64xf32, #tpu.memory_space<vmem>>, vector<16xf32>,
          %parallel_loop3A_1022 = arith.constant 0.000000e+00 : f32
          %parallel_loop3A_1023 = vector.broadcast %parallel_loop3A_1022 : f32 to vector<16xf32>
          %parallel_loop3A_1024 = arith.index_cast %parallel_loop3A_1011 : i32 to index
          %parallel_loop3A_1025 = arith.constant 32 : index
          %parallel_loop3A_1026 = tpu.vector_load %arg9[%parallel_loop3A_1024, %parallel_loop3A_1025] {strides = array<i32>} : memref<384x64xf32, #tpu.memory_space<vmem>>, vector<16xf32>,
          tpu.vector_store %arg9[%parallel_loop3A_1024, %parallel_loop3A_1025], %parallel_loop3A_1023 {strides = array<i32>} : memref<384x64xf32, #tpu.memory_space<vmem>>, vector<16xf32>,
          %parallel_loop3A_1027 = arith.constant 0.000000e+00 : f32
          %parallel_loop3A_1028 = vector.broadcast %parallel_loop3A_1027 : f32 to vector<16xf32>
          %parallel_loop3A_1029 = arith.index_cast %parallel_loop3A_1011 : i32 to index
          %parallel_loop3A_1030 = arith.constant 48 : index
          %parallel_loop3A_1031 = tpu.vector_load %arg9[%parallel_loop3A_1029, %parallel_loop3A_1030] {strides = array<i32>} : memref<384x64xf32, #tpu.memory_space<vmem>>, vector<16xf32>,
          tpu.vector_store %arg9[%parallel_loop3A_1029, %parallel_loop3A_1030], %parallel_loop3A_1028 {strides = array<i32>} : memref<384x64xf32, #tpu.memory_space<vmem>>, vector<16xf32>,
        } {sc.loop_unroll_factor = 4 : i64, sc.parallel_access}
        %mul3A_975 = arith.constant 384 : i32
        %mul3A_976 = arith.muli %add3A_971, %mul3A_975 : i32
        %add3A_977 = arith.constant 0 : i32
        %add3A_978 = arith.addi %mul3A_976, %add3A_977 : i32
        %dma_start3A_979 = arith.constant 0 : i32
        %dma_start3A_980 = arith.constant 0 : i32
        %dma_start3A_981 = tpu.memref_slice %arg9[%dma_start3A_979, %dma_start3A_980] : memref<384x64xf32, #tpu.memory_space<vmem>> -> memref<128x64xf32, #tpu.memory_space<vmem>>
        %dma_start3A_982 = tpu.memref_slice %arg8[%add3A_978] : memref<16896xi32, #tpu.memory_space<vmem>> -> memref<128xi32, #tpu.memory_space<vmem>>
        %dma_start3A_983 = arith.constant 0 : i32
        %dma_start3A_984 = arith.constant 0 : i32
        %dma_start3A_985 = tpu.memref_slice %arg2[%dma_start3A_983, %dma_start3A_984] : memref<120000x64xf32, #tpu.memory_space<hbm>> -> memref<120000x64xf32, #tpu.memory_space<hbm>>
        %dma_start3A_986 = arith.constant -1 : i32
        tpu.enqueue_indirect_dma source(%dma_start3A_985 : memref<120000x64xf32, #tpu.memory_space<hbm>>) target(%dma_start3A_981 : memref<128x64xf32, #tpu.memory_space<vmem>>) offsets(%dma_start3A_982 : memref<128xi32, #tpu.memory_space<vmem>>) offset_filter(%dma_start3A_986) semaphore(%arg15 : memref<!tpu.dma_semaphore, #tpu.memory_space<semaphore_mem>>)
        %mul3A_987 = arith.constant 384 : i32
        %mul3A_988 = arith.muli %add3A_971, %mul3A_987 : i32
        %add3A_989 = arith.constant 128 : i32
        %add3A_990 = arith.addi %mul3A_988, %add3A_989 : i32
        %dma_start3A_991 = arith.constant 128 : i32
        %dma_start3A_992 = arith.constant 0 : i32
        %dma_start3A_993 = tpu.memref_slice %arg9[%dma_start3A_991, %dma_start3A_992] : memref<384x64xf32, #tpu.memory_space<vmem>> -> memref<128x64xf32, #tpu.memory_space<vmem>>
        %dma_start3A_994 = tpu.memref_slice %arg8[%add3A_990] : memref<16896xi32, #tpu.memory_space<vmem>> -> memref<128xi32, #tpu.memory_space<vmem>>
        %dma_start3A_995 = arith.constant 0 : i32
        %dma_start3A_996 = arith.constant 0 : i32
        %dma_start3A_997 = tpu.memref_slice %arg2[%dma_start3A_995, %dma_start3A_996] : memref<120000x64xf32, #tpu.memory_space<hbm>> -> memref<120000x64xf32, #tpu.memory_space<hbm>>
        %dma_start3A_998 = arith.constant -1 : i32
        tpu.enqueue_indirect_dma source(%dma_start3A_997 : memref<120000x64xf32, #tpu.memory_space<hbm>>) target(%dma_start3A_993 : memref<128x64xf32, #tpu.memory_space<vmem>>) offsets(%dma_start3A_994 : memref<128xi32, #tpu.memory_space<vmem>>) offset_filter(%dma_start3A_998) semaphore(%arg15 : memref<!tpu.dma_semaphore, #tpu.memory_space<semaphore_mem>>)
        %mul3A_999 = arith.constant 384 : i32
        %mul3A_1000 = arith.muli %add3A_971, %mul3A_999 : i32
        %add3A_1001 = arith.constant 256 : i32
        %add3A_1002 = arith.addi %mul3A_1000, %add3A_1001 : i32
        %dma_start3A_1003 = arith.constant 256 : i32
        %dma_start3A_1004 = arith.constant 0 : i32
        %dma_start3A_1005 = tpu.memref_slice %arg9[%dma_start3A_1003, %dma_start3A_1004] : memref<384x64xf32, #tpu.memory_space<vmem>> -> memref<128x64xf32, #tpu.memory_space<vmem>>
        %dma_start3A_1006 = tpu.memref_slice %arg8[%add3A_1002] : memref<16896xi32, #tpu.memory_space<vmem>> -> memref<128xi32, #tpu.memory_space<vmem>>
        %dma_start3A_1007 = arith.constant 0 : i32
        %dma_start3A_1008 = arith.constant 0 : i32
        %dma_start3A_1009 = tpu.memref_slice %arg2[%dma_start3A_1007, %dma_start3A_1008] : memref<120000x64xf32, #tpu.memory_space<hbm>> -> memref<120000x64xf32, #tpu.memory_space<hbm>>
        %dma_start3A_1010 = arith.constant -1 : i32
        tpu.enqueue_indirect_dma source(%dma_start3A_1009 : memref<120000x64xf32, #tpu.memory_space<hbm>>) target(%dma_start3A_1005 : memref<128x64xf32, #tpu.memory_space<vmem>>) offsets(%dma_start3A_1006 : memref<128xi32, #tpu.memory_space<vmem>>) offset_filter(%dma_start3A_1010) semaphore(%arg15 : memref<!tpu.dma_semaphore, #tpu.memory_space<semaphore_mem>>)
      } else {
      }
      %dma_wait3A_539 = arith.constant 0 : i32
      %dma_wait3A_540 = arith.constant 0 : i32
      %dma_wait3A_541 = tpu.memref_slice %arg10[%dma_wait3A_539, %dma_wait3A_540] : memref<384x64xf32, #tpu.memory_space<vmem>> -> memref<128x64xf32, #tpu.memory_space<vmem>>
      %dma_wait3A_542 = arith.constant 0 : i32
      %dma_wait3A_543 = tpu.memref_slice %arg8[%dma_wait3A_542] : memref<16896xi32, #tpu.memory_space<vmem>> -> memref<128xi32, #tpu.memory_space<vmem>>
      %dma_wait3A_544 = arith.constant 0 : i32
      %dma_wait3A_545 = arith.constant 0 : i32
      %dma_wait3A_546 = tpu.memref_slice %arg2[%dma_wait3A_544, %dma_wait3A_545] : memref<120000x64xf32, #tpu.memory_space<hbm>> -> memref<120000x64xf32, #tpu.memory_space<hbm>>
      tpu.wait_indirect_dma semaphore(%arg16 : memref<!tpu.dma_semaphore, #tpu.memory_space<semaphore_mem>>) src(%dma_wait3A_546 : memref<120000x64xf32, #tpu.memory_space<hbm>>) dst(%dma_wait3A_541 : memref<128x64xf32, #tpu.memory_space<vmem>>)
      %dma_wait3A_547 = arith.constant 128 : i32
      %dma_wait3A_548 = arith.constant 0 : i32
      %dma_wait3A_549 = tpu.memref_slice %arg10[%dma_wait3A_547, %dma_wait3A_548] : memref<384x64xf32, #tpu.memory_space<vmem>> -> memref<128x64xf32, #tpu.memory_space<vmem>>
      %dma_wait3A_550 = arith.constant 128 : i32
      %dma_wait3A_551 = tpu.memref_slice %arg8[%dma_wait3A_550] : memref<16896xi32, #tpu.memory_space<vmem>> -> memref<128xi32, #tpu.memory_space<vmem>>
      %dma_wait3A_552 = arith.constant 0 : i32
      %dma_wait3A_553 = arith.constant 0 : i32
      %dma_wait3A_554 = tpu.memref_slice %arg2[%dma_wait3A_552, %dma_wait3A_553] : memref<120000x64xf32, #tpu.memory_space<hbm>> -> memref<120000x64xf32, #tpu.memory_space<hbm>>
      tpu.wait_indirect_dma semaphore(%arg16 : memref<!tpu.dma_semaphore, #tpu.memory_space<semaphore_mem>>) src(%dma_wait3A_554 : memref<120000x64xf32, #tpu.memory_space<hbm>>) dst(%dma_wait3A_549 : memref<128x64xf32, #tpu.memory_space<vmem>>)
      %dma_wait3A_555 = arith.constant 256 : i32
      %dma_wait3A_556 = arith.constant 0 : i32
      %dma_wait3A_557 = tpu.memref_slice %arg10[%dma_wait3A_555, %dma_wait3A_556] : memref<384x64xf32, #tpu.memory_space<vmem>> -> memref<128x64xf32, #tpu.memory_space<vmem>>
      %dma_wait3A_558 = arith.constant 256 : i32
      %dma_wait3A_559 = tpu.memref_slice %arg8[%dma_wait3A_558] : memref<16896xi32, #tpu.memory_space<vmem>> -> memref<128xi32, #tpu.memory_space<vmem>>
      %dma_wait3A_560 = arith.constant 0 : i32
      %dma_wait3A_561 = arith.constant 0 : i32
      %dma_wait3A_562 = tpu.memref_slice %arg2[%dma_wait3A_560, %dma_wait3A_561] : memref<120000x64xf32, #tpu.memory_space<hbm>> -> memref<120000x64xf32, #tpu.memory_space<hbm>>
      tpu.wait_indirect_dma semaphore(%arg16 : memref<!tpu.dma_semaphore, #tpu.memory_space<semaphore_mem>>) src(%dma_wait3A_562 : memref<120000x64xf32, #tpu.memory_space<hbm>>) dst(%dma_wait3A_557 : memref<128x64xf32, #tpu.memory_space<vmem>>)
      %ge3A_563 = arith.constant 2 : i32
      %ge3A_564 = arith.cmpi sge, %add3A_527, %ge3A_563 : i32
      %convert_element_type3A_565 = arith.extui %ge3A_564 : i1 to i32
      %cond3A_566 = arith.constant 0 : i32
      %cond3A_567 = arith.cmpi ne, %convert_element_type3A_565, %cond3A_566 : i32
      scf.if %cond3A_567 {
        %mul3A_970 = arith.constant 64 : i32
        %mul3A_971 = arith.muli %arg0, %mul3A_970 : i32
        %dma_wait3A_972 = arith.constant 0 : i32
        %dma_wait3A_973 = arith.constant 0 : i32
        %dma_wait3A_974 = tpu.memref_slice %arg12[%dma_wait3A_972, %dma_wait3A_973] : memref<64x385xf32, #tpu.memory_space<vmem>> -> memref<64x384xf32, #tpu.memory_space<vmem>>
        %dma_wait3A_975 = arith.constant 0 : i32
        %dma_wait3A_976 = tpu.memref_slice %arg4[%mul3A_971, %dma_wait3A_975] : memref<128x259200xf32, #tpu.memory_space<hbm>> -> memref<64x384xf32, #tpu.memory_space<hbm>>
        %dma_wait3A_977 = arith.constant 0 : i32
        %dma_wait3A_978 = tpu.memref_slice %arg4[%mul3A_971, %dma_wait3A_977] : memref<128x259200xf32, #tpu.memory_space<hbm>> -> memref<64x384xf32, #tpu.memory_space<hbm>>
        %dma_wait3A_979 = arith.constant 0 : i32
        %dma_wait3A_980 = arith.constant 0 : i32
        %dma_wait3A_981 = tpu.memref_slice %arg12[%dma_wait3A_979, %dma_wait3A_980] : memref<64x385xf32, #tpu.memory_space<vmem>> -> memref<64x384xf32, #tpu.memory_space<vmem>>
        tpu.wait_dma2 semaphore(%arg18 : memref<!tpu.dma_semaphore, #tpu.memory_space<semaphore_mem>>) src(%dma_wait3A_981 : memref<64x384xf32, #tpu.memory_space<vmem>>) dst(%dma_wait3A_978 : memref<64x384xf32, #tpu.memory_space<hbm>>)
        %dma_wait3A_982 = arith.constant 0 : i32
        %dma_wait3A_983 = tpu.memref_slice %arg5[%dma_wait3A_982] : memref<518400xi32, #tpu.memory_space<hbm>> -> memref<384xi32, #tpu.memory_space<hbm>>
        %dma_wait3A_984 = arith.constant 0 : i32
        %dma_wait3A_985 = tpu.memref_slice %arg5[%dma_wait3A_984] : memref<518400xi32, #tpu.memory_space<hbm>> -> memref<384xi32, #tpu.memory_space<hbm>>
        tpu.wait_dma2 semaphore(%arg18 : memref<!tpu.dma_semaphore, #tpu.memory_space<semaphore_mem>>) src(%arg14 : memref<384xi32, #tpu.memory_space<vmem>>) dst(%dma_wait3A_985 : memref<384xi32, #tpu.memory_space<hbm>>)
      } else {
      }
      %parallel_loop3A_568 = arith.constant 0 : i32
      %parallel_loop3A_569 = arith.constant 384 : i32
      %parallel_loop3A_570 = arith.constant 1 : i32
      scf.for %parallel_loop3A_970 = %parallel_loop3A_568 to %parallel_loop3A_569 step %parallel_loop3A_570  : i32 {
        %parallel_loop3A_971 = arith.constant 0 : i32
        %parallel_loop3A_972 = vector.broadcast %parallel_loop3A_971 : i32 to vector<16xi32>
        %parallel_loop3A_973 = vector.broadcast %parallel_loop3A_970 : i32 to vector<16xi32>
        %parallel_loop3A_974 = arith.addi %parallel_loop3A_972, %parallel_loop3A_973 : vector<16xi32>
        %parallel_loop3A_975 = arith.constant 0 : i32
        %parallel_loop3A_976 = vector.broadcast %parallel_loop3A_975 : i32 to vector<16xi32>
        %parallel_loop3A_977 = arith.addi %iota3A, %parallel_loop3A_976 : vector<16xi32>
        %parallel_loop3A_978 = arith.index_cast %parallel_loop3A_970 : i32 to index
        %parallel_loop3A_979 = arith.constant 0 : index
        %parallel_loop3A_980 = tpu.vector_load %arg10[%parallel_loop3A_978, %parallel_loop3A_979] {strides = array<i32>} : memref<384x64xf32, #tpu.memory_space<vmem>>, vector<16xf32>,
        tpu.vector_store_idx %arg12[%parallel_loop3A_977, %parallel_loop3A_974], %parallel_loop3A_980 : memref<64x385xf32, #tpu.memory_space<vmem>>[vector<16xi32>, vector<16xi32>], vector<16xf32>,
        %parallel_loop3A_981 = arith.constant 16 : i32
        %parallel_loop3A_982 = vector.broadcast %parallel_loop3A_981 : i32 to vector<16xi32>
        %parallel_loop3A_983 = arith.addi %iota3A, %parallel_loop3A_982 : vector<16xi32>
        %parallel_loop3A_984 = arith.index_cast %parallel_loop3A_970 : i32 to index
        %parallel_loop3A_985 = arith.constant 16 : index
        %parallel_loop3A_986 = tpu.vector_load %arg10[%parallel_loop3A_984, %parallel_loop3A_985] {strides = array<i32>} : memref<384x64xf32, #tpu.memory_space<vmem>>, vector<16xf32>,
        tpu.vector_store_idx %arg12[%parallel_loop3A_983, %parallel_loop3A_974], %parallel_loop3A_986 : memref<64x385xf32, #tpu.memory_space<vmem>>[vector<16xi32>, vector<16xi32>], vector<16xf32>,
        %parallel_loop3A_987 = arith.constant 32 : i32
        %parallel_loop3A_988 = vector.broadcast %parallel_loop3A_987 : i32 to vector<16xi32>
        %parallel_loop3A_989 = arith.addi %iota3A, %parallel_loop3A_988 : vector<16xi32>
        %parallel_loop3A_990 = arith.index_cast %parallel_loop3A_970 : i32 to index
        %parallel_loop3A_991 = arith.constant 32 : index
        %parallel_loop3A_992 = tpu.vector_load %arg10[%parallel_loop3A_990, %parallel_loop3A_991] {strides = array<i32>} : memref<384x64xf32, #tpu.memory_space<vmem>>, vector<16xf32>,
        tpu.vector_store_idx %arg12[%parallel_loop3A_989, %parallel_loop3A_974], %parallel_loop3A_992 : memref<64x385xf32, #tpu.memory_space<vmem>>[vector<16xi32>, vector<16xi32>], vector<16xf32>,
        %parallel_loop3A_993 = arith.constant 48 : i32
        %parallel_loop3A_994 = vector.broadcast %parallel_loop3A_993 : i32 to vector<16xi32>
        %parallel_loop3A_995 = arith.addi %iota3A, %parallel_loop3A_994 : vector<16xi32>
        %parallel_loop3A_996 = arith.index_cast %parallel_loop3A_970 : i32 to index
        %parallel_loop3A_997 = arith.constant 48 : index
        %parallel_loop3A_998 = tpu.vector_load %arg10[%parallel_loop3A_996, %parallel_loop3A_997] {strides = array<i32>} : memref<384x64xf32, #tpu.memory_space<vmem>>, vector<16xf32>,
        tpu.vector_store_idx %arg12[%parallel_loop3A_995, %parallel_loop3A_974], %parallel_loop3A_998 : memref<64x385xf32, #tpu.memory_space<vmem>>[vector<16xi32>, vector<16xi32>], vector<16xf32>,
      } {sc.loop_unroll_factor = 4 : i64, sc.parallel_access}
      %mul3A_571 = arith.constant 384 : i32
      %mul3A_572 = arith.muli %add3A_527, %mul3A_571 : i32
      %add3A_573 = arith.constant 0 : i32
      %add3A_574 = arith.addi %mul3A_572, %add3A_573 : i32
      %get3A_575 = arith.index_cast %add3A_574 : i32 to index
      %get3A_576 = tpu.vector_load %arg8[%get3A_575] {strides = array<i32>} : memref<16896xi32, #tpu.memory_space<vmem>>, vector<16xi32>,
      %ge3A_577 = arith.constant 0 : i32
      %ge3A_578 = vector.broadcast %ge3A_577 : i32 to vector<16xi32>
      %ge3A_579 = arith.cmpi sge, %get3A_576, %ge3A_578 : vector<16xi32>
      %jit3A_580 = arith.constant 1 : i32
      %jit3A_581 = arith.constant 0 : i32
      %broadcast_in_dim3A_582 = vector.broadcast %jit3A_580 : i32 to vector<16xi32>
      %broadcast_in_dim3A_583 = vector.broadcast %jit3A_581 : i32 to vector<16xi32>
      %select_n3A_584 = arith.select %ge3A_579, %broadcast_in_dim3A_582, %broadcast_in_dim3A_583 : vector<16xi1>, vector<16xi32>
      %swap3A_585 = arith.constant 0 : index
      %swap3A_586 = tpu.vector_load %arg14[%swap3A_585] {strides = array<i32>} : memref<384xi32, #tpu.memory_space<vmem>>, vector<16xi32>,
      tpu.vector_store %arg14[%swap3A_585], %select_n3A_584 {strides = array<i32>} : memref<384xi32, #tpu.memory_space<vmem>>, vector<16xi32>,
      %mul3A_587 = arith.constant 384 : i32
      %mul3A_588 = arith.muli %add3A_527, %mul3A_587 : i32
      %add3A_589 = arith.constant 16 : i32
      %add3A_590 = arith.addi %mul3A_588, %add3A_589 : i32
      %get3A_591 = arith.index_cast %add3A_590 : i32 to index
      %get3A_592 = tpu.vector_load %arg8[%get3A_591] {strides = array<i32>} : memref<16896xi32, #tpu.memory_space<vmem>>, vector<16xi32>,
      %ge3A_593 = arith.constant 0 : i32
      %ge3A_594 = vector.broadcast %ge3A_593 : i32 to vector<16xi32>
      %ge3A_595 = arith.cmpi sge, %get3A_592, %ge3A_594 : vector<16xi32>
      %jit3A_596 = arith.constant 1 : i32
      %jit3A_597 = arith.constant 0 : i32
      %broadcast_in_dim3A_598 = vector.broadcast %jit3A_596 : i32 to vector<16xi32>
      %broadcast_in_dim3A_599 = vector.broadcast %jit3A_597 : i32 to vector<16xi32>
      %select_n3A_600 = arith.select %ge3A_595, %broadcast_in_dim3A_598, %broadcast_in_dim3A_599 : vector<16xi1>, vector<16xi32>
      %swap3A_601 = arith.constant 16 : index
      %swap3A_602 = tpu.vector_load %arg14[%swap3A_601] {strides = array<i32>} : memref<384xi32, #tpu.memory_space<vmem>>, vector<16xi32>,
      tpu.vector_store %arg14[%swap3A_601], %select_n3A_600 {strides = array<i32>} : memref<384xi32, #tpu.memory_space<vmem>>, vector<16xi32>,
      %mul3A_603 = arith.constant 384 : i32
      %mul3A_604 = arith.muli %add3A_527, %mul3A_603 : i32
      %add3A_605 = arith.constant 32 : i32
      %add3A_606 = arith.addi %mul3A_604, %add3A_605 : i32
      %get3A_607 = arith.index_cast %add3A_606 : i32 to index
      %get3A_608 = tpu.vector_load %arg8[%get3A_607] {strides = array<i32>} : memref<16896xi32, #tpu.memory_space<vmem>>, vector<16xi32>,
      %ge3A_609 = arith.constant 0 : i32
      %ge3A_610 = vector.broadcast %ge3A_609 : i32 to vector<16xi32>
      %ge3A_611 = arith.cmpi sge, %get3A_608, %ge3A_610 : vector<16xi32>
      %jit3A_612 = arith.constant 1 : i32
      %jit3A_613 = arith.constant 0 : i32
      %broadcast_in_dim3A_614 = vector.broadcast %jit3A_612 : i32 to vector<16xi32>
      %broadcast_in_dim3A_615 = vector.broadcast %jit3A_613 : i32 to vector<16xi32>
      %select_n3A_616 = arith.select %ge3A_611, %broadcast_in_dim3A_614, %broadcast_in_dim3A_615 : vector<16xi1>, vector<16xi32>
      %swap3A_617 = arith.constant 32 : index
      %swap3A_618 = tpu.vector_load %arg14[%swap3A_617] {strides = array<i32>} : memref<384xi32, #tpu.memory_space<vmem>>, vector<16xi32>,
      tpu.vector_store %arg14[%swap3A_617], %select_n3A_616 {strides = array<i32>} : memref<384xi32, #tpu.memory_space<vmem>>, vector<16xi32>,
      %mul3A_619 = arith.constant 384 : i32
      %mul3A_620 = arith.muli %add3A_527, %mul3A_619 : i32
      %add3A_621 = arith.constant 48 : i32
      %add3A_622 = arith.addi %mul3A_620, %add3A_621 : i32
      %get3A_623 = arith.index_cast %add3A_622 : i32 to index
      %get3A_624 = tpu.vector_load %arg8[%get3A_623] {strides = array<i32>} : memref<16896xi32, #tpu.memory_space<vmem>>, vector<16xi32>,
      %ge3A_625 = arith.constant 0 : i32
      %ge3A_626 = vector.broadcast %ge3A_625 : i32 to vector<16xi32>
      %ge3A_627 = arith.cmpi sge, %get3A_624, %ge3A_626 : vector<16xi32>
      %jit3A_628 = arith.constant 1 : i32
      %jit3A_629 = arith.constant 0 : i32
      %broadcast_in_dim3A_630 = vector.broadcast %jit3A_628 : i32 to vector<16xi32>
      %broadcast_in_dim3A_631 = vector.broadcast %jit3A_629 : i32 to vector<16xi32>
      %select_n3A_632 = arith.select %ge3A_627, %broadcast_in_dim3A_630, %broadcast_in_dim3A_631 : vector<16xi1>, vector<16xi32>
      %swap3A_633 = arith.constant 48 : index
      %swap3A_634 = tpu.vector_load %arg14[%swap3A_633] {strides = array<i32>} : memref<384xi32, #tpu.memory_space<vmem>>, vector<16xi32>,
      tpu.vector_store %arg14[%swap3A_633], %select_n3A_632 {strides = array<i32>} : memref<384xi32, #tpu.memory_space<vmem>>, vector<16xi32>,
      %mul3A_635 = arith.constant 384 : i32
      %mul3A_636 = arith.muli %add3A_527, %mul3A_635 : i32
      %add3A_637 = arith.constant 64 : i32
      %add3A_638 = arith.addi %mul3A_636, %add3A_637 : i32
      %get3A_639 = arith.index_cast %add3A_638 : i32 to index
      %get3A_640 = tpu.vector_load %arg8[%get3A_639] {strides = array<i32>} : memref<16896xi32, #tpu.memory_space<vmem>>, vector<16xi32>,
      %ge3A_641 = arith.constant 0 : i32
      %ge3A_642 = vector.broadcast %ge3A_641 : i32 to vector<16xi32>
      %ge3A_643 = arith.cmpi sge, %get3A_640, %ge3A_642 : vector<16xi32>
      %jit3A_644 = arith.constant 1 : i32
      %jit3A_645 = arith.constant 0 : i32
      %broadcast_in_dim3A_646 = vector.broadcast %jit3A_644 : i32 to vector<16xi32>
      %broadcast_in_dim3A_647 = vector.broadcast %jit3A_645 : i32 to vector<16xi32>
      %select_n3A_648 = arith.select %ge3A_643, %broadcast_in_dim3A_646, %broadcast_in_dim3A_647 : vector<16xi1>, vector<16xi32>
      %swap3A_649 = arith.constant 64 : index
      %swap3A_650 = tpu.vector_load %arg14[%swap3A_649] {strides = array<i32>} : memref<384xi32, #tpu.memory_space<vmem>>, vector<16xi32>,
      tpu.vector_store %arg14[%swap3A_649], %select_n3A_648 {strides = array<i32>} : memref<384xi32, #tpu.memory_space<vmem>>, vector<16xi32>,
      %mul3A_651 = arith.constant 384 : i32
      %mul3A_652 = arith.muli %add3A_527, %mul3A_651 : i32
      %add3A_653 = arith.constant 80 : i32
      %add3A_654 = arith.addi %mul3A_652, %add3A_653 : i32
      %get3A_655 = arith.index_cast %add3A_654 : i32 to index
      %get3A_656 = tpu.vector_load %arg8[%get3A_655] {strides = array<i32>} : memref<16896xi32, #tpu.memory_space<vmem>>, vector<16xi32>,
      %ge3A_657 = arith.constant 0 : i32
      %ge3A_658 = vector.broadcast %ge3A_657 : i32 to vector<16xi32>
      %ge3A_659 = arith.cmpi sge, %get3A_656, %ge3A_658 : vector<16xi32>
      %jit3A_660 = arith.constant 1 : i32
      %jit3A_661 = arith.constant 0 : i32
      %broadcast_in_dim3A_662 = vector.broadcast %jit3A_660 : i32 to vector<16xi32>
      %broadcast_in_dim3A_663 = vector.broadcast %jit3A_661 : i32 to vector<16xi32>
      %select_n3A_664 = arith.select %ge3A_659, %broadcast_in_dim3A_662, %broadcast_in_dim3A_663 : vector<16xi1>, vector<16xi32>
      %swap3A_665 = arith.constant 80 : index
      %swap3A_666 = tpu.vector_load %arg14[%swap3A_665] {strides = array<i32>} : memref<384xi32, #tpu.memory_space<vmem>>, vector<16xi32>,
      tpu.vector_store %arg14[%swap3A_665], %select_n3A_664 {strides = array<i32>} : memref<384xi32, #tpu.memory_space<vmem>>, vector<16xi32>,
      %mul3A_667 = arith.constant 384 : i32
      %mul3A_668 = arith.muli %add3A_527, %mul3A_667 : i32
      %add3A_669 = arith.constant 96 : i32
      %add3A_670 = arith.addi %mul3A_668, %add3A_669 : i32
      %get3A_671 = arith.index_cast %add3A_670 : i32 to index
      %get3A_672 = tpu.vector_load %arg8[%get3A_671] {strides = array<i32>} : memref<16896xi32, #tpu.memory_space<vmem>>, vector<16xi32>,
      %ge3A_673 = arith.constant 0 : i32
      %ge3A_674 = vector.broadcast %ge3A_673 : i32 to vector<16xi32>
      %ge3A_675 = arith.cmpi sge, %get3A_672, %ge3A_674 : vector<16xi32>
      %jit3A_676 = arith.constant 1 : i32
      %jit3A_677 = arith.constant 0 : i32
      %broadcast_in_dim3A_678 = vector.broadcast %jit3A_676 : i32 to vector<16xi32>
      %broadcast_in_dim3A_679 = vector.broadcast %jit3A_677 : i32 to vector<16xi32>
      %select_n3A_680 = arith.select %ge3A_675, %broadcast_in_dim3A_678, %broadcast_in_dim3A_679 : vector<16xi1>, vector<16xi32>
      %swap3A_681 = arith.constant 96 : index
      %swap3A_682 = tpu.vector_load %arg14[%swap3A_681] {strides = array<i32>} : memref<384xi32, #tpu.memory_space<vmem>>, vector<16xi32>,
      tpu.vector_store %arg14[%swap3A_681], %select_n3A_680 {strides = array<i32>} : memref<384xi32, #tpu.memory_space<vmem>>, vector<16xi32>,
      %mul3A_683 = arith.constant 384 : i32
      %mul3A_684 = arith.muli %add3A_527, %mul3A_683 : i32
      %add3A_685 = arith.constant 112 : i32
      %add3A_686 = arith.addi %mul3A_684, %add3A_685 : i32
      %get3A_687 = arith.index_cast %add3A_686 : i32 to index
      %get3A_688 = tpu.vector_load %arg8[%get3A_687] {strides = array<i32>} : memref<16896xi32, #tpu.memory_space<vmem>>, vector<16xi32>,
      %ge3A_689 = arith.constant 0 : i32
      %ge3A_690 = vector.broadcast %ge3A_689 : i32 to vector<16xi32>
      %ge3A_691 = arith.cmpi sge, %get3A_688, %ge3A_690 : vector<16xi32>
      %jit3A_692 = arith.constant 1 : i32
      %jit3A_693 = arith.constant 0 : i32
      %broadcast_in_dim3A_694 = vector.broadcast %jit3A_692 : i32 to vector<16xi32>
      %broadcast_in_dim3A_695 = vector.broadcast %jit3A_693 : i32 to vector<16xi32>
      %select_n3A_696 = arith.select %ge3A_691, %broadcast_in_dim3A_694, %broadcast_in_dim3A_695 : vector<16xi1>, vector<16xi32>
      %swap3A_697 = arith.constant 112 : index
      %swap3A_698 = tpu.vector_load %arg14[%swap3A_697] {strides = array<i32>} : memref<384xi32, #tpu.memory_space<vmem>>, vector<16xi32>,
      tpu.vector_store %arg14[%swap3A_697], %select_n3A_696 {strides = array<i32>} : memref<384xi32, #tpu.memory_space<vmem>>, vector<16xi32>,
      %mul3A_699 = arith.constant 384 : i32
      %mul3A_700 = arith.muli %add3A_527, %mul3A_699 : i32
      %add3A_701 = arith.constant 128 : i32
      %add3A_702 = arith.addi %mul3A_700, %add3A_701 : i32
      %get3A_703 = arith.index_cast %add3A_702 : i32 to index
      %get3A_704 = tpu.vector_load %arg8[%get3A_703] {strides = array<i32>} : memref<16896xi32, #tpu.memory_space<vmem>>, vector<16xi32>,
      %ge3A_705 = arith.constant 0 : i32
      %ge3A_706 = vector.broadcast %ge3A_705 : i32 to vector<16xi32>
      %ge3A_707 = arith.cmpi sge, %get3A_704, %ge3A_706 : vector<16xi32>
      %jit3A_708 = arith.constant 1 : i32
      %jit3A_709 = arith.constant 0 : i32
      %broadcast_in_dim3A_710 = vector.broadcast %jit3A_708 : i32 to vector<16xi32>
      %broadcast_in_dim3A_711 = vector.broadcast %jit3A_709 : i32 to vector<16xi32>
      %select_n3A_712 = arith.select %ge3A_707, %broadcast_in_dim3A_710, %broadcast_in_dim3A_711 : vector<16xi1>, vector<16xi32>
      %swap3A_713 = arith.constant 128 : index
      %swap3A_714 = tpu.vector_load %arg14[%swap3A_713] {strides = array<i32>} : memref<384xi32, #tpu.memory_space<vmem>>, vector<16xi32>,
      tpu.vector_store %arg14[%swap3A_713], %select_n3A_712 {strides = array<i32>} : memref<384xi32, #tpu.memory_space<vmem>>, vector<16xi32>,
      %mul3A_715 = arith.constant 384 : i32
      %mul3A_716 = arith.muli %add3A_527, %mul3A_715 : i32
      %add3A_717 = arith.constant 144 : i32
      %add3A_718 = arith.addi %mul3A_716, %add3A_717 : i32
      %get3A_719 = arith.index_cast %add3A_718 : i32 to index
      %get3A_720 = tpu.vector_load %arg8[%get3A_719] {strides = array<i32>} : memref<16896xi32, #tpu.memory_space<vmem>>, vector<16xi32>,
      %ge3A_721 = arith.constant 0 : i32
      %ge3A_722 = vector.broadcast %ge3A_721 : i32 to vector<16xi32>
      %ge3A_723 = arith.cmpi sge, %get3A_720, %ge3A_722 : vector<16xi32>
      %jit3A_724 = arith.constant 1 : i32
      %jit3A_725 = arith.constant 0 : i32
      %broadcast_in_dim3A_726 = vector.broadcast %jit3A_724 : i32 to vector<16xi32>
      %broadcast_in_dim3A_727 = vector.broadcast %jit3A_725 : i32 to vector<16xi32>
      %select_n3A_728 = arith.select %ge3A_723, %broadcast_in_dim3A_726, %broadcast_in_dim3A_727 : vector<16xi1>, vector<16xi32>
      %swap3A_729 = arith.constant 144 : index
      %swap3A_730 = tpu.vector_load %arg14[%swap3A_729] {strides = array<i32>} : memref<384xi32, #tpu.memory_space<vmem>>, vector<16xi32>,
      tpu.vector_store %arg14[%swap3A_729], %select_n3A_728 {strides = array<i32>} : memref<384xi32, #tpu.memory_space<vmem>>, vector<16xi32>,
      %mul3A_731 = arith.constant 384 : i32
      %mul3A_732 = arith.muli %add3A_527, %mul3A_731 : i32
      %add3A_733 = arith.constant 160 : i32
      %add3A_734 = arith.addi %mul3A_732, %add3A_733 : i32
      %get3A_735 = arith.index_cast %add3A_734 : i32 to index
      %get3A_736 = tpu.vector_load %arg8[%get3A_735] {strides = array<i32>} : memref<16896xi32, #tpu.memory_space<vmem>>, vector<16xi32>,
      %ge3A_737 = arith.constant 0 : i32
      %ge3A_738 = vector.broadcast %ge3A_737 : i32 to vector<16xi32>
      %ge3A_739 = arith.cmpi sge, %get3A_736, %ge3A_738 : vector<16xi32>
      %jit3A_740 = arith.constant 1 : i32
      %jit3A_741 = arith.constant 0 : i32
      %broadcast_in_dim3A_742 = vector.broadcast %jit3A_740 : i32 to vector<16xi32>
      %broadcast_in_dim3A_743 = vector.broadcast %jit3A_741 : i32 to vector<16xi32>
      %select_n3A_744 = arith.select %ge3A_739, %broadcast_in_dim3A_742, %broadcast_in_dim3A_743 : vector<16xi1>, vector<16xi32>
      %swap3A_745 = arith.constant 160 : index
      %swap3A_746 = tpu.vector_load %arg14[%swap3A_745] {strides = array<i32>} : memref<384xi32, #tpu.memory_space<vmem>>, vector<16xi32>,
      tpu.vector_store %arg14[%swap3A_745], %select_n3A_744 {strides = array<i32>} : memref<384xi32, #tpu.memory_space<vmem>>, vector<16xi32>,
      %mul3A_747 = arith.constant 384 : i32
      %mul3A_748 = arith.muli %add3A_527, %mul3A_747 : i32
      %add3A_749 = arith.constant 176 : i32
      %add3A_750 = arith.addi %mul3A_748, %add3A_749 : i32
      %get3A_751 = arith.index_cast %add3A_750 : i32 to index
      %get3A_752 = tpu.vector_load %arg8[%get3A_751] {strides = array<i32>} : memref<16896xi32, #tpu.memory_space<vmem>>, vector<16xi32>,
      %ge3A_753 = arith.constant 0 : i32
      %ge3A_754 = vector.broadcast %ge3A_753 : i32 to vector<16xi32>
      %ge3A_755 = arith.cmpi sge, %get3A_752, %ge3A_754 : vector<16xi32>
      %jit3A_756 = arith.constant 1 : i32
      %jit3A_757 = arith.constant 0 : i32
      %broadcast_in_dim3A_758 = vector.broadcast %jit3A_756 : i32 to vector<16xi32>
      %broadcast_in_dim3A_759 = vector.broadcast %jit3A_757 : i32 to vector<16xi32>
      %select_n3A_760 = arith.select %ge3A_755, %broadcast_in_dim3A_758, %broadcast_in_dim3A_759 : vector<16xi1>, vector<16xi32>
      %swap3A_761 = arith.constant 176 : index
      %swap3A_762 = tpu.vector_load %arg14[%swap3A_761] {strides = array<i32>} : memref<384xi32, #tpu.memory_space<vmem>>, vector<16xi32>,
      tpu.vector_store %arg14[%swap3A_761], %select_n3A_760 {strides = array<i32>} : memref<384xi32, #tpu.memory_space<vmem>>, vector<16xi32>,
      %mul3A_763 = arith.constant 384 : i32
      %mul3A_764 = arith.muli %add3A_527, %mul3A_763 : i32
      %add3A_765 = arith.constant 192 : i32
      %add3A_766 = arith.addi %mul3A_764, %add3A_765 : i32
      %get3A_767 = arith.index_cast %add3A_766 : i32 to index
      %get3A_768 = tpu.vector_load %arg8[%get3A_767] {strides = array<i32>} : memref<16896xi32, #tpu.memory_space<vmem>>, vector<16xi32>,
      %ge3A_769 = arith.constant 0 : i32
      %ge3A_770 = vector.broadcast %ge3A_769 : i32 to vector<16xi32>
      %ge3A_771 = arith.cmpi sge, %get3A_768, %ge3A_770 : vector<16xi32>
      %jit3A_772 = arith.constant 1 : i32
      %jit3A_773 = arith.constant 0 : i32
      %broadcast_in_dim3A_774 = vector.broadcast %jit3A_772 : i32 to vector<16xi32>
      %broadcast_in_dim3A_775 = vector.broadcast %jit3A_773 : i32 to vector<16xi32>
      %select_n3A_776 = arith.select %ge3A_771, %broadcast_in_dim3A_774, %broadcast_in_dim3A_775 : vector<16xi1>, vector<16xi32>
      %swap3A_777 = arith.constant 192 : index
      %swap3A_778 = tpu.vector_load %arg14[%swap3A_777] {strides = array<i32>} : memref<384xi32, #tpu.memory_space<vmem>>, vector<16xi32>,
      tpu.vector_store %arg14[%swap3A_777], %select_n3A_776 {strides = array<i32>} : memref<384xi32, #tpu.memory_space<vmem>>, vector<16xi32>,
      %mul3A_779 = arith.constant 384 : i32
      %mul3A_780 = arith.muli %add3A_527, %mul3A_779 : i32
      %add3A_781 = arith.constant 208 : i32
      %add3A_782 = arith.addi %mul3A_780, %add3A_781 : i32
      %get3A_783 = arith.index_cast %add3A_782 : i32 to index
      %get3A_784 = tpu.vector_load %arg8[%get3A_783] {strides = array<i32>} : memref<16896xi32, #tpu.memory_space<vmem>>, vector<16xi32>,
      %ge3A_785 = arith.constant 0 : i32
      %ge3A_786 = vector.broadcast %ge3A_785 : i32 to vector<16xi32>
      %ge3A_787 = arith.cmpi sge, %get3A_784, %ge3A_786 : vector<16xi32>
      %jit3A_788 = arith.constant 1 : i32
      %jit3A_789 = arith.constant 0 : i32
      %broadcast_in_dim3A_790 = vector.broadcast %jit3A_788 : i32 to vector<16xi32>
      %broadcast_in_dim3A_791 = vector.broadcast %jit3A_789 : i32 to vector<16xi32>
      %select_n3A_792 = arith.select %ge3A_787, %broadcast_in_dim3A_790, %broadcast_in_dim3A_791 : vector<16xi1>, vector<16xi32>
      %swap3A_793 = arith.constant 208 : index
      %swap3A_794 = tpu.vector_load %arg14[%swap3A_793] {strides = array<i32>} : memref<384xi32, #tpu.memory_space<vmem>>, vector<16xi32>,
      tpu.vector_store %arg14[%swap3A_793], %select_n3A_792 {strides = array<i32>} : memref<384xi32, #tpu.memory_space<vmem>>, vector<16xi32>,
      %mul3A_795 = arith.constant 384 : i32
      %mul3A_796 = arith.muli %add3A_527, %mul3A_795 : i32
      %add3A_797 = arith.constant 224 : i32
      %add3A_798 = arith.addi %mul3A_796, %add3A_797 : i32
      %get3A_799 = arith.index_cast %add3A_798 : i32 to index
      %get3A_800 = tpu.vector_load %arg8[%get3A_799] {strides = array<i32>} : memref<16896xi32, #tpu.memory_space<vmem>>, vector<16xi32>,
      %ge3A_801 = arith.constant 0 : i32
      %ge3A_802 = vector.broadcast %ge3A_801 : i32 to vector<16xi32>
      %ge3A_803 = arith.cmpi sge, %get3A_800, %ge3A_802 : vector<16xi32>
      %jit3A_804 = arith.constant 1 : i32
      %jit3A_805 = arith.constant 0 : i32
      %broadcast_in_dim3A_806 = vector.broadcast %jit3A_804 : i32 to vector<16xi32>
      %broadcast_in_dim3A_807 = vector.broadcast %jit3A_805 : i32 to vector<16xi32>
      %select_n3A_808 = arith.select %ge3A_803, %broadcast_in_dim3A_806, %broadcast_in_dim3A_807 : vector<16xi1>, vector<16xi32>
      %swap3A_809 = arith.constant 224 : index
      %swap3A_810 = tpu.vector_load %arg14[%swap3A_809] {strides = array<i32>} : memref<384xi32, #tpu.memory_space<vmem>>, vector<16xi32>,
      tpu.vector_store %arg14[%swap3A_809], %select_n3A_808 {strides = array<i32>} : memref<384xi32, #tpu.memory_space<vmem>>, vector<16xi32>,
      %mul3A_811 = arith.constant 384 : i32
      %mul3A_812 = arith.muli %add3A_527, %mul3A_811 : i32
      %add3A_813 = arith.constant 240 : i32
      %add3A_814 = arith.addi %mul3A_812, %add3A_813 : i32
      %get3A_815 = arith.index_cast %add3A_814 : i32 to index
      %get3A_816 = tpu.vector_load %arg8[%get3A_815] {strides = array<i32>} : memref<16896xi32, #tpu.memory_space<vmem>>, vector<16xi32>,
      %ge3A_817 = arith.constant 0 : i32
      %ge3A_818 = vector.broadcast %ge3A_817 : i32 to vector<16xi32>
      %ge3A_819 = arith.cmpi sge, %get3A_816, %ge3A_818 : vector<16xi32>
      %jit3A_820 = arith.constant 1 : i32
      %jit3A_821 = arith.constant 0 : i32
      %broadcast_in_dim3A_822 = vector.broadcast %jit3A_820 : i32 to vector<16xi32>
      %broadcast_in_dim3A_823 = vector.broadcast %jit3A_821 : i32 to vector<16xi32>
      %select_n3A_824 = arith.select %ge3A_819, %broadcast_in_dim3A_822, %broadcast_in_dim3A_823 : vector<16xi1>, vector<16xi32>
      %swap3A_825 = arith.constant 240 : index
      %swap3A_826 = tpu.vector_load %arg14[%swap3A_825] {strides = array<i32>} : memref<384xi32, #tpu.memory_space<vmem>>, vector<16xi32>,
      tpu.vector_store %arg14[%swap3A_825], %select_n3A_824 {strides = array<i32>} : memref<384xi32, #tpu.memory_space<vmem>>, vector<16xi32>,
      %mul3A_827 = arith.constant 384 : i32
      %mul3A_828 = arith.muli %add3A_527, %mul3A_827 : i32
      %add3A_829 = arith.constant 256 : i32
      %add3A_830 = arith.addi %mul3A_828, %add3A_829 : i32
      %get3A_831 = arith.index_cast %add3A_830 : i32 to index
      %get3A_832 = tpu.vector_load %arg8[%get3A_831] {strides = array<i32>} : memref<16896xi32, #tpu.memory_space<vmem>>, vector<16xi32>,
      %ge3A_833 = arith.constant 0 : i32
      %ge3A_834 = vector.broadcast %ge3A_833 : i32 to vector<16xi32>
      %ge3A_835 = arith.cmpi sge, %get3A_832, %ge3A_834 : vector<16xi32>
      %jit3A_836 = arith.constant 1 : i32
      %jit3A_837 = arith.constant 0 : i32
      %broadcast_in_dim3A_838 = vector.broadcast %jit3A_836 : i32 to vector<16xi32>
      %broadcast_in_dim3A_839 = vector.broadcast %jit3A_837 : i32 to vector<16xi32>
      %select_n3A_840 = arith.select %ge3A_835, %broadcast_in_dim3A_838, %broadcast_in_dim3A_839 : vector<16xi1>, vector<16xi32>
      %swap3A_841 = arith.constant 256 : index
      %swap3A_842 = tpu.vector_load %arg14[%swap3A_841] {strides = array<i32>} : memref<384xi32, #tpu.memory_space<vmem>>, vector<16xi32>,
      tpu.vector_store %arg14[%swap3A_841], %select_n3A_840 {strides = array<i32>} : memref<384xi32, #tpu.memory_space<vmem>>, vector<16xi32>,
      %mul3A_843 = arith.constant 384 : i32
      %mul3A_844 = arith.muli %add3A_527, %mul3A_843 : i32
      %add3A_845 = arith.constant 272 : i32
      %add3A_846 = arith.addi %mul3A_844, %add3A_845 : i32
      %get3A_847 = arith.index_cast %add3A_846 : i32 to index
      %get3A_848 = tpu.vector_load %arg8[%get3A_847] {strides = array<i32>} : memref<16896xi32, #tpu.memory_space<vmem>>, vector<16xi32>,
      %ge3A_849 = arith.constant 0 : i32
      %ge3A_850 = vector.broadcast %ge3A_849 : i32 to vector<16xi32>
      %ge3A_851 = arith.cmpi sge, %get3A_848, %ge3A_850 : vector<16xi32>
      %jit3A_852 = arith.constant 1 : i32
      %jit3A_853 = arith.constant 0 : i32
      %broadcast_in_dim3A_854 = vector.broadcast %jit3A_852 : i32 to vector<16xi32>
      %broadcast_in_dim3A_855 = vector.broadcast %jit3A_853 : i32 to vector<16xi32>
      %select_n3A_856 = arith.select %ge3A_851, %broadcast_in_dim3A_854, %broadcast_in_dim3A_855 : vector<16xi1>, vector<16xi32>
      %swap3A_857 = arith.constant 272 : index
      %swap3A_858 = tpu.vector_load %arg14[%swap3A_857] {strides = array<i32>} : memref<384xi32, #tpu.memory_space<vmem>>, vector<16xi32>,
      tpu.vector_store %arg14[%swap3A_857], %select_n3A_856 {strides = array<i32>} : memref<384xi32, #tpu.memory_space<vmem>>, vector<16xi32>,
      %mul3A_859 = arith.constant 384 : i32
      %mul3A_860 = arith.muli %add3A_527, %mul3A_859 : i32
      %add3A_861 = arith.constant 288 : i32
      %add3A_862 = arith.addi %mul3A_860, %add3A_861 : i32
      %get3A_863 = arith.index_cast %add3A_862 : i32 to index
      %get3A_864 = tpu.vector_load %arg8[%get3A_863] {strides = array<i32>} : memref<16896xi32, #tpu.memory_space<vmem>>, vector<16xi32>,
      %ge3A_865 = arith.constant 0 : i32
      %ge3A_866 = vector.broadcast %ge3A_865 : i32 to vector<16xi32>
      %ge3A_867 = arith.cmpi sge, %get3A_864, %ge3A_866 : vector<16xi32>
      %jit3A_868 = arith.constant 1 : i32
      %jit3A_869 = arith.constant 0 : i32
      %broadcast_in_dim3A_870 = vector.broadcast %jit3A_868 : i32 to vector<16xi32>
      %broadcast_in_dim3A_871 = vector.broadcast %jit3A_869 : i32 to vector<16xi32>
      %select_n3A_872 = arith.select %ge3A_867, %broadcast_in_dim3A_870, %broadcast_in_dim3A_871 : vector<16xi1>, vector<16xi32>
      %swap3A_873 = arith.constant 288 : index
      %swap3A_874 = tpu.vector_load %arg14[%swap3A_873] {strides = array<i32>} : memref<384xi32, #tpu.memory_space<vmem>>, vector<16xi32>,
      tpu.vector_store %arg14[%swap3A_873], %select_n3A_872 {strides = array<i32>} : memref<384xi32, #tpu.memory_space<vmem>>, vector<16xi32>,
      %mul3A_875 = arith.constant 384 : i32
      %mul3A_876 = arith.muli %add3A_527, %mul3A_875 : i32
      %add3A_877 = arith.constant 304 : i32
      %add3A_878 = arith.addi %mul3A_876, %add3A_877 : i32
      %get3A_879 = arith.index_cast %add3A_878 : i32 to index
      %get3A_880 = tpu.vector_load %arg8[%get3A_879] {strides = array<i32>} : memref<16896xi32, #tpu.memory_space<vmem>>, vector<16xi32>,
      %ge3A_881 = arith.constant 0 : i32
      %ge3A_882 = vector.broadcast %ge3A_881 : i32 to vector<16xi32>
      %ge3A_883 = arith.cmpi sge, %get3A_880, %ge3A_882 : vector<16xi32>
      %jit3A_884 = arith.constant 1 : i32
      %jit3A_885 = arith.constant 0 : i32
      %broadcast_in_dim3A_886 = vector.broadcast %jit3A_884 : i32 to vector<16xi32>
      %broadcast_in_dim3A_887 = vector.broadcast %jit3A_885 : i32 to vector<16xi32>
      %select_n3A_888 = arith.select %ge3A_883, %broadcast_in_dim3A_886, %broadcast_in_dim3A_887 : vector<16xi1>, vector<16xi32>
      %swap3A_889 = arith.constant 304 : index
      %swap3A_890 = tpu.vector_load %arg14[%swap3A_889] {strides = array<i32>} : memref<384xi32, #tpu.memory_space<vmem>>, vector<16xi32>,
      tpu.vector_store %arg14[%swap3A_889], %select_n3A_888 {strides = array<i32>} : memref<384xi32, #tpu.memory_space<vmem>>, vector<16xi32>,
      %mul3A_891 = arith.constant 384 : i32
      %mul3A_892 = arith.muli %add3A_527, %mul3A_891 : i32
      %add3A_893 = arith.constant 320 : i32
      %add3A_894 = arith.addi %mul3A_892, %add3A_893 : i32
      %get3A_895 = arith.index_cast %add3A_894 : i32 to index
      %get3A_896 = tpu.vector_load %arg8[%get3A_895] {strides = array<i32>} : memref<16896xi32, #tpu.memory_space<vmem>>, vector<16xi32>,
      %ge3A_897 = arith.constant 0 : i32
      %ge3A_898 = vector.broadcast %ge3A_897 : i32 to vector<16xi32>
      %ge3A_899 = arith.cmpi sge, %get3A_896, %ge3A_898 : vector<16xi32>
      %jit3A_900 = arith.constant 1 : i32
      %jit3A_901 = arith.constant 0 : i32
      %broadcast_in_dim3A_902 = vector.broadcast %jit3A_900 : i32 to vector<16xi32>
      %broadcast_in_dim3A_903 = vector.broadcast %jit3A_901 : i32 to vector<16xi32>
      %select_n3A_904 = arith.select %ge3A_899, %broadcast_in_dim3A_902, %broadcast_in_dim3A_903 : vector<16xi1>, vector<16xi32>
      %swap3A_905 = arith.constant 320 : index
      %swap3A_906 = tpu.vector_load %arg14[%swap3A_905] {strides = array<i32>} : memref<384xi32, #tpu.memory_space<vmem>>, vector<16xi32>,
      tpu.vector_store %arg14[%swap3A_905], %select_n3A_904 {strides = array<i32>} : memref<384xi32, #tpu.memory_space<vmem>>, vector<16xi32>,
      %mul3A_907 = arith.constant 384 : i32
      %mul3A_908 = arith.muli %add3A_527, %mul3A_907 : i32
      %add3A_909 = arith.constant 336 : i32
      %add3A_910 = arith.addi %mul3A_908, %add3A_909 : i32
      %get3A_911 = arith.index_cast %add3A_910 : i32 to index
      %get3A_912 = tpu.vector_load %arg8[%get3A_911] {strides = array<i32>} : memref<16896xi32, #tpu.memory_space<vmem>>, vector<16xi32>,
      %ge3A_913 = arith.constant 0 : i32
      %ge3A_914 = vector.broadcast %ge3A_913 : i32 to vector<16xi32>
      %ge3A_915 = arith.cmpi sge, %get3A_912, %ge3A_914 : vector<16xi32>
      %jit3A_916 = arith.constant 1 : i32
      %jit3A_917 = arith.constant 0 : i32
      %broadcast_in_dim3A_918 = vector.broadcast %jit3A_916 : i32 to vector<16xi32>
      %broadcast_in_dim3A_919 = vector.broadcast %jit3A_917 : i32 to vector<16xi32>
      %select_n3A_920 = arith.select %ge3A_915, %broadcast_in_dim3A_918, %broadcast_in_dim3A_919 : vector<16xi1>, vector<16xi32>
      %swap3A_921 = arith.constant 336 : index
      %swap3A_922 = tpu.vector_load %arg14[%swap3A_921] {strides = array<i32>} : memref<384xi32, #tpu.memory_space<vmem>>, vector<16xi32>,
      tpu.vector_store %arg14[%swap3A_921], %select_n3A_920 {strides = array<i32>} : memref<384xi32, #tpu.memory_space<vmem>>, vector<16xi32>,
      %mul3A_923 = arith.constant 384 : i32
      %mul3A_924 = arith.muli %add3A_527, %mul3A_923 : i32
      %add3A_925 = arith.constant 352 : i32
      %add3A_926 = arith.addi %mul3A_924, %add3A_925 : i32
      %get3A_927 = arith.index_cast %add3A_926 : i32 to index
      %get3A_928 = tpu.vector_load %arg8[%get3A_927] {strides = array<i32>} : memref<16896xi32, #tpu.memory_space<vmem>>, vector<16xi32>,
      %ge3A_929 = arith.constant 0 : i32
      %ge3A_930 = vector.broadcast %ge3A_929 : i32 to vector<16xi32>
      %ge3A_931 = arith.cmpi sge, %get3A_928, %ge3A_930 : vector<16xi32>
      %jit3A_932 = arith.constant 1 : i32
      %jit3A_933 = arith.constant 0 : i32
      %broadcast_in_dim3A_934 = vector.broadcast %jit3A_932 : i32 to vector<16xi32>
      %broadcast_in_dim3A_935 = vector.broadcast %jit3A_933 : i32 to vector<16xi32>
      %select_n3A_936 = arith.select %ge3A_931, %broadcast_in_dim3A_934, %broadcast_in_dim3A_935 : vector<16xi1>, vector<16xi32>
      %swap3A_937 = arith.constant 352 : index
      %swap3A_938 = tpu.vector_load %arg14[%swap3A_937] {strides = array<i32>} : memref<384xi32, #tpu.memory_space<vmem>>, vector<16xi32>,
      tpu.vector_store %arg14[%swap3A_937], %select_n3A_936 {strides = array<i32>} : memref<384xi32, #tpu.memory_space<vmem>>, vector<16xi32>,
      %mul3A_939 = arith.constant 384 : i32
      %mul3A_940 = arith.muli %add3A_527, %mul3A_939 : i32
      %add3A_941 = arith.constant 368 : i32
      %add3A_942 = arith.addi %mul3A_940, %add3A_941 : i32
      %get3A_943 = arith.index_cast %add3A_942 : i32 to index
      %get3A_944 = tpu.vector_load %arg8[%get3A_943] {strides = array<i32>} : memref<16896xi32, #tpu.memory_space<vmem>>, vector<16xi32>,
      %ge3A_945 = arith.constant 0 : i32
      %ge3A_946 = vector.broadcast %ge3A_945 : i32 to vector<16xi32>
      %ge3A_947 = arith.cmpi sge, %get3A_944, %ge3A_946 : vector<16xi32>
      %jit3A_948 = arith.constant 1 : i32
      %jit3A_949 = arith.constant 0 : i32
      %broadcast_in_dim3A_950 = vector.broadcast %jit3A_948 : i32 to vector<16xi32>
      %broadcast_in_dim3A_951 = vector.broadcast %jit3A_949 : i32 to vector<16xi32>
      %select_n3A_952 = arith.select %ge3A_947, %broadcast_in_dim3A_950, %broadcast_in_dim3A_951 : vector<16xi1>, vector<16xi32>
      %swap3A_953 = arith.constant 368 : index
      %swap3A_954 = tpu.vector_load %arg14[%swap3A_953] {strides = array<i32>} : memref<384xi32, #tpu.memory_space<vmem>>, vector<16xi32>,
      tpu.vector_store %arg14[%swap3A_953], %select_n3A_952 {strides = array<i32>} : memref<384xi32, #tpu.memory_space<vmem>>, vector<16xi32>,
      %mul3A_955 = arith.constant 64 : i32
      %mul3A_956 = arith.muli %arg0, %mul3A_955 : i32
      %dma_start3A_957 = arith.constant 0 : i32
      %dma_start3A_958 = arith.constant 0 : i32
      %dma_start3A_959 = tpu.memref_slice %arg12[%dma_start3A_957, %dma_start3A_958] : memref<64x385xf32, #tpu.memory_space<vmem>> -> memref<64x384xf32, #tpu.memory_space<vmem>>
      %dma_start3A_960 = tpu.memref_slice %arg4[%mul3A_956, %multiple_of3A_531] : memref<128x259200xf32, #tpu.memory_space<hbm>> -> memref<64x384xf32, #tpu.memory_space<hbm>>
      %dma_start3A_961 = tpu.memref_slice %arg4[%mul3A_956, %multiple_of3A_531] : memref<128x259200xf32, #tpu.memory_space<hbm>> -> memref<64x384xf32, #tpu.memory_space<hbm>>
      %dma_start3A_962 = arith.constant 0 : i32
      %dma_start3A_963 = arith.constant 0 : i32
      %dma_start3A_964 = tpu.memref_slice %arg12[%dma_start3A_962, %dma_start3A_963] : memref<64x385xf32, #tpu.memory_space<vmem>> -> memref<64x384xf32, #tpu.memory_space<vmem>>
      tpu.enqueue_dma source(%dma_start3A_964 : memref<64x384xf32, #tpu.memory_space<vmem>>) target(%dma_start3A_961 : memref<64x384xf32, #tpu.memory_space<hbm>>) target_semaphore(%arg18 : memref<!tpu.dma_semaphore, #tpu.memory_space<semaphore_mem>>)
      %mul3A_965 = arith.constant 259200 : i32
      %mul3A_966 = arith.muli %arg0, %mul3A_965 : i32
      %add3A_967 = arith.addi %mul3A_966, %multiple_of3A_531 : i32
      %dma_start3A_968 = tpu.memref_slice %arg5[%add3A_967] : memref<518400xi32, #tpu.memory_space<hbm>> -> memref<384xi32, #tpu.memory_space<hbm>>
      %dma_start3A_969 = tpu.memref_slice %arg5[%add3A_967] : memref<518400xi32, #tpu.memory_space<hbm>> -> memref<384xi32, #tpu.memory_space<hbm>>
      tpu.enqueue_dma source(%arg14 : memref<384xi32, #tpu.memory_space<vmem>>) target(%dma_start3A_969 : memref<384xi32, #tpu.memory_space<hbm>>) target_semaphore(%arg18 : memref<!tpu.dma_semaphore, #tpu.memory_space<semaphore_mem>>)
    }
    %scan3A_54 = arith.constant 22 : i32
    %mul3A_55 = arith.constant 64 : i32
    %mul3A_56 = arith.muli %arg0, %mul3A_55 : i32
    %dma_wait3A = arith.constant 0 : i32
    %dma_wait3A_57 = arith.constant 0 : i32
    %dma_wait3A_58 = tpu.memref_slice %arg11[%dma_wait3A, %dma_wait3A_57] : memref<64x385xf32, #tpu.memory_space<vmem>> -> memref<64x384xf32, #tpu.memory_space<vmem>>
    %dma_wait3A_59 = arith.constant 0 : i32
    %dma_wait3A_60 = tpu.memref_slice %arg4[%mul3A_56, %dma_wait3A_59] : memref<128x259200xf32, #tpu.memory_space<hbm>> -> memref<64x384xf32, #tpu.memory_space<hbm>>
    %dma_wait3A_61 = arith.constant 0 : i32
    %dma_wait3A_62 = tpu.memref_slice %arg4[%mul3A_56, %dma_wait3A_61] : memref<128x259200xf32, #tpu.memory_space<hbm>> -> memref<64x384xf32, #tpu.memory_space<hbm>>
    %dma_wait3A_63 = arith.constant 0 : i32
    %dma_wait3A_64 = arith.constant 0 : i32
    %dma_wait3A_65 = tpu.memref_slice %arg11[%dma_wait3A_63, %dma_wait3A_64] : memref<64x385xf32, #tpu.memory_space<vmem>> -> memref<64x384xf32, #tpu.memory_space<vmem>>
    tpu.wait_dma2 semaphore(%arg17 : memref<!tpu.dma_semaphore, #tpu.memory_space<semaphore_mem>>) src(%dma_wait3A_65 : memref<64x384xf32, #tpu.memory_space<vmem>>) dst(%dma_wait3A_62 : memref<64x384xf32, #tpu.memory_space<hbm>>)
    %dma_wait3A_66 = arith.constant 0 : i32
    %dma_wait3A_67 = tpu.memref_slice %arg5[%dma_wait3A_66] : memref<518400xi32, #tpu.memory_space<hbm>> -> memref<384xi32, #tpu.memory_space<hbm>>
    %dma_wait3A_68 = arith.constant 0 : i32
    %dma_wait3A_69 = tpu.memref_slice %arg5[%dma_wait3A_68] : memref<518400xi32, #tpu.memory_space<hbm>> -> memref<384xi32, #tpu.memory_space<hbm>>
    tpu.wait_dma2 semaphore(%arg17 : memref<!tpu.dma_semaphore, #tpu.memory_space<semaphore_mem>>) src(%arg13 : memref<384xi32, #tpu.memory_space<vmem>>) dst(%dma_wait3A_69 : memref<384xi32, #tpu.memory_space<hbm>>)
    %mul3A_70 = arith.constant 64 : i32
    %mul3A_71 = arith.muli %arg0, %mul3A_70 : i32
    %dma_wait3A_72 = arith.constant 0 : i32
    %dma_wait3A_73 = arith.constant 0 : i32
    %dma_wait3A_74 = tpu.memref_slice %arg12[%dma_wait3A_72, %dma_wait3A_73] : memref<64x385xf32, #tpu.memory_space<vmem>> -> memref<64x384xf32, #tpu.memory_space<vmem>>
    %dma_wait3A_75 = arith.constant 0 : i32
    %dma_wait3A_76 = tpu.memref_slice %arg4[%mul3A_71, %dma_wait3A_75] : memref<128x259200xf32, #tpu.memory_space<hbm>> -> memref<64x384xf32, #tpu.memory_space<hbm>>
    %dma_wait3A_77 = arith.constant 0 : i32
    %dma_wait3A_78 = tpu.memref_slice %arg4[%mul3A_71, %dma_wait3A_77] : memref<128x259200xf32, #tpu.memory_space<hbm>> -> memref<64x384xf32, #tpu.memory_space<hbm>>
    %dma_wait3A_79 = arith.constant 0 : i32
    %dma_wait3A_80 = arith.constant 0 : i32
    %dma_wait3A_81 = tpu.memref_slice %arg12[%dma_wait3A_79, %dma_wait3A_80] : memref<64x385xf32, #tpu.memory_space<vmem>> -> memref<64x384xf32, #tpu.memory_space<vmem>>
    tpu.wait_dma2 semaphore(%arg18 : memref<!tpu.dma_semaphore, #tpu.memory_space<semaphore_mem>>) src(%dma_wait3A_81 : memref<64x384xf32, #tpu.memory_space<vmem>>) dst(%dma_wait3A_78 : memref<64x384xf32, #tpu.memory_space<hbm>>)
    %dma_wait3A_82 = arith.constant 0 : i32
    %dma_wait3A_83 = tpu.memref_slice %arg5[%dma_wait3A_82] : memref<518400xi32, #tpu.memory_space<hbm>> -> memref<384xi32, #tpu.memory_space<hbm>>
    %dma_wait3A_84 = arith.constant 0 : i32
    %dma_wait3A_85 = tpu.memref_slice %arg5[%dma_wait3A_84] : memref<518400xi32, #tpu.memory_space<hbm>> -> memref<384xi32, #tpu.memory_space<hbm>>
    tpu.wait_dma2 semaphore(%arg18 : memref<!tpu.dma_semaphore, #tpu.memory_space<semaphore_mem>>) src(%arg14 : memref<384xi32, #tpu.memory_space<vmem>>) dst(%dma_wait3A_85 : memref<384xi32, #tpu.memory_space<hbm>>)
    return
  }
}

</mosaic_0001>

<sc_bundles>
// kernel: kernel.3.cloned.1.call-start
scs
__scs_entry_jumppad:
0x0: {  	(pc) =	sbr.rel $0x88, $3  }
0x1: {  	(tag) =	ssettag $0x0;
	lr =	simm.s32 $0x1  }
0x2: {  	[smem:$0x3F9F] =	sst lr;
	_ =	strace $0xD0000000  }
0x3: {  	_ = 	snop  }
0x4: {  	_ = 	snop  }
0x5: {  	_ = 	snop  }
0x6: {  	_ = 	snop  }
0x7: {  	_ = 	snop  }
__scs_overlays_trampoline_lowered:
0x8: {  	[smem:$0x3FAE] =	sst s0  }
0x9: {  	[smem:$0x3FAF] =	sst s1  }
0xa: {  	[smem:$0x3FB0] =	sst s2  }
0xb: {  	[smem:$0x3FB1] =	sst s3  }
0xc: {  	[smem:$0x3FB2] =	sst s4  }
0xd: {  	[smem:$0x3FB3] =	sst s5  }
0xe: {  	[smem:$0x3FB4] =	sst s6  }
0xf: {  	[smem:$0x3FB5] =	sst s7  }
0x10: {  	[smem:$0x3FB6] =	sst s8  }
0x11: {  	[smem:$0x3FB7] =	sst s9;
	s0 =	simm.s32 @!p0 $0x0  }
0x12: {  	s1 =	sld [smem:$0x3F9D];
	s0 =	simm.s32 @p0 $0x1  }
0x13: {  	[smem:$0x3FB8] =	sst s0;
	s0 =	simm.s32 @!p1 $0x0  }
0x14: {  	s2 =	sld [smem:$0x3F9C];
	s0 =	simm.s32 @p1 $0x1  }
0x15: {  	[smem:$0x3FB9] =	sst s0;
	s0 =	simm.s32 @!p2 $0x0  }
0x16: {  	s3 =	sld [smem:$0x3FDB];
	s0 =	simm.s32 @p2 $0x1  }
0x17: {  	s4 =	simm.s32 $0x1BF5;
	[smem:$0x3FBB] =	sst s0  }
0x18: {  	s0 =	sld [smem:$0x3F9E];
	_ =	swait.ge [sflag:s4], $0x0  }
0x19: {  	s7 =	sld [smem:$0x3F9F]  }
0x1a: {  	s8 =	sadd.s32 $0xFFFFE003, lr  }
0x1b: {  	s9 =	sadd.s32 $0xFFFFFEF7, lr;
	s5 =	simm.s32 $0xFFFFFFFF;
	p2 =	slt.u32 s8, $0xFFFFF086  }
0x1c: {  	p1 =	slt.u32 s9, $0xF7A;
	s5 =	simm.s32 @!p2 $0x0  }
0x1d: {  	s5 =	simm.s32 @p1 $0x1;
	p0 =	seq.s32 s7, s2  }
0x1e: {  	s7 =	smul.u32 @!p0 $0xF7A, s2;
	p2 =	seq.s32 @!p0 s5, $0x0  }
0x1f: {  	s9 =	smul.u32 $0xF7A, s1;
	s8 =	simm.s32 @!p0 $0x1BF5;
	p2 =	por !p2, p0  }
0x20: {  	[sflag:s8] =	ssyncset.s32 @!p0 $0xFFFFF086;
	s6 =	sadd.s32 @!p0 s3, s7;
	s7 =	simm.s32 @!p0 $0x108  }
0x21: {  	s3 =	sadd.s32 s3, s9;
	s6 =	sadd.s32 @!p0 $0x88, s6;
	s7 =	simm.s32 @p2 $0x1082  }
0x22: {  	[simem:s7], [sflag:s8] =	dma.local @!p0 [hbm:s6], $0xF7A  }
0x23: {  	s9 =	sor.u32 $0xD0000000, s2;
	s6 =	simm.s32 $0x108;
	_ =	swait.ge @!p0 [sflag:s8], $0x0  }
0x24: {  	s3 =	sadd.s32 $0x88, s3;
	s6 =	simm.s32 @!p1 $0x1082;
	[sflag:s4] =	ssyncset.s32 $0xFFFFF086  }
0x25: {  	[simem:s6], [sflag:s4] =	dma.local [hbm:s3], $0xF7A  }
0x26: {  	[smem:$0x3F9F] =	sst s1;
	(tag) =	ssettag s2;
	_ =	strace s9  }
0x27: {  	s1 =	sld [smem:$0x3FAF]  }
0x28: {  	s2 =	sld [smem:$0x3FB0]  }
0x29: {  	s4 =	sld [smem:$0x3FB2]  }
0x2a: {  	p0 =	seq.s32 s5, $0x0;
	s5 =	sld [smem:$0x3FB3]  }
0x2b: {  	s6 =	sld [smem:$0x3FB4]  }
0x2c: {  	s7 =	sld [smem:$0x3FB5]  }
0x2d: {  	s3 =	simm.s32 $0x108;
	s8 =	sld [smem:$0x3FB6]  }
0x2e: {  	s3 =	simm.s32 @!p0 $0x1082;
	s9 =	sld [smem:$0x3FB7]  }
0x2f: {  	lr =	sadd.s32 s0, s3;
	s0 =	sld [smem:$0x3FAE]  }
0x30: {  	s3 =	sld [smem:$0x3FB1]  }
0x31: {  	[smem:$0x3FBA] =	sst s10  }
0x32: {  	s10 =	sld [smem:$0x3FB8];
	_ =	sdelay $0x3  }
0x33: {  	p0 =	seq.s32 s10, $0x1;
	s10 =	sld [smem:$0x3FBA];
	_ =	sdelay $0x3  }
0x34: {  	[smem:$0x3FBA] =	sst s10  }
0x35: {  	s10 =	sld [smem:$0x3FB9];
	_ =	sdelay $0x3  }
0x36: {  	p1 =	seq.s32 s10, $0x1;
	s10 =	sld [smem:$0x3FBA];
	_ =	sdelay $0x3  }
0x37: {  	[smem:$0x3FBA] =	sst s10  }
0x38: {  	s10 =	sld [smem:$0x3FBB]  }
0x39: {  	_ = 	snop;
	(pc) =	sbr.ind lr, $3  }
0x3a: {  	_ = 	snop  }
0x3b: {  	_ = 	snop  }
0x3c: {  	p2 =	seq.s32 s10, $0x1;
	s10 =	sld [smem:$0x3FBA]  }
0x3d: {  	_ =	shalt  }
0x3e: {  	_ =	shalt  }
0x3f: {  	_ =	shalt  }
0x40: {  	_ =	shalt  }
0x41: {  	_ =	shalt  }
0x42: {  	_ =	shalt  }
0x43: {  	_ =	shalt  }
0x44: {  	_ =	shalt  }
0x45: {  	_ =	shalt  }
0x46: {  	_ =	shalt  }
0x47: {  	_ =	shalt  }
0x48: {  	_ =	shalt  }
0x49: {  	_ =	shalt  }
0x4a: {  	_ =	shalt  }
0x4b: {  	_ =	shalt  }
0x4c: {  	_ =	shalt  }
0x4d: {  	_ =	shalt  }
0x4e: {  	_ =	shalt  }
0x4f: {  	_ =	shalt  }
0x50: {  	_ =	shalt  }
0x51: {  	_ =	shalt  }
0x52: {  	_ =	shalt  }
0x53: {  	_ =	shalt  }
0x54: {  	_ =	shalt  }
0x55: {  	_ =	shalt  }
0x56: {  	_ =	shalt  }
0x57: {  	_ =	shalt  }
0x58: {  	_ =	shalt  }
0x59: {  	_ =	shalt  }
0x5a: {  	_ =	shalt  }
0x5b: {  	_ =	shalt  }
0x5c: {  	_ =	shalt  }
0x5d: {  	_ =	shalt  }
0x5e: {  	_ =	shalt  }
0x5f: {  	_ =	shalt  }
0x60: {  	_ =	shalt  }
0x61: {  	_ =	shalt  }
0x62: {  	_ =	shalt  }
0x63: {  	_ =	shalt  }
0x64: {  	_ =	shalt  }
0x65: {  	_ =	shalt  }
0x66: {  	_ =	shalt  }
0x67: {  	_ =	shalt  }
0x68: {  	_ =	shalt  }
0x69: {  	_ =	shalt  }
0x6a: {  	_ =	shalt  }
0x6b: {  	_ =	shalt  }
0x6c: {  	_ =	shalt  }
0x6d: {  	_ =	shalt  }
0x6e: {  	_ =	shalt  }
0x6f: {  	_ =	shalt  }
0x70: {  	_ =	shalt  }
0x71: {  	_ =	shalt  }
0x72: {  	_ =	shalt  }
0x73: {  	_ =	shalt  }
0x74: {  	_ =	shalt  }
0x75: {  	_ =	shalt  }
0x76: {  	_ =	shalt  }
0x77: {  	_ =	shalt  }
0x78: {  	_ =	shalt  }
0x79: {  	_ =	shalt  }
0x7a: {  	_ =	shalt  }
0x7b: {  	_ =	shalt  }
0x7c: {  	_ =	shalt  }
0x7d: {  	_ =	shalt  }
0x7e: {  	_ =	shalt  }
0x7f: {  	_ =	shalt  }
0x80: {  	_ =	shalt  }
0x81: {  	_ =	shalt  }
0x82: {  	_ =	shalt  }
0x83: {  	_ =	shalt  }
0x84: {  	_ =	shalt  }
0x85: {  	_ =	shalt  }
0x86: {  	_ =	shalt  }
0x87: {  	_ =	shalt  }
.Lfunc_end0:
.L_simem_size_0:
called_computation.1_lowered:
.L_overlay_start_0:
0x88: {  	s2 =	sld [smem:$0x3FD9]  }
0x89: {  	s3 =	sld [smem:$0x3FFE];
	_ =	sdelay $0x1  }
0x8a: {  	s1 =	srdreg.scid  }
0x8b: {  	s0 =	sand.u32 $0x1, s1  }
0x8c: {  	s14 =	sshll.u32 s0, $0xA;
	s2 =	sadd.s32 s3, s2  }
0x8d: {  	s2 =	sadd.s32 s2, s14  }
0x8e: {  	[smem:$0x3FC6] =	sst s2  }
0x8f: {  	_ = 	snop  }
0x90: {  	s2 =	sld [smem:$0x3FD0];
	_ =	sdelay $0x2  }
0x91: {  	s15 =	simm.s32 $0xA;
	s4 =	simm.s32 $0x10  }
0x92: {  	[smem:s4], [sflag:s15] =	dma.local [hbm:s2], $0x1  }
0x93: {  	_ =	swait.eq [sflag:s15], $0x1  }
0x94: {  	[sflag:s15] =	ssyncset.done $0x0  }
0x95: {  	[sflag:s15] =	ssyncadd.s32 $0xFFFFFFFF  }
0x96: {  	s16 =	sld [smem:$0x10];
	(tm) =	ssettm $0x1  }
0x97: {  	s17 =	sld [smem:$0x3FFB];
	_ =	sdelay $0x3  }
0x98: {  	_ =	strace s17  }
0x99: {  	s3 =	sld [smem:$0x3FFC];
	_ =	sdelay $0x3  }
0x9a: {  	_ =	strace s3  }
0x9b: {  	s3 =	sld [smem:$0x3FFD];
	_ =	sdelay $0x3  }
0x9c: {  	_ =	strace s3  }
0x9d: {  	_ =	strace $0x8FFFFFFF  }
0x9e: {  	s18 =	sld [smem:$0x3FDB];
	_ =	sdelay $0x1  }
0x9f: {  	s19 =	simm.s32 $_scs_section_size  }
0xa0: {  	s5 =	simm.s32 $_size__tile_overlayer_lowered;
	s6 =	simm.s32 $_tile_overlayer_lowered  }
0xa1: {  	s22 =	simm.s32 $0x1BFF;
	s21 =	sshll.u32 s6, $0x1;
	s3 =	sadd.s32 s19, s18  }
0xa2: {  	s7 =	simm.s32 $0x0;
	s20 =	sshll.u32 s5, $0x1;
	s5 =	sadd.s32 s21, s3  }
0xa3: {  	[timem:s7], [sflag:s22] =	dma.local [hbm:s5], s20  }
0xa4: {  	_ =	swait.ge [sflag:s22], s20  }
0xa5: {  	s4 =	ssub.s32 $0x0, s20;
	[sflag:s22] =	ssyncset.done $0x0  }
0xa6: {  	[sflag:s22] =	ssyncadd.s32 s4;
	_ =	sdelay $0x1  }
0xa7: {  	s23 =	simm.s32 $0x1B8B  }
0xa8: {  	_ =	swait.ge [sflag:s23], $0x1  }
0xa9: {  	[sflag:s23] =	ssyncset.done $0x0  }
0xaa: {  	s25 =	simm.s32 $0x1B8E;
	s24 =	sld [smem:$0x3FFE];
	[sflag:s23] =	ssyncadd.s32 $0xFFFFFFFF  }
0xab: {  	s26 =	simm.s32 $execute0_lowered;
	[smem:$0x3FD2] =	sst s25  }
0xac: {  	s5 =	sshll.u32 s26, $0x1;
	_ =	strace $0x80000046;
	[dreg:$0x1] =	wrdreg $0xFFFFFFFF  }
0xad: {  	s28 =	simm.s32 $_size_execute0_lowered;
	s3 =	sadd.s32 s3, s5;
	[dreg:$0x0] =	wrdreg $0x0  }
0xae: {  	s5 =	sshll.u32 s28, $0x1;
	[dreg:$0x2] =	wrdreg s3  }
0xaf: {  	[dreg:$0x3] =	wrdreg s5  }
0xb0: {  	[dreg:$0x4] =	wrdreg $0xC0  }
0xb1: {  	_ =	task [dreg:s7], $0x5FFFF  }
0xb2: {  	[dreg:$0x1] =	wrdreg $0xFFFFFFFF  }
0xb3: {  	[dreg:$0x0] =	wrdreg $0x60  }
0xb4: {  	[dreg:$0x2] =	wrdreg s24  }
0xb5: {  	[dreg:$0x3] =	wrdreg s16  }
0xb6: {  	[dreg:$0x4] =	wrdreg $0x9  }
0xb7: {  	_ =	task.clear_ibuf [dreg:s7], $0x5FFFF;
	_ =	strace $0x90000046  }
0xb8: {  	s29 =	simm.s32 $0x9;
	_ =	strace $0x80000048  }
0xb9: {  	_ =	swait.ge [sflag:s29], $0x1  }
0xba: {  	[sflag:s29] =	ssyncadd.s32 $0xFFFFFFFF  }
0xbb: {  	_ =	strace $0x90000048  }
0xbc: {  	_ =	sfence  }
0xbd: {  	s30 =	sld [smem:$0x0];
	_ =	sdelay $0x2  }
0xbe: {  	s31 =	sshll.u32 s1, $0xD;
	s1 =	sshrl.u32 s1, $0x2  }
0xbf: {  	s3 =	sand.u32 $0x4000, s31;
	s1 =	sadd.s32 s1, s30  }
0xc0: {  	s0 =	sor.u32 s3, s0;
	s1 =	sshll.u32 s1, $0x11  }
0xc1: {  	s0 =	sor.u32 s1, s0  }
0xc2: {  	s0 =	sadd.s32 $0x8F2B, s0  }
0xc3: {  	[sflag:s0] =	ssyncadd.remote.s32 $0x1  }
0xc4: {  	_ =	sfence.sel $0xFFFF  }
0xc5: {  	[dreg:$0x0] =	wrdreg $0xFFFFFFFF;
	(pc) =	sbr.abs _section_cstart, $3  }
0xc6: {  	[dreg:$0x1] =	wrdreg $0xFFFFFFFF  }
0xc7: {  	_ =	task.clear_ibuf [dreg:s7], $0x2FFFF;
	_ =	strace $0x9FFFFFFF  }
0xc8: {  	(tm) =	ssettm $0x7FFFFFFF  }
0xc9: {  	_ =	shalt  }
tec
execute0_lowered:
.L_overlay_start_1:
0x0: {  	(tag) =	ssettag $0x1  }
0x1: {  	s0 =	rddreg [dreg:$0x0]  }
0x2: {  	s1 =	rddreg [dreg:$0x1]  }
0x3: {  	s2 =	simm.s32 $0x0;
	s3 =	srdreg.scid;
	s7 =	stileid.u32  }
0x4: {  	s15 =	simm.s32 $0x4B0;
	s16 =	simm.s32 $0x1D4C0;
	s18 =	simm.s32 $0x1  }
0x5: {  	s19 =	simm.s32 $0x1C20;
	s20 =	simm.s32 $0x2;
	s21 =	simm.s32 $0x80  }
0x6: {  	s31 =	simm.s32 $0x11E20;
	s23 =	simm.s32 $0x1E3A0;
	s17 =	simm.s32 $0x0  }
0x7: {  	[smem:$0x7FF] =	sst s2;
	s3 =	sand.u32 $0x1, s3;
	s10 =	smul.u32 $0x4200, s7  }
0x8: {  	s4 =	sadd.s32 $0xBE00, s0;
	s6 =	sadd.s32 $0xE00, s0;
	s5 =	smul.u32 $0xEA60, s3  }
0x9: {  	s7 =	sadd.s32 $0xF6400, s0;
	s8 =	ssub.s32 $0x2, s3;
	s12 =	smul.u32 $0xFD2000, s3  }
0xa: {  	v0 =	vlaneseq.u32;
	_ =	strace $0x80000047;
	s13 =	smul.u32 $0x3F480, s3;
	s9 =	sshrl.u32 s8, $0x1  }
0xb: {  	v1 =	vmul.u32 $0x188, v0;
	s3 =	simm.s32 $0x18020;
	s28 =	ssub.s32 s8, s9;
	s29 =	sshrl.u32 s5, $0x3  }
0xc: {  	v4 =	vimm.s32 $0xFFFFFFFF;
	v5 =	vimm.f32 $0.0e+00;
	s8 =	smin.u32 s10, $0x3B280;
	s10 =	sadd.s32 $0x4B0, s5;
	s9 =	sadd.s32 s6, s29  }
0xd: {  	v9 =	vimm.s32 $0x0;
	v6 =	vadd.s32 $0x1880, v1;
	v7 =	vadd.s32 $0x3100, v1;
	s30 =	sadd.s32 $0x4200, s8;
	s0 =	smax.u32 s28, $0x1;
	[dreg:$0x3] =	wrdreg s9  }
0xe: {  	v8 =	vadd.s32 $0x4980, v1;
	s11 =	sadd.s32 $0x960, s5;
	v3 =	vmov s8;
	[dreg:$0x4] =	wrdreg s0;
	v2 =	vmov s30;
	s0 =	simm.s32 $0x1E220  }
.LBB2_1:
0xf: {  	[dreg:$0x5] =	wrdreg s17;
	s9 =	simm.s32 $0x40;
	s14 =	simm.s32 $0x0  }
.LBB2_2:
0x10: {  	p0 =	sne.s32 s9, $0x107C0;
	[tilespmem:s14+$0x1C20] =	vst v4;
	s14 =	smov.u32 s9;
	s9 =	sadd.s32 $0x40, s9  }
.Ltmp0:
0x11: {  	(pc) =	sbr.rel @p0 .LBB2_2-.Ltmp0, $2  }
0x12: {  	_ =	sdelay $0x2  }
0x13: {  	s14 =	sshra.s32 s14, $0x2  }
0x14: {  	s9 =	simm.s32 $0x0  }
0x15: {  	[tilespmem:s14+$0x1C20] =	vst v4;
	s30 =	rddreg [dreg:$0x3];
	s14 =	smov.u32 s10;
	s25 =	smov.u32 s5  }
0x16: {  	[tilespmem:s9], [sflag:$0x1] =	stream.strided.gather [hbm4b:s30+s15], $0xE10, s16, s15, $0x38;
	[tilespmem:$0x1E520] =	vst v63  }
.LBB2_4:
0x17: {  	s24 =	smul.u32 $0x960, s9;
	_ =	sdelay $0x1  }
0x18: {  	s22 =	sadd.s32 s24, s10  }
0x19: {  	s17 =	sshrl.u32 s22, $0x3  }
0x1a: {  	s26 =	simm.s32 $0xE10;
	s17 =	sadd.s32 s6, s17  }
0x1b: {  	[tilespmem:s26], [sflag:$0x2] =	stream.strided.gather [hbm4b:s17+s15], $0xE10, s16, s15, $0x38;
	[tilespmem:$0x1E520] =	vst v63  }
0x1c: {  	_ =	swait.ge [sflag:s18], $0xE10  }
0x1d: {  	[sflag:s18] =	ssyncset.done $0x0  }
0x1e: {  	s26 =	simm.s32 $0x4C0;
	[sflag:s18] =	ssyncadd.s32 $0xFFFFF1F0  }
0x1f: {  	v10 =	vld [tilespmem:s26+$0xFFFFFB50]  }
0x20: {  	v11 =	vld [tilespmem:s26+$0x0]  }
0x21: {  	v12 =	vld [tilespmem:s26+$0xFFFFFFF0]  }
0x22: {  	v13 =	vld [tilespmem:s26+$0xFFFFFB40]  }
0x23: {  	v14 =	vld [tilespmem:s26+$0x4B0];
	_ =	sdelay $0x1  }
0x24: {  	v10 =	vmul.u32 $0x1FA40, v10;
	v11 =	vmul.u32 $0x168, v11;
	_ =	sdelay $0x1  }
0x25: {  	s30 =	simm.s32 $0x4E0;
	v15 =	vld [tilespmem:s26+$0x4A0];
	v12 =	vmul.u32 $0x168, v12;
	v13 =	vmul.u32 $0x1FA40, v13;
	v10 =	vadd.s32 v10, v11  }
0x26: {  	v16 =	vld [tilespmem:s30+$0xFFFFFB50];
	v10 =	vadd.s32 v14, v10  }
0x27: {  	v11 =	vld [tilespmem:s30+$0x0];
	v12 =	vadd.s32 v13, v12;
	v13 =	vsub.s32 v10, v3  }
0x28: {  	v14 =	vld [tilespmem:s30+$0xFFFFFFF0];
	vm2 =	vgt.s32 v13, $0x0  }
0x29: {  	vm0 =	vge.s32 v10, v3;
	vm1 =	vlt.s32 v10, v2;
	v10 =	vnsel vm2, $0x0, v13;
	v13 =	vld [tilespmem:s30+$0xFFFFFB40]  }
0x2a: {  	v17 =	vadd.s32 v15, v12;
	v12 =	vld [tilespmem:s30+$0x4B0];
	vm0 =	vmand vm0, vm1  }
0x2b: {  	v15 =	vmul.u32 $0x1FA40, v16;
	v18 =	vsub.s32 v17, v3;
	v10 =	vmin.u32 v10, $0x41FF  }
0x2c: {  	s28 =	simm.s32 $0x2;
	vm3 =	vlt.s32 v17, v2;
	vm2 =	vgt.s32 v18, $0x0;
	v16 =	vmul.u32 $0x168, v11  }
0x2d: {  	s29 =	simm.s32 $0x500;
	s17 =	sadd.s32 s5, s24;
	s26 =	smov.u32 s25;
	vm1 =	vge.s32 v17, v3;
	v11 =	vld [tilespmem:s30+$0x4A0];
	v17 =	vnsel vm2, $0x0, v18;
	v14 =	vmul.u32 $0x168, v14  }
.LBB2_5:
0x2e: {  	v18 =	vld [tilespmem:s29+$0xFFFFFB50];
	v13 =	vmul.u32 $0x1FA40, v13;
	v15 =	vadd.s32 v15, v16;
	v19 =	vmin.u32 v17, $0x41FF;
	s30 =	sadd.s32 $0x10, s26  }
0x2f: {  	s28 =	sadd.s32 $0x2, s28;
	vm2 =	vmand vm1, vm3;
	v16 =	vld [tilespmem:s29+$0x0];
	v12 =	vadd.s32 v12, v15;
	v15 =	vor.u32 s30, v0  }
0x30: {  	v21 =	vor.u32 s26, v0;
	p0 =	slt.u32 s28, $0x48;
	v17 =	vld [tilespmem:s29+$0xFFFFFFF0];
	v14 =	vadd.s32 v13, v14;
	v20 =	vsub.s32 v12, v3;
	[tilespmem:v10+s19+$0x0] =	vst.idx.msk vm0, v15  }
.Ltmp1:
0x31: {  	vm0 =	vge.s32 v12, v3;
	vm1 =	vlt.s32 v12, v2;
	v13 =	vld [tilespmem:s29+$0xFFFFFB40];
	vm3 =	vgt.s32 v20, $0x0;
	(pc) =	sbr.rel @p0 .LBB2_5-.Ltmp1, $4  }
0x32: {  	v22 =	vadd.s32 v11, v14;
	vm0 =	vmand vm0, vm1;
	v12 =	vld [tilespmem:s29+$0x4B0];
	v10 =	vnsel vm3, $0x0, v20  }
0x33: {  	vm1 =	vge.s32 v22, v3;
	v20 =	vsub.s32 v22, v3;
	v11 =	vld [tilespmem:s29+$0x4A0];
	v10 =	vmin.u32 v10, $0x41FF  }
0x34: {  	v15 =	vmul.u32 $0x1FA40, v18;
	vm4 =	vgt.s32 v20, $0x0;
	v16 =	vmul.u32 $0x168, v16  }
0x35: {  	s26 =	sadd.s32 $0x20, s26;
	vm3 =	vlt.s32 v22, v2;
	s29 =	sadd.s32 $0x20, s29;
	v14 =	vmul.u32 $0x168, v17;
	v17 =	vnsel vm4, $0x0, v20;
	[tilespmem:v19+s19+$0x0] =	vst.idx.msk vm2, v21  }
0x36: {  	v13 =	vmul.u32 $0x1FA40, v13;
	v15 =	vadd.s32 v15, v16  }
0x37: {  	v16 =	vmin.u32 v17, $0x41FF;
	vm1 =	vmand vm1, vm3;
	v12 =	vadd.s32 v12, v15  }
0x38: {  	v13 =	vadd.s32 v13, v14;
	v14 =	vsub.s32 v12, v3;
	vm2 =	vge.s32 v12, v3  }
0x39: {  	vm3 =	vlt.s32 v12, v2;
	vm4 =	vgt.s32 v14, $0x0;
	v11 =	vadd.s32 v11, v13  }
0x3a: {  	vm2 =	vmand vm2, vm3;
	v12 =	vnsel vm4, $0x0, v14;
	v13 =	vsub.s32 v11, v3  }
0x3b: {  	vm3 =	vge.s32 v11, v3;
	vm5 =	vlt.s32 v11, v2;
	vm4 =	vgt.s32 v13, $0x0  }
0x3c: {  	v12 =	vmin.u32 v12, $0x41FF;
	vm3 =	vmand vm3, vm5;
	v11 =	vnsel vm4, $0x0, v13  }
0x3d: {  	v11 =	vmin.u32 v11, $0x41FF  }
0x3e: {  	s28 =	sadd.s32 $0x10, s26;
	s29 =	sadd.s32 $0x20, s26;
	v14 =	vor.u32 s26, v0  }
0x3f: {  	s30 =	sadd.s32 $0x10, s29;
	v13 =	vor.u32 s28, v0;
	[tilespmem:v16+s19+$0x0] =	vst.idx.msk vm1, v14  }
0x40: {  	[tilespmem:v10+s19+$0x0] =	vst.idx.msk vm0, v13;
	v10 =	vor.u32 s30, v0  }
0x41: {  	v13 =	vor.u32 s29, v0;
	[tilespmem:v12+s19+$0x0] =	vst.idx.msk vm2, v10  }
0x42: {  	[tilespmem:v11+s19+$0x0] =	vst.idx.msk vm3, v13  }
0x43: {  	v10 =	vld [tilespmem:$0x4A0]  }
0x44: {  	v11 =	vld [tilespmem:$0x950];
	_ =	sdelay $0x2  }
0x45: {  	v12 =	vld [tilespmem:$0xE00];
	_ =	sdelay $0x1  }
0x46: {  	v10 =	vmul.u32 $0x1FA40, v10;
	v11 =	vmul.u32 $0x168, v11;
	_ =	sdelay $0x1  }
0x47: {  	v10 =	vadd.s32 v10, v11  }
0x48: {  	v10 =	vadd.s32 v12, v10  }
0x49: {  	v11 =	vsub.s32 v10, v3  }
0x4a: {  	vm0 =	vge.s32 v10, v3;
	vm1 =	vlt.s32 v10, v2;
	vm2 =	vgt.s32 v11, $0x0  }
0x4b: {  	vm0 =	vmand vm0, vm1;
	v10 =	vnsel vm2, $0x0, v11  }
0x4c: {  	v10 =	vmin.u32 v10, $0x41FF;
	_ =	sdelay $0x1  }
0x4d: {  	p0 =	seq.s32 s9, $0x18  }
0x4e: {  	s17 =	sadd.s32 $0x4A0, s17;
	s24 =	sadd.s32 @!p0 s24, s11  }
0x4f: {  	s24 =	sshrl.u32 @!p0 s24, $0x3;
	s26 =	simm.s32 @!p0 $0x1D4C0;
	v11 =	vor.u32 s17, v0  }
0x50: {  	s28 =	simm.s32 @!p0 $0x0;
	s17 =	sadd.s32 @!p0 s6, s24;
	s24 =	simm.s32 @!p0 $0x4B0;
	[tilespmem:v10+s19+$0x0] =	vst.idx.msk vm0, v11  }
0x51: {  	[tilespmem:s28], [sflag:$0x1] =	stream.strided.gather @!p0 [hbm4b:s17+s24], $0xE10, s26, s24, $0x38;
	[tilespmem:$0x1E520] =	vst v63  }
0x52: {  	_ =	swait.ge [sflag:s20], $0xE10  }
0x53: {  	[sflag:s20] =	ssyncset.done $0x0  }
0x54: {  	s29 =	simm.s32 $0x12D0;
	[sflag:s20] =	ssyncadd.s32 $0xFFFFF1F0  }
0x55: {  	v10 =	vld [tilespmem:s29+$0xFFFFFB50]  }
0x56: {  	v11 =	vld [tilespmem:s29+$0x0]  }
0x57: {  	v12 =	vld [tilespmem:s29+$0xFFFFFFF0]  }
0x58: {  	v13 =	vld [tilespmem:s29+$0xFFFFFB40]  }
0x59: {  	v14 =	vld [tilespmem:s29+$0x4B0];
	_ =	sdelay $0x1  }
0x5a: {  	v10 =	vmul.u32 $0x1FA40, v10;
	v11 =	vmul.u32 $0x168, v11;
	_ =	sdelay $0x1  }
0x5b: {  	s30 =	simm.s32 $0x12F0;
	v15 =	vld [tilespmem:s29+$0x4A0];
	v12 =	vmul.u32 $0x168, v12;
	v13 =	vmul.u32 $0x1FA40, v13;
	v10 =	vadd.s32 v10, v11  }
0x5c: {  	v16 =	vld [tilespmem:s30+$0xFFFFFB50];
	v10 =	vadd.s32 v14, v10  }
0x5d: {  	v11 =	vld [tilespmem:s30+$0x0];
	v12 =	vadd.s32 v13, v12;
	v13 =	vsub.s32 v10, v3  }
0x5e: {  	v14 =	vld [tilespmem:s30+$0xFFFFFFF0];
	vm2 =	vgt.s32 v13, $0x0  }
0x5f: {  	vm0 =	vge.s32 v10, v3;
	vm1 =	vlt.s32 v10, v2;
	v10 =	vnsel vm2, $0x0, v13;
	v13 =	vld [tilespmem:s30+$0xFFFFFB40]  }
0x60: {  	v17 =	vadd.s32 v15, v12;
	v12 =	vld [tilespmem:s30+$0x4B0];
	vm0 =	vmand vm0, vm1  }
0x61: {  	v15 =	vmul.u32 $0x1FA40, v16;
	v18 =	vsub.s32 v17, v3;
	v10 =	vmin.u32 v10, $0x41FF  }
0x62: {  	vm3 =	vlt.s32 v17, v2;
	vm2 =	vgt.s32 v18, $0x0;
	v16 =	vmul.u32 $0x168, v11  }
0x63: {  	s24 =	simm.s32 $0x2;
	s26 =	simm.s32 $0x1310;
	s17 =	smov.u32 s14;
	vm1 =	vge.s32 v17, v3;
	v11 =	vld [tilespmem:s30+$0x4A0];
	v17 =	vnsel vm2, $0x0, v18;
	v14 =	vmul.u32 $0x168, v14  }
.LBB2_7:
0x64: {  	v18 =	vld [tilespmem:s26+$0xFFFFFB50];
	v13 =	vmul.u32 $0x1FA40, v13;
	v15 =	vadd.s32 v15, v16;
	v19 =	vmin.u32 v17, $0x41FF;
	s28 =	sadd.s32 $0x10, s17  }
0x65: {  	s24 =	sadd.s32 $0x2, s24;
	vm2 =	vmand vm1, vm3;
	v16 =	vld [tilespmem:s26+$0x0];
	v12 =	vadd.s32 v12, v15;
	v15 =	vor.u32 s28, v0  }
0x66: {  	v21 =	vor.u32 s17, v0;
	p0 =	slt.u32 s24, $0x48;
	v17 =	vld [tilespmem:s26+$0xFFFFFFF0];
	v14 =	vadd.s32 v13, v14;
	v20 =	vsub.s32 v12, v3;
	[tilespmem:v10+s19+$0x0] =	vst.idx.msk vm0, v15  }
.Ltmp2:
0x67: {  	vm0 =	vge.s32 v12, v3;
	vm1 =	vlt.s32 v12, v2;
	v13 =	vld [tilespmem:s26+$0xFFFFFB40];
	vm3 =	vgt.s32 v20, $0x0;
	(pc) =	sbr.rel @p0 .LBB2_7-.Ltmp2, $4  }
0x68: {  	v22 =	vadd.s32 v11, v14;
	vm0 =	vmand vm0, vm1;
	v12 =	vld [tilespmem:s26+$0x4B0];
	v10 =	vnsel vm3, $0x0, v20  }
0x69: {  	vm1 =	vge.s32 v22, v3;
	v20 =	vsub.s32 v22, v3;
	v11 =	vld [tilespmem:s26+$0x4A0];
	v10 =	vmin.u32 v10, $0x41FF  }
0x6a: {  	v15 =	vmul.u32 $0x1FA40, v18;
	vm4 =	vgt.s32 v20, $0x0;
	v16 =	vmul.u32 $0x168, v16  }
0x6b: {  	s17 =	sadd.s32 $0x20, s17;
	vm3 =	vlt.s32 v22, v2;
	s26 =	sadd.s32 $0x20, s26;
	v14 =	vmul.u32 $0x168, v17;
	v17 =	vnsel vm4, $0x0, v20;
	[tilespmem:v19+s19+$0x0] =	vst.idx.msk vm2, v21  }
0x6c: {  	v13 =	vmul.u32 $0x1FA40, v13;
	v15 =	vadd.s32 v15, v16  }
0x6d: {  	v58 =	vmin.u32 v17, $0x41FF;
	vm1 =	vmand vm1, vm3;
	v12 =	vadd.s32 v12, v15  }
0x6e: {  	v13 =	vadd.s32 v13, v14;
	v59 =	vsub.s32 v12, v3;
	vm2 =	vge.s32 v12, v3  }
0x6f: {  	vm10 =	vlt.s32 v12, v2;
	vm4 =	vgt.s32 v59, $0x0;
	v11 =	vadd.s32 v11, v13  }
0x70: {  	vm2 =	vmand vm2, vm10;
	v60 =	vnsel vm4, $0x0, v59;
	v13 =	vsub.s32 v11, v3  }
0x71: {  	vm11 =	vge.s32 v11, v3;
	vm5 =	vlt.s32 v11, v2;
	vm12 =	vgt.s32 v13, $0x0  }
0x72: {  	v12 =	vmin.u32 v60, $0x41FF;
	vm3 =	vmand vm11, vm5;
	v11 =	vnsel vm12, $0x0, v13  }
0x73: {  	s24 =	sadd.s32 $0x10, s17;
	v11 =	vmin.u32 v11, $0x41FF  }
0x74: {  	s28 =	sadd.s32 $0x20, s17;
	v61 =	vor.u32 s24, v0  }
0x75: {  	v62 =	vor.u32 s17, v0;
	s29 =	sadd.s32 $0x10, s28;
	[tilespmem:v10+s19+$0x0] =	vst.idx.msk vm0, v61  }
0x76: {  	v10 =	vor.u32 s29, v0;
	[tilespmem:v58+s19+$0x0] =	vst.idx.msk vm1, v62  }
0x77: {  	v63 =	vor.u32 s28, v0;
	[tilespmem:v12+s19+$0x0] =	vst.idx.msk vm2, v10  }
0x78: {  	[tilespmem:v11+s19+$0x0] =	vst.idx.msk vm3, v63  }
0x79: {  	v10 =	vld [tilespmem:$0x12B0]  }
0x7a: {  	v11 =	vld [tilespmem:$0x1760];
	_ =	sdelay $0x2  }
0x7b: {  	v12 =	vld [tilespmem:$0x1C10];
	_ =	sdelay $0x1  }
0x7c: {  	v10 =	vmul.u32 $0x1FA40, v10;
	v11 =	vmul.u32 $0x168, v11;
	_ =	sdelay $0x1  }
0x7d: {  	v10 =	vadd.s32 v10, v11  }
0x7e: {  	v10 =	vadd.s32 v12, v10  }
0x7f: {  	v11 =	vsub.s32 v10, v3  }
0x80: {  	vm13 =	vge.s32 v10, v3;
	vm14 =	vlt.s32 v10, v2;
	vm15 =	vgt.s32 v11, $0x0  }
0x81: {  	s9 =	sadd.s32 $0x1, s9;
	vm0 =	vmand vm13, vm14;
	v10 =	vnsel vm15, $0x0, v11  }
0x82: {  	p0 =	sne.s32 s9, $0x19;
	v10 =	vmin.u32 v10, $0x41FF  }
.Ltmp3:
0x83: {  	_ = 	snop;
	(pc) =	sbr.rel @p0 .LBB2_4-.Ltmp3, $4  }
0x84: {  	_ = 	snop  }
0x85: {  	s30 =	sadd.s32 $0x4A0, s22  }
0x86: {  	v11 =	vor.u32 s30, v0  }
0x87: {  	s25 =	sadd.s32 $0x960, s25;
	s14 =	sadd.s32 $0x960, s14;
	[tilespmem:v10+s19+$0x0] =	vst.idx.msk vm0, v11  }
0x88: {  	s9 =	simm.s32 $0x5EA0  }
0x89: {  	[tilespmem:s9+$0xFFFFFF80] =	vst v5  }
0x8a: {  	[tilespmem:s9+$0x70] =	vst v5  }
0x8b: {  	[tilespmem:s9+$0x60] =	vst v5  }
0x8c: {  	[tilespmem:s9+$0x50] =	vst v5  }
0x8d: {  	[tilespmem:s9+$0x40] =	vst v5  }
0x8e: {  	[tilespmem:s9+$0x30] =	vst v5  }
0x8f: {  	[tilespmem:s9+$0x20] =	vst v5  }
0x90: {  	[tilespmem:s9+$0x10] =	vst v5  }
0x91: {  	[tilespmem:s9+$0x0] =	vst v5  }
0x92: {  	[tilespmem:s9+$0xFFFFFFF0] =	vst v5  }
0x93: {  	[tilespmem:s9+$0xFFFFFFE0] =	vst v5  }
0x94: {  	[tilespmem:s9+$0xFFFFFFD0] =	vst v5  }
0x95: {  	[tilespmem:s9+$0xFFFFFFC0] =	vst v5  }
0x96: {  	[tilespmem:s9+$0xFFFFFFB0] =	vst v5  }
0x97: {  	s14 =	simm.s32 $0x0;
	[tilespmem:s9+$0xFFFFFFA0] =	vst v5  }
.LBB2_10:
0x98: {  	s14 =	sadd.s32 $0x4, s14;
	[tilespmem:s9+$0xFFFFFF90] =	vst v5;
	s9 =	sadd.s32 $0x100, s9  }
0x99: {  	[tilespmem:s9+$0xFFFFFF80] =	vst v5;
	p0 =	slt.u32 s14, $0x17C  }
0x9a: {  	[tilespmem:s9+$0x70] =	vst v5  }
0x9b: {  	[tilespmem:s9+$0x60] =	vst v5  }
0x9c: {  	[tilespmem:s9+$0x50] =	vst v5  }
0x9d: {  	[tilespmem:s9+$0x40] =	vst v5  }
0x9e: {  	[tilespmem:s9+$0x30] =	vst v5  }
0x9f: {  	[tilespmem:s9+$0x20] =	vst v5  }
0xa0: {  	[tilespmem:s9+$0x10] =	vst v5  }
0xa1: {  	[tilespmem:s9+$0x0] =	vst v5  }
0xa2: {  	[tilespmem:s9+$0xFFFFFFF0] =	vst v5  }
.Ltmp4:
0xa3: {  	[tilespmem:s9+$0xFFFFFFE0] =	vst v5;
	(pc) =	sbr.rel @p0 .LBB2_10-.Ltmp4, $4  }
0xa4: {  	[tilespmem:s9+$0xFFFFFFD0] =	vst v5  }
0xa5: {  	[tilespmem:s9+$0xFFFFFFC0] =	vst v5  }
0xa6: {  	[tilespmem:s9+$0xFFFFFFB0] =	vst v5  }
0xa7: {  	[tilespmem:s9+$0xFFFFFFA0] =	vst v5  }
0xa8: {  	[tilespmem:s9+$0xFFFFFF90] =	vst v5;
	(ifvalue) =	ssetifvalue $0xFFFFFFFF  }
0xa9: {  	s30 =	simm.s32 $0x5E20;
	(ifvalue) =	ssetifvalue $0xFFFFFFFF  }
0xaa: {  	[tilespmem:s30], [sflag:$0x1] =	stream.indirect.gather [hbm4b:s4+s21], $0x40, s19, s21, $0x40b8;
	[tilespmem:$0x1E520] =	vst v63  }
0xab: {  	(ifvalue) =	ssetifvalue $0xFFFFFFFF  }
0xac: {  	s26 =	simm.s32 $0x1CA0;
	s14 =	simm.s32 $0x7E20;
	(ifvalue) =	ssetifvalue $0xFFFFFFFF  }
0xad: {  	[tilespmem:s14], [sflag:$0x1] =	stream.indirect.gather [hbm4b:s4+s21], $0x40, s26, s21, $0x40b8;
	[tilespmem:$0x1E520] =	vst v63  }
0xae: {  	s28 =	simm.s32 $0x1D20;
	(ifvalue) =	ssetifvalue $0xFFFFFFFF  }
0xaf: {  	s29 =	simm.s32 $0x9E20;
	s25 =	simm.s32 $0x0;
	(ifvalue) =	ssetifvalue $0xFFFFFFFF  }
0xb0: {  	[tilespmem:s29], [sflag:$0x1] =	stream.indirect.gather [hbm4b:s4+s21], $0x40, s28, s21, $0x40b8;
	[tilespmem:$0x1E520] =	vst v63  }
.LBB2_12:
0xb1: {  	s9 =	simm.s32 $0xBEA0  }
0xb2: {  	[tilespmem:s9+$0xFFFFFF80] =	vst v5  }
0xb3: {  	[tilespmem:s9+$0x70] =	vst v5  }
0xb4: {  	[tilespmem:s9+$0x60] =	vst v5  }
0xb5: {  	[tilespmem:s9+$0x50] =	vst v5  }
0xb6: {  	[tilespmem:s9+$0x40] =	vst v5  }
0xb7: {  	[tilespmem:s9+$0x30] =	vst v5  }
0xb8: {  	[tilespmem:s9+$0x20] =	vst v5  }
0xb9: {  	[tilespmem:s9+$0x10] =	vst v5  }
0xba: {  	[tilespmem:s9+$0x0] =	vst v5  }
0xbb: {  	[tilespmem:s9+$0xFFFFFFF0] =	vst v5  }
0xbc: {  	[tilespmem:s9+$0xFFFFFFE0] =	vst v5  }
0xbd: {  	[tilespmem:s9+$0xFFFFFFD0] =	vst v5  }
0xbe: {  	[tilespmem:s9+$0xFFFFFFC0] =	vst v5  }
0xbf: {  	[tilespmem:s9+$0xFFFFFFB0] =	vst v5  }
0xc0: {  	s14 =	simm.s32 $0x0;
	[tilespmem:s9+$0xFFFFFFA0] =	vst v5  }
.LBB2_13:
0xc1: {  	s14 =	sadd.s32 $0x4, s14;
	[tilespmem:s9+$0xFFFFFF90] =	vst v5;
	s9 =	sadd.s32 $0x100, s9  }
0xc2: {  	[tilespmem:s9+$0xFFFFFF80] =	vst v5;
	p0 =	slt.u32 s14, $0x17C  }
0xc3: {  	[tilespmem:s9+$0x70] =	vst v5  }
0xc4: {  	[tilespmem:s9+$0x60] =	vst v5  }
0xc5: {  	[tilespmem:s9+$0x50] =	vst v5  }
0xc6: {  	[tilespmem:s9+$0x40] =	vst v5  }
0xc7: {  	[tilespmem:s9+$0x30] =	vst v5  }
0xc8: {  	[tilespmem:s9+$0x20] =	vst v5  }
0xc9: {  	[tilespmem:s9+$0x10] =	vst v5  }
0xca: {  	[tilespmem:s9+$0x0] =	vst v5  }
0xcb: {  	[tilespmem:s9+$0xFFFFFFF0] =	vst v5  }
.Ltmp5:
0xcc: {  	[tilespmem:s9+$0xFFFFFFE0] =	vst v5;
	(pc) =	sbr.rel @p0 .LBB2_13-.Ltmp5, $4  }
0xcd: {  	[tilespmem:s9+$0xFFFFFFD0] =	vst v5  }
0xce: {  	[tilespmem:s9+$0xFFFFFFC0] =	vst v5  }
0xcf: {  	[tilespmem:s9+$0xFFFFFFB0] =	vst v5  }
0xd0: {  	[tilespmem:s9+$0xFFFFFFA0] =	vst v5  }
0xd1: {  	s14 =	smul.u32 $0x300, s25  }
0xd2: {  	[tilespmem:s9+$0xFFFFFF90] =	vst v5;
	(ifvalue) =	ssetifvalue $0xFFFFFFFF  }
0xd3: {  	s17 =	simm.s32 $0xBE20;
	(ifvalue) =	ssetifvalue $0xFFFFFFFF;
	s22 =	sadd.s32 $0x1DA0, s14  }
0xd4: {  	[tilespmem:s17], [sflag:$0x2] =	stream.indirect.gather [hbm4b:s4+s21], $0x40, s22, s21, $0x40b8;
	[tilespmem:$0x1E520] =	vst v63  }
0xd5: {  	(ifvalue) =	ssetifvalue $0xFFFFFFFF  }
0xd6: {  	s26 =	simm.s32 $0xDE20;
	s24 =	sadd.s32 $0x1E20, s14;
	(ifvalue) =	ssetifvalue $0xFFFFFFFF  }
0xd7: {  	[tilespmem:s26], [sflag:$0x2] =	stream.indirect.gather [hbm4b:s4+s21], $0x40, s24, s21, $0x40b8;
	[tilespmem:$0x1E520] =	vst v63  }
0xd8: {  	(ifvalue) =	ssetifvalue $0xFFFFFFFF  }
0xd9: {  	s22 =	sadd.s32 $0x1EA0, s14;
	s24 =	simm.s32 $0xFE20;
	(ifvalue) =	ssetifvalue $0xFFFFFFFF  }
0xda: {  	[tilespmem:s24], [sflag:$0x2] =	stream.indirect.gather [hbm4b:s4+s21], $0x40, s22, s21, $0x40b8;
	[tilespmem:$0x1E520] =	vst v63  }
0xdb: {  	_ =	swait.ge [sflag:s18], $0x2000  }
0xdc: {  	[sflag:s18] =	ssyncset.done $0x0  }
0xdd: {  	[sflag:s18] =	ssyncadd.s32 $0xFFFFE000  }
0xde: {  	_ =	swait.ge [sflag:s18], $0x2000  }
0xdf: {  	[sflag:s18] =	ssyncset.done $0x0  }
0xe0: {  	[sflag:s18] =	ssyncadd.s32 $0xFFFFE000  }
0xe1: {  	_ =	swait.ge [sflag:s18], $0x2000  }
0xe2: {  	p0 =	seq.s32 s25, $0x0;
	[sflag:s18] =	ssyncset.done $0x0  }
0xe3: {  	s9 =	simm.s32 @!p0 $0x3;
	[sflag:s18] =	ssyncadd.s32 $0xFFFFE000  }
0xe4: {  	_ =	swait.ge @!p0 [sflag:s9], $0x6000  }
0xe5: {  	[sflag:s9] =	ssyncset.done @!p0 $0x0  }
0xe6: {  	[sflag:s9] =	ssyncadd.s32 @!p0 $0xFFFFA000  }
0xe7: {  	s26 =	simm.s32 $0x3;
	_ =	swait.ge @!p0 [sflag:s9], $0x180  }
0xe8: {  	v10 =	vmov s26;
	s22 =	simm.s32 $0x0;
	[sflag:s9] =	ssyncset.done @!p0 $0x0  }
0xe9: {  	s26 =	simm.s32 $0x5EA0;
	v11 =	vand.u32 $0x1FF, v10;
	s24 =	simm.s32 $0x1;
	v10 =	vmov s22;
	[sflag:s9] =	ssyncadd.s32 @!p0 $0xFFFFFE80  }
0xea: {  	v14 =	vadd.s32 v1, v11;
	v12 =	vand.u32 $0x1FC, v10;
	v10 =	vmov s24;
	v13 =	vld [tilespmem:s26+$0x40]  }
0xeb: {  	v16 =	vadd.s32 v1, v12;
	v17 =	vand.u32 $0x1FD, v10;
	v15 =	vld [tilespmem:s26+$0xFFFFFF80]  }
0xec: {  	s17 =	simm.s32 $0x2;
	v18 =	vadd.s32 v1, v17;
	v10 =	vld [tilespmem:s26+$0xFFFFFFC0]  }
0xed: {  	v19 =	vmov s17  }
0xee: {  	v19 =	vand.u32 $0x1FE, v19  }
0xef: {  	v21 =	vadd.s32 v1, v19;
	v20 =	vld [tilespmem:s26+$0x0];
	[tilespmem:v14+s31+$0x0] =	vst.idx.msk $0xffff, v13  }
0xf0: {  	v14 =	vadd.s32 v6, v11;
	[tilespmem:v16+s31+$0x0] =	vst.idx.msk $0xffff, v15;
	v13 =	vld [tilespmem:s26+$0x50]  }
0xf1: {  	v16 =	vadd.s32 v6, v12;
	[tilespmem:v18+s31+$0x0] =	vst.idx.msk $0xffff, v10;
	v15 =	vld [tilespmem:s26+$0xFFFFFF90]  }
0xf2: {  	v18 =	vadd.s32 v6, v17;
	v10 =	vld [tilespmem:s26+$0xFFFFFFD0];
	_ =	sdelay $0x1  }
0xf3: {  	[tilespmem:v21+s31+$0x0] =	vst.idx.msk $0xffff, v20  }
0xf4: {  	v22 =	vadd.s32 v6, v19;
	v21 =	vld [tilespmem:s26+$0x10];
	[tilespmem:v14+s31+$0x0] =	vst.idx.msk $0xffff, v13  }
0xf5: {  	s22 =	simm.s32 $0x7;
	v20 =	vadd.s32 v7, v11;
	[tilespmem:v16+s31+$0x0] =	vst.idx.msk $0xffff, v15;
	v13 =	vld [tilespmem:s26+$0x60]  }
0xf6: {  	s24 =	simm.s32 $0x4;
	v16 =	vadd.s32 v7, v12;
	v14 =	vmov s22;
	[tilespmem:v18+s31+$0x0] =	vst.idx.msk $0xffff, v10;
	v15 =	vld [tilespmem:s26+$0xFFFFFFA0]  }
0xf7: {  	v23 =	vadd.s32 v7, v17;
	v10 =	vmov s24;
	s24 =	simm.s32 $0x5FA0;
	v14 =	vand.u32 $0x1FF, v14;
	v18 =	vld [tilespmem:s26+$0xFFFFFFE0]  }
0xf8: {  	v24 =	vld [tilespmem:s24+$0x40];
	v25 =	vadd.s32 v1, v14  }
0xf9: {  	s17 =	simm.s32 $0x5;
	[tilespmem:v22+s31+$0x0] =	vst.idx.msk $0xffff, v21  }
0xfa: {  	v28 =	vmov s17;
	v10 =	vand.u32 $0x1FC, v10;
	[tilespmem:v20+s31+$0x0] =	vst.idx.msk $0xffff, v13  }
0xfb: {  	s22 =	simm.s32 $0x6;
	v26 =	vld [tilespmem:s24+$0xFFFFFF80];
	v27 =	vadd.s32 v1, v10;
	v13 =	vand.u32 $0x1FD, v28;
	[tilespmem:v16+s31+$0x0] =	vst.idx.msk $0xffff, v15  }
0xfc: {  	v20 =	vmov s22;
	v15 =	vld [tilespmem:s24+$0xFFFFFFC0];
	[tilespmem:v23+s31+$0x0] =	vst.idx.msk $0xffff, v18;
	v16 =	vadd.s32 v1, v13  }
0xfd: {  	v22 =	vadd.s32 v8, v11;
	v18 =	vld [tilespmem:s26+$0x20];
	v11 =	vand.u32 $0x1FE, v20;
	[tilespmem:v25+s31+$0x0] =	vst.idx.msk $0xffff, v24;
	v24 =	vadd.s32 v7, v19  }
0xfe: {  	v20 =	vld [tilespmem:s24+$0x0];
	v63 =	vadd.s32 v1, v11  }
0xff: {  	v21 =	vld [tilespmem:s26+$0x70]  }
0x100: {  	[tilespmem:v27+s31+$0x0] =	vst.idx.msk $0xffff, v26;
	v26 =	vadd.s32 v6, v14;
	v25 =	vld [tilespmem:s24+$0x50]  }
0x101: {  	v29 =	vadd.s32 v6, v10;
	v27 =	vld [tilespmem:s24+$0xFFFFFF90];
	[tilespmem:v16+s31+$0x0] =	vst.idx.msk $0xffff, v15  }
0x102: {  	v31 =	vadd.s32 v8, v17;
	v30 =	vld [tilespmem:s26+$0xFFFFFFF0];
	[tilespmem:v24+s31+$0x0] =	vst.idx.msk $0xffff, v18  }
0x103: {  	v24 =	vadd.s32 v6, v13;
	v23 =	vld [tilespmem:s24+$0xFFFFFFD0];
	[tilespmem:v63+s31+$0x0] =	vst.idx.msk $0xffff, v20  }
0x104: {  	[tilespmem:v22+s31+$0x0] =	vst.idx.msk $0xffff, v21;
	v22 =	vadd.s32 v6, v11;
	v20 =	vld [tilespmem:s24+$0x10]  }
0x105: {  	v21 =	vadd.s32 v8, v19;
	[tilespmem:v26+s31+$0x0] =	vst.idx.msk $0xffff, v25;
	v15 =	vld [tilespmem:s26+$0x30]  }
0x106: {  	s29 =	simm.s32 $0xB;
	s28 =	simm.s32 $0xC;
	v18 =	vadd.s32 v7, v14;
	[tilespmem:v29+s31+$0x0] =	vst.idx.msk $0xffff, v27;
	v16 =	vld [tilespmem:s24+$0x60]  }
0x107: {  	s17 =	simm.s32 $0x8;
	s9 =	sadd.s32 $0x180, s14;
	s22 =	sadd.s32 s8, s14;
	v19 =	vadd.s32 v7, v10;
	[tilespmem:v31+s31+$0x0] =	vst.idx.msk $0xffff, v30;
	v17 =	vld [tilespmem:s24+$0xFFFFFFA0]  }
.LBB2_15:
0x108: {  	p1 =	slt.u32 s28, $0x17C;
	v25 =	vmov s29;
	[tilespmem:v24+s31+$0x0] =	vst.idx.msk $0xffff, v23;
	v23 =	vld [tilespmem:s26+$0xFFFFFFB0];
	v24 =	vadd.s32 v8, v12;
	v12 =	vmov v10;
	s26 =	smov.u32 s24  }
0x109: {  	v10 =	vmov s17;
	v27 =	vadd.s32 v7, v13;
	s24 =	sadd.s32 $0x100, s24;
	v25 =	vand.u32 $0x1FF, v25;
	v26 =	vld [tilespmem:s26+$0xFFFFFFE0];
	[tilespmem:v22+s31+$0x0] =	vst.idx.msk $0xffff, v20  }
0x10a: {  	s29 =	sadd.s32 $0x1, s17;
	v10 =	vand.u32 $0x1FC, v10;
	v20 =	vld [tilespmem:s24+$0x40];
	v22 =	vadd.s32 v1, v25;
	[tilespmem:v21+s31+$0x0] =	vst.idx.msk $0xffff, v15  }
0x10b: {  	v28 =	vmov s29;
	s29 =	sadd.s32 $0x2, s17;
	s17 =	smov.u32 s28;
	v21 =	vadd.s32 v1, v10;
	v15 =	vld [tilespmem:s24+$0xFFFFFF80];
	[tilespmem:v18+s31+$0x0] =	vst.idx.msk $0xffff, v16  }
0x10c: {  	v16 =	vand.u32 $0x1FD, v28;
	v18 =	vmov s29;
	[tilespmem:v19+s31+$0x0] =	vst.idx.msk $0xffff, v17;
	v17 =	vld [tilespmem:s26+$0x70];
	v19 =	vadd.s32 v8, v14;
	v14 =	vmovc v25  }
0x10d: {  	v28 =	vadd.s32 v1, v16;
	v18 =	vand.u32 $0x1FE, v18;
	v25 =	vld [tilespmem:s24+$0xFFFFFFC0];
	[tilespmem:v24+s31+$0x0] =	vst.idx.msk $0xffff, v23  }
0x10e: {  	v30 =	vadd.s32 v1, v18;
	v29 =	vld [tilespmem:s24+$0x0];
	[tilespmem:v27+s31+$0x0] =	vst.idx.msk $0xffff, v26  }
0x10f: {  	v27 =	vadd.s32 v7, v11;
	[tilespmem:v22+s31+$0x0] =	vst.idx.msk $0xffff, v20;
	v26 =	vld [tilespmem:s26+$0x20]  }
0x110: {  	[tilespmem:v21+s31+$0x0] =	vst.idx.msk $0xffff, v15;
	v15 =	vld [tilespmem:s24+$0x50];
	v21 =	vadd.s32 v6, v14  }
0x111: {  	v32 =	vadd.s32 v6, v10;
	v31 =	vld [tilespmem:s24+$0xFFFFFF90];
	[tilespmem:v19+s31+$0x0] =	vst.idx.msk $0xffff, v17  }
0x112: {  	[tilespmem:v28+s31+$0x0] =	vst.idx.msk $0xffff, v25;
	v25 =	vld [tilespmem:s26+$0xFFFFFFF0];
	v28 =	vadd.s32 v8, v13;
	v13 =	vmov v16  }
.Ltmp6:
0x113: {  	v23 =	vld [tilespmem:s24+$0xFFFFFFD0];
	v24 =	vadd.s32 v6, v13;
	[tilespmem:v30+s31+$0x0] =	vst.idx.msk $0xffff, v29;
	(pc) =	sbr.rel @p1 .LBB2_15-.Ltmp6, $4  }
0x114: {  	v22 =	vadd.s32 v6, v18;
	v20 =	vld [tilespmem:s24+$0x10];
	[tilespmem:v27+s31+$0x0] =	vst.idx.msk $0xffff, v26  }
0x115: {  	[tilespmem:v21+s31+$0x0] =	vst.idx.msk $0xffff, v15;
	v15 =	vld [tilespmem:s26+$0x30];
	v21 =	vadd.s32 v8, v11;
	v11 =	vmov v18  }
0x116: {  	v18 =	vadd.s32 v7, v14;
	[tilespmem:v32+s31+$0x0] =	vst.idx.msk $0xffff, v31;
	v16 =	vld [tilespmem:s24+$0x60]  }
0x117: {  	s28 =	sadd.s32 $0x4, s28;
	s29 =	sadd.s32 $0x3, s17;
	v19 =	vadd.s32 v7, v10;
	v17 =	vld [tilespmem:s24+$0xFFFFFFA0];
	[tilespmem:v28+s31+$0x0] =	vst.idx.msk $0xffff, v25  }
0x118: {  	_ =	sdelay $0x2  }
0x119: {  	v25 =	vmov s29  }
0x11a: {  	s28 =	sadd.s32 $0x1, s17;
	[tilespmem:v24+s31+$0x0] =	vst.idx.msk $0xffff, v23;
	v62 =	vld [tilespmem:s26+$0xFFFFFFB0];
	v12 =	vadd.s32 v8, v12;
	s26 =	sadd.s32 $0x100, s24;
	v27 =	vmov s17;
	v63 =	vand.u32 $0x1FF, v25  }
0x11b: {  	s29 =	sadd.s32 $0x2, s17;
	v32 =	vmov s28;
	[tilespmem:v22+s31+$0x0] =	vst.idx.msk $0xffff, v20;
	v33 =	vld [tilespmem:s26+$0x40];
	v27 =	vand.u32 $0x1FC, v27;
	v34 =	vadd.s32 v1, v63  }
0x11c: {  	v26 =	vmov s29;
	v28 =	vld [tilespmem:s26+$0xFFFFFF80];
	v25 =	vand.u32 $0x1FD, v32;
	[tilespmem:v21+s31+$0x0] =	vst.idx.msk $0xffff, v15;
	v39 =	vadd.s32 v1, v27  }
0x11d: {  	v35 =	vld [tilespmem:s26+$0xFFFFFFC0];
	v26 =	vand.u32 $0x1FE, v26;
	v36 =	vadd.s32 v1, v25;
	[tilespmem:v18+s31+$0x0] =	vst.idx.msk $0xffff, v16  }
0x11e: {  	v37 =	vld [tilespmem:s26+$0x0];
	v38 =	vadd.s32 v1, v26;
	[tilespmem:v19+s31+$0x0] =	vst.idx.msk $0xffff, v17  }
0x11f: {  	v41 =	vadd.s32 v7, v13;
	v40 =	vld [tilespmem:s24+$0xFFFFFFE0];
	[tilespmem:v12+s31+$0x0] =	vst.idx.msk $0xffff, v62  }
0x120: {  	v49 =	vadd.s32 v7, v11;
	v48 =	vld [tilespmem:s24+$0x20];
	[tilespmem:v34+s31+$0x0] =	vst.idx.msk $0xffff, v33  }
0x121: {  	v43 =	vadd.s32 v6, v63;
	[tilespmem:v39+s31+$0x0] =	vst.idx.msk $0xffff, v28;
	v20 =	vld [tilespmem:s26+$0x50]  }
0x122: {  	v47 =	vadd.s32 v6, v27;
	[tilespmem:v36+s31+$0x0] =	vst.idx.msk $0xffff, v35;
	v46 =	vld [tilespmem:s26+$0xFFFFFF90]  }
0x123: {  	v44 =	vadd.s32 v6, v25;
	[tilespmem:v38+s31+$0x0] =	vst.idx.msk $0xffff, v37;
	v15 =	vld [tilespmem:s26+$0xFFFFFFD0]  }
0x124: {  	v45 =	vadd.s32 v6, v26;
	[tilespmem:v41+s31+$0x0] =	vst.idx.msk $0xffff, v40;
	v16 =	vld [tilespmem:s26+$0x10]  }
0x125: {  	v14 =	vadd.s32 v8, v14;
	v42 =	vld [tilespmem:s24+$0x70];
	[tilespmem:v49+s31+$0x0] =	vst.idx.msk $0xffff, v48  }
0x126: {  	v11 =	vadd.s32 v8, v11;
	v19 =	vld [tilespmem:s24+$0x30];
	[tilespmem:v43+s31+$0x0] =	vst.idx.msk $0xffff, v20  }
0x127: {  	v52 =	vadd.s32 v7, v63;
	[tilespmem:v47+s31+$0x0] =	vst.idx.msk $0xffff, v46;
	v20 =	vld [tilespmem:s26+$0x60]  }
0x128: {  	v57 =	vadd.s32 v7, v27;
	[tilespmem:v44+s31+$0x0] =	vst.idx.msk $0xffff, v15;
	v56 =	vld [tilespmem:s26+$0xFFFFFFA0]  }
0x129: {  	v53 =	vadd.s32 v7, v25;
	[tilespmem:v45+s31+$0x0] =	vst.idx.msk $0xffff, v16;
	v15 =	vld [tilespmem:s26+$0xFFFFFFE0]  }
0x12a: {  	v55 =	vadd.s32 v7, v26;
	[tilespmem:v14+s31+$0x0] =	vst.idx.msk $0xffff, v42;
	v54 =	vld [tilespmem:s26+$0x20]  }
0x12b: {  	v10 =	vadd.s32 v8, v10;
	v58 =	vld [tilespmem:s24+$0xFFFFFFB0];
	[tilespmem:v11+s31+$0x0] =	vst.idx.msk $0xffff, v19  }
0x12c: {  	v51 =	vadd.s32 v8, v13;
	v50 =	vld [tilespmem:s24+$0xFFFFFFF0];
	[tilespmem:v52+s31+$0x0] =	vst.idx.msk $0xffff, v20  }
0x12d: {  	v60 =	vadd.s32 v8, v63;
	[tilespmem:v57+s31+$0x0] =	vst.idx.msk $0xffff, v56;
	v59 =	vld [tilespmem:s26+$0x70]  }
0x12e: {  	v63 =	vadd.s32 v8, v27;
	[tilespmem:v53+s31+$0x0] =	vst.idx.msk $0xffff, v15;
	v11 =	vld [tilespmem:s26+$0xFFFFFFB0]  }
0x12f: {  	v61 =	vadd.s32 v8, v25;
	[tilespmem:v55+s31+$0x0] =	vst.idx.msk $0xffff, v54;
	v15 =	vld [tilespmem:s26+$0xFFFFFFF0]  }
0x130: {  	v62 =	vadd.s32 v8, v26;
	[tilespmem:v10+s31+$0x0] =	vst.idx.msk $0xffff, v58;
	v12 =	vld [tilespmem:s26+$0x30]  }
0x131: {  	[tilespmem:v51+s31+$0x0] =	vst.idx.msk $0xffff, v50  }
0x132: {  	[tilespmem:v60+s31+$0x0] =	vst.idx.msk $0xffff, v59  }
0x133: {  	[tilespmem:v63+s31+$0x0] =	vst.idx.msk $0xffff, v11  }
0x134: {  	[tilespmem:v61+s31+$0x0] =	vst.idx.msk $0xffff, v15  }
0x135: {  	[tilespmem:v62+s31+$0x0] =	vst.idx.msk $0xffff, v12  }
0x136: {  	v10 =	vld [tilespmem:s14+$0x1C20];
	_ =	sdelay $0x4  }
0x137: {  	vm0 =	vgt.s32 v10, $0xFFFFFFFF  }
0x138: {  	v10 =	vsel vm0, $0x1, v9  }
0x139: {  	[tilespmem:$0x1E220] =	vst v10  }
0x13a: {  	v10 =	vld [tilespmem:s14+$0x1C30];
	_ =	sdelay $0x4  }
0x13b: {  	vm5 =	vgt.s32 v10, $0xFFFFFFFF  }
0x13c: {  	v10 =	vsel vm5, $0x1, v9  }
0x13d: {  	[tilespmem:$0x1E230] =	vst v10  }
0x13e: {  	v10 =	vld [tilespmem:s14+$0x1C40];
	_ =	sdelay $0x4  }
0x13f: {  	vm6 =	vgt.s32 v10, $0xFFFFFFFF  }
0x140: {  	v10 =	vsel vm6, $0x1, v9  }
0x141: {  	[tilespmem:$0x1E240] =	vst v10  }
0x142: {  	v10 =	vld [tilespmem:s14+$0x1C50];
	_ =	sdelay $0x4  }
0x143: {  	vm7 =	vgt.s32 v10, $0xFFFFFFFF  }
0x144: {  	v10 =	vsel vm7, $0x1, v9  }
0x145: {  	[tilespmem:$0x1E250] =	vst v10  }
0x146: {  	v10 =	vld [tilespmem:s14+$0x1C60];
	_ =	sdelay $0x4  }
0x147: {  	vm8 =	vgt.s32 v10, $0xFFFFFFFF  }
0x148: {  	v10 =	vsel vm8, $0x1, v9  }
0x149: {  	[tilespmem:$0x1E260] =	vst v10  }
0x14a: {  	v10 =	vld [tilespmem:s14+$0x1C70];
	_ =	sdelay $0x4  }
0x14b: {  	vm9 =	vgt.s32 v10, $0xFFFFFFFF  }
0x14c: {  	v10 =	vsel vm9, $0x1, v9  }
0x14d: {  	[tilespmem:$0x1E270] =	vst v10  }
0x14e: {  	v10 =	vld [tilespmem:s14+$0x1C80];
	_ =	sdelay $0x4  }
0x14f: {  	vm10 =	vgt.s32 v10, $0xFFFFFFFF  }
0x150: {  	v10 =	vsel vm10, $0x1, v9  }
0x151: {  	[tilespmem:$0x1E280] =	vst v10  }
0x152: {  	v10 =	vld [tilespmem:s14+$0x1C90];
	_ =	sdelay $0x4  }
0x153: {  	vm11 =	vgt.s32 v10, $0xFFFFFFFF  }
0x154: {  	v10 =	vsel vm11, $0x1, v9  }
0x155: {  	[tilespmem:$0x1E290] =	vst v10  }
0x156: {  	v10 =	vld [tilespmem:s14+$0x1CA0];
	_ =	sdelay $0x4  }
0x157: {  	vm12 =	vgt.s32 v10, $0xFFFFFFFF  }
0x158: {  	v10 =	vsel vm12, $0x1, v9  }
0x159: {  	[tilespmem:$0x1E2A0] =	vst v10  }
0x15a: {  	v10 =	vld [tilespmem:s14+$0x1CB0];
	_ =	sdelay $0x4  }
0x15b: {  	vm13 =	vgt.s32 v10, $0xFFFFFFFF  }
0x15c: {  	v10 =	vsel vm13, $0x1, v9  }
0x15d: {  	[tilespmem:$0x1E2B0] =	vst v10  }
0x15e: {  	v10 =	vld [tilespmem:s14+$0x1CC0];
	_ =	sdelay $0x4  }
0x15f: {  	vm14 =	vgt.s32 v10, $0xFFFFFFFF  }
0x160: {  	v10 =	vsel vm14, $0x1, v9  }
0x161: {  	[tilespmem:$0x1E2C0] =	vst v10  }
0x162: {  	v10 =	vld [tilespmem:s14+$0x1CD0];
	_ =	sdelay $0x4  }
0x163: {  	vm15 =	vgt.s32 v10, $0xFFFFFFFF  }
0x164: {  	v10 =	vsel vm15, $0x1, v9  }
0x165: {  	[tilespmem:$0x1E2D0] =	vst v10  }
0x166: {  	v10 =	vld [tilespmem:s14+$0x1CE0];
	_ =	sdelay $0x4  }
0x167: {  	vm4 =	vgt.s32 v10, $0xFFFFFFFF  }
0x168: {  	v10 =	vsel vm4, $0x1, v9  }
0x169: {  	[tilespmem:$0x1E2E0] =	vst v10  }
0x16a: {  	v10 =	vld [tilespmem:s14+$0x1CF0];
	_ =	sdelay $0x4  }
0x16b: {  	vm5 =	vgt.s32 v10, $0xFFFFFFFF  }
0x16c: {  	v10 =	vsel vm5, $0x1, v9  }
0x16d: {  	[tilespmem:$0x1E2F0] =	vst v10  }
0x16e: {  	v10 =	vld [tilespmem:s14+$0x1D00];
	_ =	sdelay $0x4  }
0x16f: {  	vm6 =	vgt.s32 v10, $0xFFFFFFFF  }
0x170: {  	v10 =	vsel vm6, $0x1, v9  }
0x171: {  	[tilespmem:$0x1E300] =	vst v10  }
0x172: {  	v10 =	vld [tilespmem:s14+$0x1D10];
	_ =	sdelay $0x4  }
0x173: {  	vm7 =	vgt.s32 v10, $0xFFFFFFFF  }
0x174: {  	v10 =	vsel vm7, $0x1, v9  }
0x175: {  	[tilespmem:$0x1E310] =	vst v10  }
0x176: {  	v10 =	vld [tilespmem:s14+$0x1D20];
	_ =	sdelay $0x4  }
0x177: {  	vm8 =	vgt.s32 v10, $0xFFFFFFFF  }
0x178: {  	v10 =	vsel vm8, $0x1, v9  }
0x179: {  	[tilespmem:$0x1E320] =	vst v10  }
0x17a: {  	v10 =	vld [tilespmem:s14+$0x1D30];
	_ =	sdelay $0x4  }
0x17b: {  	vm9 =	vgt.s32 v10, $0xFFFFFFFF  }
0x17c: {  	v10 =	vsel vm9, $0x1, v9  }
0x17d: {  	[tilespmem:$0x1E330] =	vst v10  }
0x17e: {  	v10 =	vld [tilespmem:s14+$0x1D40];
	_ =	sdelay $0x4  }
0x17f: {  	vm10 =	vgt.s32 v10, $0xFFFFFFFF  }
0x180: {  	v10 =	vsel vm10, $0x1, v9  }
0x181: {  	[tilespmem:$0x1E340] =	vst v10  }
0x182: {  	v10 =	vld [tilespmem:s14+$0x1D50];
	_ =	sdelay $0x4  }
0x183: {  	vm11 =	vgt.s32 v10, $0xFFFFFFFF  }
0x184: {  	v10 =	vsel vm11, $0x1, v9  }
0x185: {  	[tilespmem:$0x1E350] =	vst v10  }
0x186: {  	v10 =	vld [tilespmem:s14+$0x1D60];
	_ =	sdelay $0x4  }
0x187: {  	vm12 =	vgt.s32 v10, $0xFFFFFFFF  }
0x188: {  	v10 =	vsel vm12, $0x1, v9  }
0x189: {  	[tilespmem:$0x1E360] =	vst v10  }
0x18a: {  	v10 =	vld [tilespmem:s14+$0x1D70];
	_ =	sdelay $0x4  }
0x18b: {  	vm13 =	vgt.s32 v10, $0xFFFFFFFF  }
0x18c: {  	v10 =	vsel vm13, $0x1, v9  }
0x18d: {  	[tilespmem:$0x1E370] =	vst v10  }
0x18e: {  	v10 =	vld [tilespmem:s14+$0x1D80];
	_ =	sdelay $0x4  }
0x18f: {  	vm14 =	vgt.s32 v10, $0xFFFFFFFF  }
0x190: {  	v10 =	vsel vm14, $0x1, v9  }
0x191: {  	[tilespmem:$0x1E380] =	vst v10  }
0x192: {  	v10 =	vld [tilespmem:s14+$0x1D90];
	_ =	sdelay $0x4  }
0x193: {  	s28 =	sadd.s32 s12, s22;
	vm15 =	vgt.s32 v10, $0xFFFFFFFF  }
0x194: {  	s17 =	sshrl.u32 s28, $0x3;
	v10 =	vsel vm15, $0x1, v9  }
0x195: {  	s29 =	simm.s32 $0x11E20;
	s17 =	sadd.s32 s1, s17;
	s24 =	simm.s32 $0x620;
	[tilespmem:$0x1E390] =	vst v10  }
0x196: {  	[hbm4b:s17+s2] =	stream.linear.scatter [tilespmem:s29], [sflag:$0x3], $0x180, $0x38;
	[tilespmem:$0x1E520] =	vst v63  }
.LBB2_17:
0x197: {  	p1 =	sne.s32 s24, $0x181E0  }
.Ltmp7:
0x198: {  	_ = 	snop;
	(pc) =	sbr.rel @p1 .LBB2_17-.Ltmp7, $4  }
0x199: {  	_ = 	snop  }
0x19a: {  	s26 =	sshra.s32 s24, $0x2;
	s24 =	sadd.s32 $0x620, s24  }
0x19b: {  	s17 =	sadd.s32 $0x7E90, s17;
	s26 =	sadd.s32 $0x11E20, s26  }
0x19c: {  	[hbm4b:s17+s2] =	stream.linear.scatter [tilespmem:s26], [sflag:$0x3], $0x180, $0x38;
	[tilespmem:$0x1E520] =	vst v63  }
0x19d: {  	p1 =	seq.s32 s25, $0x15  }
.Ltmp8:
0x19e: {  	_ = 	snop;
	(pc) =	sbr.rel @p1 .LBB2_22-.Ltmp8, $4  }
0x19f: {  	s17 =	sadd.s32 s13, s22  }
0x1a0: {  	s17 =	sshrl.u32 s17, $0x3  }
0x1a1: {  	s17 =	sadd.s32 s7, s17  }
0x1a2: {  	[hbm4b:s17+s2] =	stream.linear.scatter [tilespmem:s0], [sflag:$0x3], $0x180, $0x38;
	[tilespmem:$0x1E520] =	vst v63  }
0x1a3: {  	s17 =	simm.s32 $0x5EA0  }
0x1a4: {  	[tilespmem:s17+$0xFFFFFF80] =	vst v5  }
0x1a5: {  	[tilespmem:s17+$0x70] =	vst v5  }
0x1a6: {  	[tilespmem:s17+$0x60] =	vst v5  }
0x1a7: {  	[tilespmem:s17+$0x50] =	vst v5  }
0x1a8: {  	[tilespmem:s17+$0x40] =	vst v5  }
0x1a9: {  	[tilespmem:s17+$0x30] =	vst v5  }
0x1aa: {  	[tilespmem:s17+$0x20] =	vst v5  }
0x1ab: {  	[tilespmem:s17+$0x10] =	vst v5  }
0x1ac: {  	[tilespmem:s17+$0x0] =	vst v5  }
0x1ad: {  	[tilespmem:s17+$0xFFFFFFF0] =	vst v5  }
0x1ae: {  	[tilespmem:s17+$0xFFFFFFE0] =	vst v5  }
0x1af: {  	[tilespmem:s17+$0xFFFFFFD0] =	vst v5  }
0x1b0: {  	[tilespmem:s17+$0xFFFFFFC0] =	vst v5  }
0x1b1: {  	[tilespmem:s17+$0xFFFFFFB0] =	vst v5  }
0x1b2: {  	s22 =	simm.s32 $0x0;
	[tilespmem:s17+$0xFFFFFFA0] =	vst v5  }
.LBB2_20:
0x1b3: {  	s22 =	sadd.s32 $0x4, s22;
	[tilespmem:s17+$0xFFFFFF90] =	vst v5;
	s17 =	sadd.s32 $0x100, s17  }
0x1b4: {  	[tilespmem:s17+$0xFFFFFF80] =	vst v5;
	p1 =	slt.u32 s22, $0x17C  }
0x1b5: {  	[tilespmem:s17+$0x70] =	vst v5  }
0x1b6: {  	[tilespmem:s17+$0x60] =	vst v5  }
0x1b7: {  	[tilespmem:s17+$0x50] =	vst v5  }
0x1b8: {  	[tilespmem:s17+$0x40] =	vst v5  }
0x1b9: {  	[tilespmem:s17+$0x30] =	vst v5  }
0x1ba: {  	[tilespmem:s17+$0x20] =	vst v5  }
0x1bb: {  	[tilespmem:s17+$0x10] =	vst v5  }
0x1bc: {  	[tilespmem:s17+$0x0] =	vst v5  }
0x1bd: {  	[tilespmem:s17+$0xFFFFFFF0] =	vst v5  }
.Ltmp9:
0x1be: {  	[tilespmem:s17+$0xFFFFFFE0] =	vst v5;
	(pc) =	sbr.rel @p1 .LBB2_20-.Ltmp9, $4  }
0x1bf: {  	[tilespmem:s17+$0xFFFFFFD0] =	vst v5  }
0x1c0: {  	[tilespmem:s17+$0xFFFFFFC0] =	vst v5  }
0x1c1: {  	[tilespmem:s17+$0xFFFFFFB0] =	vst v5  }
0x1c2: {  	[tilespmem:s17+$0xFFFFFFA0] =	vst v5  }
0x1c3: {  	[tilespmem:s17+$0xFFFFFF90] =	vst v5;
	(ifvalue) =	ssetifvalue $0xFFFFFFFF  }
0x1c4: {  	s24 =	sadd.s32 $0x1F20, s14;
	(ifvalue) =	ssetifvalue $0xFFFFFFFF  }
0x1c5: {  	[tilespmem:s30], [sflag:$0x1] =	stream.indirect.gather [hbm4b:s4+s21], $0x40, s24, s21, $0x40b8;
	[tilespmem:$0x1E520] =	vst v63  }
0x1c6: {  	(ifvalue) =	ssetifvalue $0xFFFFFFFF  }
0x1c7: {  	s26 =	sadd.s32 $0x1FA0, s14;
	s22 =	simm.s32 $0x7E20;
	(ifvalue) =	ssetifvalue $0xFFFFFFFF  }
0x1c8: {  	[tilespmem:s22], [sflag:$0x1] =	stream.indirect.gather [hbm4b:s4+s21], $0x40, s26, s21, $0x40b8;
	[tilespmem:$0x1E520] =	vst v63  }
0x1c9: {  	(ifvalue) =	ssetifvalue $0xFFFFFFFF  }
0x1ca: {  	s28 =	sadd.s32 $0x2020, s14;
	s29 =	simm.s32 $0x9E20;
	(ifvalue) =	ssetifvalue $0xFFFFFFFF  }
0x1cb: {  	[tilespmem:s29], [sflag:$0x1] =	stream.indirect.gather [hbm4b:s4+s21], $0x40, s28, s21, $0x40b8;
	[tilespmem:$0x1E520] =	vst v63  }
.LBB2_22:
0x1cc: {  	_ =	swait.ge [sflag:s20], $0x2000  }
0x1cd: {  	[sflag:s20] =	ssyncset.done $0x0  }
0x1ce: {  	[sflag:s20] =	ssyncadd.s32 $0xFFFFE000  }
0x1cf: {  	_ =	swait.ge [sflag:s20], $0x2000  }
0x1d0: {  	[sflag:s20] =	ssyncset.done $0x0  }
0x1d1: {  	[sflag:s20] =	ssyncadd.s32 $0xFFFFE000  }
0x1d2: {  	_ =	swait.ge [sflag:s20], $0x2000  }
0x1d3: {  	[sflag:s20] =	ssyncset.done $0x0  }
0x1d4: {  	s14 =	simm.s32 @!p0 $0x4;
	[sflag:s20] =	ssyncadd.s32 $0xFFFFE000  }
0x1d5: {  	_ =	swait.ge @!p0 [sflag:s14], $0x6000  }
0x1d6: {  	[sflag:s14] =	ssyncset.done @!p0 $0x0  }
0x1d7: {  	[sflag:s14] =	ssyncadd.s32 @!p0 $0xFFFFA000  }
0x1d8: {  	s17 =	simm.s32 $0x3;
	_ =	swait.ge @!p0 [sflag:s14], $0x180  }
0x1d9: {  	s22 =	simm.s32 $0x0;
	v10 =	vmov s17;
	[sflag:s14] =	ssyncset.done @!p0 $0x0  }
0x1da: {  	s24 =	simm.s32 $0xBEA0;
	s26 =	simm.s32 $0x1;
	v11 =	vand.u32 $0x1FF, v10;
	v10 =	vmov s22;
	[sflag:s14] =	ssyncadd.s32 @!p0 $0xFFFFFE80  }
0x1db: {  	v14 =	vadd.s32 v1, v11;
	v12 =	vand.u32 $0x1FC, v10;
	v10 =	vmov s26;
	v13 =	vld [tilespmem:s24+$0x40]  }
0x1dc: {  	v16 =	vadd.s32 v1, v12;
	v17 =	vand.u32 $0x1FD, v10;
	v15 =	vld [tilespmem:s24+$0xFFFFFF80]  }
0x1dd: {  	s29 =	simm.s32 $0x2;
	v18 =	vadd.s32 v1, v17;
	v10 =	vld [tilespmem:s24+$0xFFFFFFC0]  }
0x1de: {  	v19 =	vmov s29  }
0x1df: {  	v19 =	vand.u32 $0x1FE, v19  }
0x1e0: {  	v21 =	vadd.s32 v1, v19;
	v20 =	vld [tilespmem:s24+$0x0];
	[tilespmem:v14+s3+$0x0] =	vst.idx.msk $0xffff, v13  }
0x1e1: {  	v14 =	vadd.s32 v6, v11;
	[tilespmem:v16+s3+$0x0] =	vst.idx.msk $0xffff, v15;
	v13 =	vld [tilespmem:s24+$0x50]  }
0x1e2: {  	v16 =	vadd.s32 v6, v12;
	[tilespmem:v18+s3+$0x0] =	vst.idx.msk $0xffff, v10;
	v15 =	vld [tilespmem:s24+$0xFFFFFF90]  }
0x1e3: {  	v18 =	vadd.s32 v6, v17;
	v10 =	vld [tilespmem:s24+$0xFFFFFFD0];
	_ =	sdelay $0x1  }
0x1e4: {  	[tilespmem:v21+s3+$0x0] =	vst.idx.msk $0xffff, v20  }
0x1e5: {  	v22 =	vadd.s32 v6, v19;
	v21 =	vld [tilespmem:s24+$0x10];
	[tilespmem:v14+s3+$0x0] =	vst.idx.msk $0xffff, v13  }
0x1e6: {  	s17 =	simm.s32 $0x7;
	v20 =	vadd.s32 v7, v11;
	[tilespmem:v16+s3+$0x0] =	vst.idx.msk $0xffff, v15;
	v13 =	vld [tilespmem:s24+$0x60]  }
0x1e7: {  	s22 =	simm.s32 $0x4;
	v16 =	vadd.s32 v7, v12;
	v14 =	vmov s17;
	[tilespmem:v18+s3+$0x0] =	vst.idx.msk $0xffff, v10;
	v15 =	vld [tilespmem:s24+$0xFFFFFFA0]  }
0x1e8: {  	v23 =	vadd.s32 v7, v17;
	v10 =	vmov s22;
	s22 =	simm.s32 $0xBFA0;
	v14 =	vand.u32 $0x1FF, v14;
	v18 =	vld [tilespmem:s24+$0xFFFFFFE0]  }
0x1e9: {  	v24 =	vld [tilespmem:s22+$0x40];
	v25 =	vadd.s32 v1, v14  }
0x1ea: {  	s26 =	simm.s32 $0x5;
	[tilespmem:v22+s3+$0x0] =	vst.idx.msk $0xffff, v21  }
0x1eb: {  	v28 =	vmov s26;
	v10 =	vand.u32 $0x1FC, v10;
	[tilespmem:v20+s3+$0x0] =	vst.idx.msk $0xffff, v13  }
0x1ec: {  	s29 =	simm.s32 $0x6;
	v26 =	vld [tilespmem:s22+$0xFFFFFF80];
	v27 =	vadd.s32 v1, v10;
	v13 =	vand.u32 $0x1FD, v28;
	[tilespmem:v16+s3+$0x0] =	vst.idx.msk $0xffff, v15  }
0x1ed: {  	v20 =	vmov s29;
	v15 =	vld [tilespmem:s22+$0xFFFFFFC0];
	[tilespmem:v23+s3+$0x0] =	vst.idx.msk $0xffff, v18;
	v16 =	vadd.s32 v1, v13  }
0x1ee: {  	v22 =	vadd.s32 v8, v11;
	v18 =	vld [tilespmem:s24+$0x20];
	v11 =	vand.u32 $0x1FE, v20;
	[tilespmem:v25+s3+$0x0] =	vst.idx.msk $0xffff, v24;
	v24 =	vadd.s32 v7, v19  }
0x1ef: {  	v20 =	vld [tilespmem:s22+$0x0];
	v63 =	vadd.s32 v1, v11  }
0x1f0: {  	v21 =	vld [tilespmem:s24+$0x70]  }
0x1f1: {  	[tilespmem:v27+s3+$0x0] =	vst.idx.msk $0xffff, v26;
	v26 =	vadd.s32 v6, v14;
	v25 =	vld [tilespmem:s22+$0x50]  }
0x1f2: {  	v29 =	vadd.s32 v6, v10;
	v27 =	vld [tilespmem:s22+$0xFFFFFF90];
	[tilespmem:v16+s3+$0x0] =	vst.idx.msk $0xffff, v15  }
0x1f3: {  	v31 =	vadd.s32 v8, v17;
	v30 =	vld [tilespmem:s24+$0xFFFFFFF0];
	[tilespmem:v24+s3+$0x0] =	vst.idx.msk $0xffff, v18  }
0x1f4: {  	v24 =	vadd.s32 v6, v13;
	v23 =	vld [tilespmem:s22+$0xFFFFFFD0];
	[tilespmem:v63+s3+$0x0] =	vst.idx.msk $0xffff, v20  }
0x1f5: {  	[tilespmem:v22+s3+$0x0] =	vst.idx.msk $0xffff, v21;
	v22 =	vadd.s32 v6, v11;
	v20 =	vld [tilespmem:s22+$0x10]  }
0x1f6: {  	v21 =	vadd.s32 v8, v19;
	[tilespmem:v26+s3+$0x0] =	vst.idx.msk $0xffff, v25;
	v16 =	vld [tilespmem:s24+$0x30]  }
0x1f7: {  	s28 =	simm.s32 $0xB;
	v18 =	vadd.s32 v7, v14;
	[tilespmem:v29+s3+$0x0] =	vst.idx.msk $0xffff, v27;
	v15 =	vld [tilespmem:s22+$0x60]  }
0x1f8: {  	s26 =	simm.s32 $0xC;
	s14 =	sadd.s32 s8, s9;
	s17 =	simm.s32 $0x8;
	v19 =	vadd.s32 v7, v10;
	[tilespmem:v31+s3+$0x0] =	vst.idx.msk $0xffff, v30;
	v17 =	vld [tilespmem:s22+$0xFFFFFFA0]  }
.LBB2_23:
0x1f9: {  	p0 =	slt.u32 s26, $0x17C;
	v25 =	vmov s28;
	[tilespmem:v24+s3+$0x0] =	vst.idx.msk $0xffff, v23;
	v23 =	vld [tilespmem:s24+$0xFFFFFFB0];
	v24 =	vadd.s32 v8, v12;
	v12 =	vmov v10;
	s24 =	smov.u32 s22  }
0x1fa: {  	v10 =	vmov s17;
	v27 =	vadd.s32 v7, v13;
	s22 =	sadd.s32 $0x100, s22;
	v25 =	vand.u32 $0x1FF, v25;
	v26 =	vld [tilespmem:s24+$0xFFFFFFE0];
	[tilespmem:v22+s3+$0x0] =	vst.idx.msk $0xffff, v20  }
0x1fb: {  	s28 =	sadd.s32 $0x1, s17;
	v10 =	vand.u32 $0x1FC, v10;
	v20 =	vld [tilespmem:s22+$0x40];
	v22 =	vadd.s32 v1, v25;
	[tilespmem:v21+s3+$0x0] =	vst.idx.msk $0xffff, v16  }
0x1fc: {  	v28 =	vmov s28;
	s28 =	sadd.s32 $0x2, s17;
	s17 =	smov.u32 s26;
	v21 =	vadd.s32 v1, v10;
	v16 =	vld [tilespmem:s22+$0xFFFFFF80];
	[tilespmem:v18+s3+$0x0] =	vst.idx.msk $0xffff, v15  }
0x1fd: {  	v15 =	vand.u32 $0x1FD, v28;
	v18 =	vmov s28;
	[tilespmem:v19+s3+$0x0] =	vst.idx.msk $0xffff, v17;
	v17 =	vld [tilespmem:s24+$0x70];
	v19 =	vadd.s32 v8, v14;
	v14 =	vmovc v25  }
0x1fe: {  	v28 =	vadd.s32 v1, v15;
	v18 =	vand.u32 $0x1FE, v18;
	v25 =	vld [tilespmem:s22+$0xFFFFFFC0];
	[tilespmem:v24+s3+$0x0] =	vst.idx.msk $0xffff, v23  }
0x1ff: {  	v30 =	vadd.s32 v1, v18;
	v29 =	vld [tilespmem:s22+$0x0];
	[tilespmem:v27+s3+$0x0] =	vst.idx.msk $0xffff, v26  }
0x200: {  	v27 =	vadd.s32 v7, v11;
	[tilespmem:v22+s3+$0x0] =	vst.idx.msk $0xffff, v20;
	v26 =	vld [tilespmem:s24+$0x20]  }
0x201: {  	[tilespmem:v21+s3+$0x0] =	vst.idx.msk $0xffff, v16;
	v16 =	vld [tilespmem:s22+$0x50];
	v21 =	vadd.s32 v6, v14  }
0x202: {  	v32 =	vadd.s32 v6, v10;
	v31 =	vld [tilespmem:s22+$0xFFFFFF90];
	[tilespmem:v19+s3+$0x0] =	vst.idx.msk $0xffff, v17  }
0x203: {  	[tilespmem:v28+s3+$0x0] =	vst.idx.msk $0xffff, v25;
	v25 =	vld [tilespmem:s24+$0xFFFFFFF0];
	v28 =	vadd.s32 v8, v13;
	v13 =	vmov v15  }
.Ltmp10:
0x204: {  	v23 =	vld [tilespmem:s22+$0xFFFFFFD0];
	v24 =	vadd.s32 v6, v13;
	[tilespmem:v30+s3+$0x0] =	vst.idx.msk $0xffff, v29;
	(pc) =	sbr.rel @p0 .LBB2_23-.Ltmp10, $4  }
0x205: {  	v22 =	vadd.s32 v6, v18;
	v20 =	vld [tilespmem:s22+$0x10];
	[tilespmem:v27+s3+$0x0] =	vst.idx.msk $0xffff, v26  }
0x206: {  	[tilespmem:v21+s3+$0x0] =	vst.idx.msk $0xffff, v16;
	v16 =	vld [tilespmem:s24+$0x30];
	v21 =	vadd.s32 v8, v11;
	v11 =	vmov v18  }
0x207: {  	v18 =	vadd.s32 v7, v14;
	[tilespmem:v32+s3+$0x0] =	vst.idx.msk $0xffff, v31;
	v15 =	vld [tilespmem:s22+$0x60]  }
0x208: {  	s26 =	sadd.s32 $0x4, s26;
	s28 =	sadd.s32 $0x3, s17;
	v19 =	vadd.s32 v7, v10;
	v17 =	vld [tilespmem:s22+$0xFFFFFFA0];
	[tilespmem:v28+s3+$0x0] =	vst.idx.msk $0xffff, v25  }
0x209: {  	_ =	sdelay $0x2  }
0x20a: {  	v25 =	vmov s28  }
0x20b: {  	s26 =	sadd.s32 $0x1, s17;
	[tilespmem:v24+s3+$0x0] =	vst.idx.msk $0xffff, v23;
	v62 =	vld [tilespmem:s24+$0xFFFFFFB0];
	v12 =	vadd.s32 v8, v12;
	s28 =	sadd.s32 $0x100, s22;
	v27 =	vmov s17;
	v63 =	vand.u32 $0x1FF, v25  }
0x20c: {  	s29 =	sadd.s32 $0x2, s17;
	v32 =	vmov s26;
	[tilespmem:v22+s3+$0x0] =	vst.idx.msk $0xffff, v20;
	v33 =	vld [tilespmem:s28+$0x40];
	v27 =	vand.u32 $0x1FC, v27;
	v34 =	vadd.s32 v1, v63  }
0x20d: {  	v26 =	vmov s29;
	v28 =	vld [tilespmem:s28+$0xFFFFFF80];
	v25 =	vand.u32 $0x1FD, v32;
	[tilespmem:v21+s3+$0x0] =	vst.idx.msk $0xffff, v16;
	v39 =	vadd.s32 v1, v27  }
0x20e: {  	v35 =	vld [tilespmem:s28+$0xFFFFFFC0];
	v26 =	vand.u32 $0x1FE, v26;
	v36 =	vadd.s32 v1, v25;
	[tilespmem:v18+s3+$0x0] =	vst.idx.msk $0xffff, v15  }
0x20f: {  	v37 =	vld [tilespmem:s28+$0x0];
	v38 =	vadd.s32 v1, v26;
	[tilespmem:v19+s3+$0x0] =	vst.idx.msk $0xffff, v17  }
0x210: {  	v41 =	vadd.s32 v7, v13;
	v40 =	vld [tilespmem:s22+$0xFFFFFFE0];
	[tilespmem:v12+s3+$0x0] =	vst.idx.msk $0xffff, v62  }
0x211: {  	v49 =	vadd.s32 v7, v11;
	v48 =	vld [tilespmem:s22+$0x20];
	[tilespmem:v34+s3+$0x0] =	vst.idx.msk $0xffff, v33  }
0x212: {  	v43 =	vadd.s32 v6, v63;
	[tilespmem:v39+s3+$0x0] =	vst.idx.msk $0xffff, v28;
	v20 =	vld [tilespmem:s28+$0x50]  }
0x213: {  	v47 =	vadd.s32 v6, v27;
	[tilespmem:v36+s3+$0x0] =	vst.idx.msk $0xffff, v35;
	v46 =	vld [tilespmem:s28+$0xFFFFFF90]  }
0x214: {  	v44 =	vadd.s32 v6, v25;
	[tilespmem:v38+s3+$0x0] =	vst.idx.msk $0xffff, v37;
	v16 =	vld [tilespmem:s28+$0xFFFFFFD0]  }
0x215: {  	v45 =	vadd.s32 v6, v26;
	[tilespmem:v41+s3+$0x0] =	vst.idx.msk $0xffff, v40;
	v15 =	vld [tilespmem:s28+$0x10]  }
0x216: {  	v14 =	vadd.s32 v8, v14;
	v42 =	vld [tilespmem:s22+$0x70];
	[tilespmem:v49+s3+$0x0] =	vst.idx.msk $0xffff, v48  }
0x217: {  	v11 =	vadd.s32 v8, v11;
	v19 =	vld [tilespmem:s22+$0x30];
	[tilespmem:v43+s3+$0x0] =	vst.idx.msk $0xffff, v20  }
0x218: {  	v52 =	vadd.s32 v7, v63;
	[tilespmem:v47+s3+$0x0] =	vst.idx.msk $0xffff, v46;
	v20 =	vld [tilespmem:s28+$0x60]  }
0x219: {  	v57 =	vadd.s32 v7, v27;
	[tilespmem:v44+s3+$0x0] =	vst.idx.msk $0xffff, v16;
	v56 =	vld [tilespmem:s28+$0xFFFFFFA0]  }
0x21a: {  	v53 =	vadd.s32 v7, v25;
	[tilespmem:v45+s3+$0x0] =	vst.idx.msk $0xffff, v15;
	v16 =	vld [tilespmem:s28+$0xFFFFFFE0]  }
0x21b: {  	v55 =	vadd.s32 v7, v26;
	[tilespmem:v14+s3+$0x0] =	vst.idx.msk $0xffff, v42;
	v54 =	vld [tilespmem:s28+$0x20]  }
0x21c: {  	v10 =	vadd.s32 v8, v10;
	v58 =	vld [tilespmem:s22+$0xFFFFFFB0];
	[tilespmem:v11+s3+$0x0] =	vst.idx.msk $0xffff, v19  }
0x21d: {  	v51 =	vadd.s32 v8, v13;
	v50 =	vld [tilespmem:s22+$0xFFFFFFF0];
	[tilespmem:v52+s3+$0x0] =	vst.idx.msk $0xffff, v20  }
0x21e: {  	v60 =	vadd.s32 v8, v63;
	[tilespmem:v57+s3+$0x0] =	vst.idx.msk $0xffff, v56;
	v59 =	vld [tilespmem:s28+$0x70]  }
0x21f: {  	v63 =	vadd.s32 v8, v27;
	[tilespmem:v53+s3+$0x0] =	vst.idx.msk $0xffff, v16;
	v11 =	vld [tilespmem:s28+$0xFFFFFFB0]  }
0x220: {  	v61 =	vadd.s32 v8, v25;
	[tilespmem:v55+s3+$0x0] =	vst.idx.msk $0xffff, v54;
	v16 =	vld [tilespmem:s28+$0xFFFFFFF0]  }
0x221: {  	v62 =	vadd.s32 v8, v26;
	[tilespmem:v10+s3+$0x0] =	vst.idx.msk $0xffff, v58;
	v12 =	vld [tilespmem:s28+$0x30]  }
0x222: {  	[tilespmem:v51+s3+$0x0] =	vst.idx.msk $0xffff, v50  }
0x223: {  	[tilespmem:v60+s3+$0x0] =	vst.idx.msk $0xffff, v59  }
0x224: {  	[tilespmem:v63+s3+$0x0] =	vst.idx.msk $0xffff, v11  }
0x225: {  	[tilespmem:v61+s3+$0x0] =	vst.idx.msk $0xffff, v16  }
0x226: {  	[tilespmem:v62+s3+$0x0] =	vst.idx.msk $0xffff, v12  }
0x227: {  	v10 =	vld [tilespmem:s9+$0x1C20];
	_ =	sdelay $0x4  }
0x228: {  	vm0 =	vgt.s32 v10, $0xFFFFFFFF  }
0x229: {  	v10 =	vsel vm0, $0x1, v9  }
0x22a: {  	[tilespmem:$0x1E3A0] =	vst v10  }
0x22b: {  	v10 =	vld [tilespmem:s9+$0x1C30];
	_ =	sdelay $0x4  }
0x22c: {  	vm5 =	vgt.s32 v10, $0xFFFFFFFF  }
0x22d: {  	v10 =	vsel vm5, $0x1, v9  }
0x22e: {  	[tilespmem:$0x1E3B0] =	vst v10  }
0x22f: {  	v10 =	vld [tilespmem:s9+$0x1C40];
	_ =	sdelay $0x4  }
0x230: {  	vm6 =	vgt.s32 v10, $0xFFFFFFFF  }
0x231: {  	v10 =	vsel vm6, $0x1, v9  }
0x232: {  	[tilespmem:$0x1E3C0] =	vst v10  }
0x233: {  	v10 =	vld [tilespmem:s9+$0x1C50];
	_ =	sdelay $0x4  }
0x234: {  	vm7 =	vgt.s32 v10, $0xFFFFFFFF  }
0x235: {  	v10 =	vsel vm7, $0x1, v9  }
0x236: {  	[tilespmem:$0x1E3D0] =	vst v10  }
0x237: {  	v10 =	vld [tilespmem:s9+$0x1C60];
	_ =	sdelay $0x4  }
0x238: {  	vm8 =	vgt.s32 v10, $0xFFFFFFFF  }
0x239: {  	v10 =	vsel vm8, $0x1, v9  }
0x23a: {  	[tilespmem:$0x1E3E0] =	vst v10  }
0x23b: {  	v10 =	vld [tilespmem:s9+$0x1C70];
	_ =	sdelay $0x4  }
0x23c: {  	vm9 =	vgt.s32 v10, $0xFFFFFFFF  }
0x23d: {  	v10 =	vsel vm9, $0x1, v9  }
0x23e: {  	[tilespmem:$0x1E3F0] =	vst v10  }
0x23f: {  	v10 =	vld [tilespmem:s9+$0x1C80];
	_ =	sdelay $0x4  }
0x240: {  	vm10 =	vgt.s32 v10, $0xFFFFFFFF  }
0x241: {  	v10 =	vsel vm10, $0x1, v9  }
0x242: {  	[tilespmem:$0x1E400] =	vst v10  }
0x243: {  	v10 =	vld [tilespmem:s9+$0x1C90];
	_ =	sdelay $0x4  }
0x244: {  	vm11 =	vgt.s32 v10, $0xFFFFFFFF  }
0x245: {  	v10 =	vsel vm11, $0x1, v9  }
0x246: {  	[tilespmem:$0x1E410] =	vst v10  }
0x247: {  	v10 =	vld [tilespmem:s9+$0x1CA0];
	_ =	sdelay $0x4  }
0x248: {  	vm12 =	vgt.s32 v10, $0xFFFFFFFF  }
0x249: {  	v10 =	vsel vm12, $0x1, v9  }
0x24a: {  	[tilespmem:$0x1E420] =	vst v10  }
0x24b: {  	v10 =	vld [tilespmem:s9+$0x1CB0];
	_ =	sdelay $0x4  }
0x24c: {  	vm13 =	vgt.s32 v10, $0xFFFFFFFF  }
0x24d: {  	v10 =	vsel vm13, $0x1, v9  }
0x24e: {  	[tilespmem:$0x1E430] =	vst v10  }
0x24f: {  	v10 =	vld [tilespmem:s9+$0x1CC0];
	_ =	sdelay $0x4  }
0x250: {  	vm14 =	vgt.s32 v10, $0xFFFFFFFF  }
0x251: {  	v10 =	vsel vm14, $0x1, v9  }
0x252: {  	[tilespmem:$0x1E440] =	vst v10  }
0x253: {  	v10 =	vld [tilespmem:s9+$0x1CD0];
	_ =	sdelay $0x4  }
0x254: {  	vm15 =	vgt.s32 v10, $0xFFFFFFFF  }
0x255: {  	v10 =	vsel vm15, $0x1, v9  }
0x256: {  	[tilespmem:$0x1E450] =	vst v10  }
0x257: {  	v10 =	vld [tilespmem:s9+$0x1CE0];
	_ =	sdelay $0x4  }
0x258: {  	vm4 =	vgt.s32 v10, $0xFFFFFFFF  }
0x259: {  	v10 =	vsel vm4, $0x1, v9  }
0x25a: {  	[tilespmem:$0x1E460] =	vst v10  }
0x25b: {  	v10 =	vld [tilespmem:s9+$0x1CF0];
	_ =	sdelay $0x4  }
0x25c: {  	vm5 =	vgt.s32 v10, $0xFFFFFFFF  }
0x25d: {  	v10 =	vsel vm5, $0x1, v9  }
0x25e: {  	[tilespmem:$0x1E470] =	vst v10  }
0x25f: {  	v10 =	vld [tilespmem:s9+$0x1D00];
	_ =	sdelay $0x4  }
0x260: {  	vm6 =	vgt.s32 v10, $0xFFFFFFFF  }
0x261: {  	v10 =	vsel vm6, $0x1, v9  }
0x262: {  	[tilespmem:$0x1E480] =	vst v10  }
0x263: {  	v10 =	vld [tilespmem:s9+$0x1D10];
	_ =	sdelay $0x4  }
0x264: {  	vm7 =	vgt.s32 v10, $0xFFFFFFFF  }
0x265: {  	v10 =	vsel vm7, $0x1, v9  }
0x266: {  	[tilespmem:$0x1E490] =	vst v10  }
0x267: {  	v10 =	vld [tilespmem:s9+$0x1D20];
	_ =	sdelay $0x4  }
0x268: {  	vm8 =	vgt.s32 v10, $0xFFFFFFFF  }
0x269: {  	v10 =	vsel vm8, $0x1, v9  }
0x26a: {  	[tilespmem:$0x1E4A0] =	vst v10  }
0x26b: {  	v10 =	vld [tilespmem:s9+$0x1D30];
	_ =	sdelay $0x4  }
0x26c: {  	vm9 =	vgt.s32 v10, $0xFFFFFFFF  }
0x26d: {  	v10 =	vsel vm9, $0x1, v9  }
0x26e: {  	[tilespmem:$0x1E4B0] =	vst v10  }
0x26f: {  	v10 =	vld [tilespmem:s9+$0x1D40];
	_ =	sdelay $0x4  }
0x270: {  	vm10 =	vgt.s32 v10, $0xFFFFFFFF  }
0x271: {  	v10 =	vsel vm10, $0x1, v9  }
0x272: {  	[tilespmem:$0x1E4C0] =	vst v10  }
0x273: {  	v10 =	vld [tilespmem:s9+$0x1D50];
	_ =	sdelay $0x4  }
0x274: {  	vm11 =	vgt.s32 v10, $0xFFFFFFFF  }
0x275: {  	v10 =	vsel vm11, $0x1, v9  }
0x276: {  	[tilespmem:$0x1E4D0] =	vst v10  }
0x277: {  	v10 =	vld [tilespmem:s9+$0x1D60];
	_ =	sdelay $0x4  }
0x278: {  	vm12 =	vgt.s32 v10, $0xFFFFFFFF  }
0x279: {  	v10 =	vsel vm12, $0x1, v9  }
0x27a: {  	[tilespmem:$0x1E4E0] =	vst v10  }
0x27b: {  	v10 =	vld [tilespmem:s9+$0x1D70];
	_ =	sdelay $0x4  }
0x27c: {  	vm13 =	vgt.s32 v10, $0xFFFFFFFF  }
0x27d: {  	v10 =	vsel vm13, $0x1, v9  }
0x27e: {  	[tilespmem:$0x1E4F0] =	vst v10  }
0x27f: {  	v10 =	vld [tilespmem:s9+$0x1D80];
	_ =	sdelay $0x4  }
0x280: {  	vm14 =	vgt.s32 v10, $0xFFFFFFFF  }
0x281: {  	v10 =	vsel vm14, $0x1, v9  }
0x282: {  	[tilespmem:$0x1E500] =	vst v10  }
0x283: {  	v10 =	vld [tilespmem:s9+$0x1D90];
	_ =	sdelay $0x4  }
0x284: {  	s28 =	sadd.s32 s12, s14;
	vm15 =	vgt.s32 v10, $0xFFFFFFFF  }
0x285: {  	s9 =	sshrl.u32 s28, $0x3;
	v10 =	vsel vm15, $0x1, v9  }
0x286: {  	s17 =	simm.s32 $0x620;
	s29 =	simm.s32 $0x18020;
	s9 =	sadd.s32 s1, s9;
	[tilespmem:$0x1E510] =	vst v10  }
0x287: {  	[hbm4b:s9+s2] =	stream.linear.scatter [tilespmem:s29], [sflag:$0x4], $0x180, $0x38;
	[tilespmem:$0x1E520] =	vst v63  }
.LBB2_25:
0x288: {  	p0 =	sne.s32 s17, $0x181E0  }
.Ltmp11:
0x289: {  	_ = 	snop;
	(pc) =	sbr.rel @p0 .LBB2_25-.Ltmp11, $4  }
0x28a: {  	_ = 	snop  }
0x28b: {  	s22 =	sshra.s32 s17, $0x2;
	s17 =	sadd.s32 $0x620, s17  }
0x28c: {  	s9 =	sadd.s32 $0x7E90, s9;
	s22 =	sadd.s32 $0x18020, s22  }
0x28d: {  	[hbm4b:s9+s2] =	stream.linear.scatter [tilespmem:s22], [sflag:$0x4], $0x180, $0x38;
	[tilespmem:$0x1E520] =	vst v63  }
0x28e: {  	s25 =	sadd.s32 $0x1, s25  }
0x28f: {  	p0 =	sne.s32 s25, $0x16  }
.Ltmp12:
0x290: {  	_ = 	snop;
	(pc) =	sbr.rel @p0 .LBB2_12-.Ltmp12, $4  }
0x291: {  	s9 =	sadd.s32 s13, s14  }
0x292: {  	s9 =	sshrl.u32 s9, $0x3  }
0x293: {  	s9 =	sadd.s32 s7, s9  }
0x294: {  	[hbm4b:s9+s2] =	stream.linear.scatter [tilespmem:s23], [sflag:$0x4], $0x180, $0x38;
	[tilespmem:$0x1E520] =	vst v63  }
0x295: {  	s9 =	simm.s32 $0x3  }
0x296: {  	_ =	swait.ge [sflag:s9], $0x6000  }
0x297: {  	[sflag:s9] =	ssyncset.done $0x0  }
0x298: {  	[sflag:s9] =	ssyncadd.s32 $0xFFFFA000  }
0x299: {  	_ =	swait.ge [sflag:s9], $0x180  }
0x29a: {  	[sflag:s9] =	ssyncset.done $0x0  }
0x29b: {  	s14 =	simm.s32 $0x4;
	[sflag:s9] =	ssyncadd.s32 $0xFFFFFE80  }
0x29c: {  	_ =	swait.ge [sflag:s14], $0x6000  }
0x29d: {  	[sflag:s14] =	ssyncset.done $0x0  }
0x29e: {  	[sflag:s14] =	ssyncadd.s32 $0xFFFFA000  }
0x29f: {  	_ =	swait.ge [sflag:s14], $0x180  }
0x2a0: {  	s17 =	rddreg [dreg:$0x5]  }
0x2a1: {  	s30 =	rddreg [dreg:$0x4];
	s17 =	sadd.s32 $0x1, s17  }
0x2a2: {  	p0 =	sne.s32 s17, s30  }
.Ltmp13:
0x2a3: {  	_ = 	snop;
	(pc) =	sbr.rel @p0 .LBB2_1-.Ltmp13, $3  }
0x2a4: {  	_ =	sdelay $0x1  }
0x2a5: {  	[sflag:s14] =	ssyncset.done $0x0  }
0x2a6: {  	[sflag:s14] =	ssyncadd.s32 $0xFFFFFE80  }
0x2a7: {  	_ =	sfence.sel $0x180000  }
0x2a8: {  	[bflag:$0x0] =	sbarrier.arrive $0xFFFF  }
0x2a9: {  	_ =	strace $0x90000047  }
0x2aa: {  	s0 =	stileid.u32;
	[bflag:$0x2] =	sbarrier.arrive $0xFFFF  }
0x2ab: {  	p0 =	sne.s32 s0, $0x0;
	s0 =	rddreg [dreg:$0x2]  }
0x2ac: {  	s0 =	sadd.s32 @!p0 $0x100000, s0  }
0x2ad: {  	[sflag:s0] =	ssyncadd.tile.s32 @!p0 $0x1;
	_ =	shalt  }
.Lfunc_end2:
_tile_overlayer_lowered:
.L_overlay_start_2:
0x2ae: {  	(tag) =	ssettag $0x2  }
0x2af: {  	s0 =	rddreg [dreg:$0x0];
	s2 =	stileid.u32  }
0x2b0: {  	s1 =	rddreg [dreg:$0x1];
	p0 =	sne.s32 s2, $0x0  }
0x2b1: {  	s3 =	rddreg [dreg:$0x2];
	[bflag:$0x3] =	sbarrier.arrive $0xFFFF;
	s2 =	simm.s32 @!p0 $0x1C05  }
0x2b2: {  	[timem:s3], [sflag:s2] =	dma.local @!p0 [hbm:s0], s1  }
0x2b3: {  	s0 =	simm.s32 @!p0 $0x5  }
0x2b4: {  	_ =	swait.ge @!p0 [sflag:s0], s1  }
0x2b5: {  	s1 =	ssub.s32 @!p0 $0x0, s1;
	[sflag:s0] =	ssyncset.done @!p0 $0x0  }
0x2b6: {  	[sflag:s0] =	ssyncadd.s32 @!p0 s1  }
0x2b7: {  	[bflag:$0x3] =	sbarrier.arrive $0xFFFF  }
0x2b8: {  	_ =	shalt  }

// kernel: sparse-core-data-format-call.cloned.1.call-start
scs
called_computation_lowered:
.L_overlay_start_0:
0x0: {  	s2 =	sld [smem:$0x3FD9]  }
0x1: {  	s3 =	sld [smem:$0x3FFE];
	_ =	sdelay $0x1  }
0x2: {  	s1 =	srdreg.scid  }
0x3: {  	s0 =	sand.u32 $0x1, s1  }
0x4: {  	s15 =	sshll.u32 s0, $0xA;
	s2 =	sadd.s32 s3, s2  }
0x5: {  	s2 =	sadd.s32 s2, s15  }
0x6: {  	[smem:$0x3FC6] =	sst s2  }
0x7: {  	_ = 	snop  }
0x8: {  	s2 =	sld [smem:$0x3FD0];
	_ =	sdelay $0x2  }
0x9: {  	s16 =	simm.s32 $0xA;
	s4 =	simm.s32 $0x10  }
0xa: {  	[smem:s4], [sflag:s16] =	dma.local [hbm:s2], $0x1  }
0xb: {  	_ =	swait.eq [sflag:s16], $0x1  }
0xc: {  	[sflag:s16] =	ssyncset.done $0x0  }
0xd: {  	[sflag:s16] =	ssyncadd.s32 $0xFFFFFFFF  }
0xe: {  	s17 =	sld [smem:$0x10];
	(tm) =	ssettm $0x1  }
0xf: {  	s18 =	sld [smem:$0x3FFB];
	_ =	sdelay $0x3  }
0x10: {  	_ =	strace s18  }
0x11: {  	s3 =	sld [smem:$0x3FFC];
	_ =	sdelay $0x3  }
0x12: {  	_ =	strace s3  }
0x13: {  	s3 =	sld [smem:$0x3FFD];
	_ =	sdelay $0x3  }
0x14: {  	_ =	strace s3  }
0x15: {  	_ =	strace $0x8FFFFFFF  }
0x16: {  	s19 =	sld [smem:$0x3FDB];
	_ =	sdelay $0x1  }
0x17: {  	s20 =	simm.s32 $_scs_section_size  }
0x18: {  	s5 =	simm.s32 $_size__tile_overlayer_lowered;
	s6 =	simm.s32 $_tile_overlayer_lowered  }
0x19: {  	s23 =	simm.s32 $0x1BFF;
	s22 =	sshll.u32 s6, $0x1;
	s3 =	sadd.s32 s20, s19  }
0x1a: {  	s7 =	simm.s32 $0x0;
	s21 =	sshll.u32 s5, $0x1;
	s5 =	sadd.s32 s22, s3  }
0x1b: {  	[timem:s7], [sflag:s23] =	dma.local [hbm:s5], s21  }
0x1c: {  	_ =	swait.ge [sflag:s23], s21  }
0x1d: {  	s4 =	ssub.s32 $0x0, s21;
	[sflag:s23] =	ssyncset.done $0x0  }
0x1e: {  	[sflag:s23] =	ssyncadd.s32 s4;
	_ =	sdelay $0x1  }
0x1f: {  	s24 =	simm.s32 $0x1B8B  }
0x20: {  	_ =	swait.ge [sflag:s24], $0x1  }
0x21: {  	[sflag:s24] =	ssyncset.done $0x0  }
0x22: {  	s26 =	simm.s32 $0x1B8E;
	s25 =	sld [smem:$0x3FFE];
	[sflag:s24] =	ssyncadd.s32 $0xFFFFFFFF  }
0x23: {  	s27 =	simm.s32 $execute0_lowered;
	[smem:$0x3FD2] =	sst s26  }
0x24: {  	s5 =	sshll.u32 s27, $0x1;
	_ =	strace $0x80000049;
	[dreg:$0x1] =	wrdreg $0xFFFFFFFF  }
0x25: {  	s28 =	simm.s32 $_size_execute0_lowered;
	s3 =	sadd.s32 s3, s5;
	[dreg:$0x0] =	wrdreg $0x0  }
0x26: {  	s5 =	sshll.u32 s28, $0x1;
	[dreg:$0x2] =	wrdreg s3  }
0x27: {  	[dreg:$0x3] =	wrdreg s5  }
0x28: {  	[dreg:$0x4] =	wrdreg $0xC0  }
0x29: {  	_ =	task [dreg:s7], $0x5FFFF  }
0x2a: {  	[dreg:$0x1] =	wrdreg $0xFFFFFFFF  }
0x2b: {  	[dreg:$0x0] =	wrdreg $0x60  }
0x2c: {  	[dreg:$0x2] =	wrdreg s25  }
0x2d: {  	[dreg:$0x3] =	wrdreg s17  }
0x2e: {  	[dreg:$0x4] =	wrdreg $0x9  }
0x2f: {  	_ =	task.clear_ibuf [dreg:s7], $0x5FFFF;
	_ =	strace $0x90000049  }
0x30: {  	s29 =	simm.s32 $0x9;
	_ =	strace $0x8000004B  }
0x31: {  	_ =	swait.ge [sflag:s29], $0x1  }
0x32: {  	[sflag:s29] =	ssyncadd.s32 $0xFFFFFFFF  }
0x33: {  	_ =	strace $0x9000004B  }
0x34: {  	_ =	sfence  }
0x35: {  	s30 =	sld [smem:$0x0];
	_ =	sdelay $0x2  }
0x36: {  	s31 =	sshll.u32 s1, $0xD;
	s1 =	sshrl.u32 s1, $0x2  }
0x37: {  	s3 =	sand.u32 $0x4000, s31;
	s1 =	sadd.s32 s1, s30  }
0x38: {  	s0 =	sor.u32 s3, s0;
	s1 =	sshll.u32 s1, $0x11  }
0x39: {  	s0 =	sor.u32 s1, s0  }
0x3a: {  	s0 =	sadd.s32 $0x8F2B, s0  }
0x3b: {  	[sflag:s0] =	ssyncadd.remote.s32 $0x1  }
0x3c: {  	_ =	sfence.sel $0xFFFF  }
0x3d: {  	[dreg:$0x0] =	wrdreg $0xFFFFFFFF;
	(pc) =	sbr.abs _section_cstart, $3  }
0x3e: {  	[dreg:$0x1] =	wrdreg $0xFFFFFFFF  }
0x3f: {  	_ =	task.clear_ibuf [dreg:s7], $0x2FFFF;
	_ =	strace $0x9FFFFFFF  }
0x40: {  	(tm) =	ssettm $0x7FFFFFFF  }
0x41: {  	_ =	shalt  }
tec
execute0_lowered:
.L_overlay_start_1:
0x0: {  	(tag) =	ssettag $0x1  }
0x1: {  	s0 =	srdreg.scid  }
0x2: {  	s7 =	rddreg [dreg:$0x0];
	s8 =	simm.s32 $0x2;
	s18 =	simm.s32 $0x0  }
0x3: {  	p0 =	por $0x0, $0x0;
	s20 =	simm.s32 $0x0;
	s1 =	sshll.u32 s0, $0x4  }
0x4: {  	s19 =	simm.s32 $0x0;
	s0 =	stileid.u32;
	s1 =	sand.u32 $0x10, s1  }
0x5: {  	s21 =	simm.s32 $0x0;
	s2 =	sor.u32 s0, s1;
	s1 =	sand.u32 $0x1, s0  }
0x6: {  	s9 =	simm.s32 $0x0;
	s3 =	sshrl.u32 s2, $0x1;
	s31 =	ssub.s32 $0x2, s1  }
0x7: {  	s4 =	sshrl.u32 s31, $0x1;
	s2 =	sand.u32 $0x1, s31;
	s5 =	ssub.s32 $0x177, s3  }
0x8: {  	s10 =	simm.s32 $0x0;
	s2 =	sadd.s32 s2, s4;
	s5 =	sshrl.u32 s5, $0x4  }
0x9: {  	s11 =	simm.s32 $0x0;
	s12 =	simm.s32 $0x0;
	s6 =	smul.u32 s5, s2  }
.Ltmp0:
0xa: {  	s13 =	simm.s32 $0x0;
	s4 =	rddreg [dreg:$0x1];
	(pc) =	sbr.rel .LBB1_1-.Ltmp0, $4  }
0xb: {  	s15 =	simm.s32 $0x0;
	s17 =	simm.s32 $0x0;
	s2 =	rddreg [dreg:$0x2]  }
0xc: {  	_ =	strace $0x8000004A;
	s5 =	simm.s32 $0x1;
	s6 =	smul.u32 $0x3, s6  }
0xd: {  	s7 =	sadd.s32 $0x106200, s7;
	s16 =	smov.u32 s1;
	[sflag:s5] =	ssyncpa.u1 $0x0  }
0xe: {  	s14 =	smov.u32 s3;
	[sflag:s8] =	ssyncpa.u1 $0x0;
	s8 =	sadd.s32 $0x1, s6  }
.LBB1_4:
0xf: {  	[tilespmem:s25+$0x2040 ss:$0x81] =	vst.msk $0xffff, v4  }
0x10: {  	s27 =	sshll.u32 s9, $0x7;
	[tilespmem:s25+$0x2850 ss:$0x81] =	vst.msk $0xffff, v3  }
0x11: {  	s28 =	sshll.u32 s11, $0x3;
	p1 =	sgt.s32 s12, $0x1;
	s30 =	sshra.s32 s12, $0x1F;
	[tilespmem:s25+$0x3060 ss:$0x81] =	vst.msk $0xffff, v2  }
0x12: {  	s31 =	sshra.s32 s10, $0x1F;
	s26 =	sshra.s32 s26, $0x2;
	[tilespmem:s25+$0x0 ss:$0x81] =	vst.msk $0xffff, v1;
	s25 =	smov.u32 s9  }
0x13: {  	s29 =	sand.u32 $0xFFFFFC00, s27;
	s28 =	sand.u32 $0xFFFFFC00, s28;
	s27 =	sand.u32 $0x380, s27  }
0x14: {  	s31 =	sand.u32 s31, s10;
	s28 =	sadd.s32 s28, s29;
	s29 =	smov.u32 s12  }
0x15: {  	s24 =	sadd.s32 s26, s24;
	s27 =	sor.u32 s27, s28;
	s29 =	simm.s32 @!p1 $0x1  }
0x16: {  	s28 =	sand.u32 s30, s12;
	p1 =	sgt.s32 s10, $0x167;
	s30 =	smov.u32 s10  }
0x17: {  	s28 =	sxor.u32 $0xFFFFFFFF, s28;
	s30 =	simm.s32 @!p1 $0x167;
	s27 =	sshrl.u32 s27, $0x7  }
0x18: {  	s28 =	sadd.s32 s28, s29;
	s29 =	ssub.s32 s30, s31;
	s31 =	ssub.s32 $0x0, s11  }
0x19: {  	v5 =	vld [tilespmem:s23+$0xFFFFFFD0];
	s26 =	smulhi.u32 $0xB60B61, s27;
	p1 =	sgt.s32 s28, $0x0;
	s28 =	ssub.s32 $0x1, s28  }
0x1a: {  	v58 =	vld [tilespmem:s23+$0xFFFFFFE0];
	s30 =	sadd.s32 $0xFFFFFE99, s29;
	s29 =	ssub.s32 $0x168, s29;
	s28 =	simm.s32 @p1 $0x0  }
0x1b: {  	v59 =	vld [tilespmem:s23+$0xFFFFFFF0];
	p1 =	sgt.s32 s30, $0x0;
	s30 =	smin.u32 s11, s31;
	s31 =	sshra.s32 s9, $0x1F  }
0x1c: {  	v60 =	vld [tilespmem:s23+$0x0];
	s29 =	simm.s32 @p1 $0x0;
	p1 =	sgt.s32 s30, $0x7F;
	s30 =	ssub.s32 $0x80, s30  }
0x1d: {  	v61 =	vld [tilespmem:s23+$0x10];
	s26 =	smul.u32 $0x168, s26;
	s30 =	simm.s32 @p1 $0x0;
	p1 =	sgt.s32 s9, $0xE8  }
0x1e: {  	v62 =	vld [tilespmem:s23+$0x20];
	[tilespmem:s24+$0x3870 ss:$0x81] =	vst.msk $0xffff, v0;
	s28 =	smul.u32 s28, s30;
	s25 =	simm.s32 @!p1 $0xE8;
	s30 =	sand.u32 s31, s9  }
0x1f: {  	v63 =	vld [tilespmem:s23+$0xFFFFFFC0];
	[tilespmem:s24+$0x810 ss:$0x81] =	vst.msk $0xffff, v5;
	s23 =	ssub.s32 s27, s26;
	s27 =	smul.u32 $0x1FA400, s12;
	s25 =	ssub.s32 s25, s30  }
0x20: {  	[tilespmem:s24+$0x1020 ss:$0x81] =	vst.msk $0xffff, v58;
	s28 =	smul.u32 s29, s28;
	s29 =	sadd.s32 $0xFFFFFF18, s25  }
0x21: {  	[tilespmem:s24+$0x1830 ss:$0x81] =	vst.msk $0xffff, v59;
	s30 =	smul.u32 $0x1680, s10;
	s25 =	ssub.s32 $0x168, s25;
	p1 =	sgt.s32 s29, $0x7F  }
0x22: {  	[tilespmem:s24+$0x2040 ss:$0x81] =	vst.msk $0xffff, v60;
	s31 =	sshrl.u32 s11, $0x3;
	s27 =	sadd.s32 s4, s27;
	s25 =	simm.s32 @p1 $0x0  }
0x23: {  	[tilespmem:s24+$0x2850 ss:$0x81] =	vst.msk $0xffff, v61;
	s26 =	sadd.s32 s30, s27;
	s29 =	sand.u32 $0xF, s31;
	s25 =	smul.u32 s25, s28  }
0x24: {  	[tilespmem:s24+$0x3060 ss:$0x81] =	vst.msk $0xffff, v62;
	s23 =	sshll.u32 s23, $0x4;
	s26 =	sadd.s32 s29, s26  }
0x25: {  	[tilespmem:s24+$0x0 ss:$0x81] =	vst.msk $0xffff, v63;
	s31 =	sand.u32 $0x7, s11;
	s23 =	sadd.s32 s23, s26;
	s30 =	sand.u32 $0x3FFFFFFF, s25  }
0x26: {  	[hbm4b:s23+s31] =	stream.linear.scatter [tilespmem:s22], [sflag:$0x2], s30, $0x20;
	[tilespmem:$0x10100] =	vst v63  }
.LBB1_5:
0x27: {  	p1 =	slt.u32 s17, $0x2;
	s22 =	smov.u32 s21  }
0x28: {  	s25 =	smov.u32 s16;
	p0 =	por !p0, !p0;
	p2 =	sgt.s32 @!p1 s21, $0x1  }
0x29: {  	s23 =	sshra.s32 @!p1 s21, $0x1F;
	s24 =	sshra.s32 @!p1 s20, $0x1F;
	p3 =	sgt.s32 @!p1 s18, $0xE8  }
0x2a: {  	s26 =	simm.s32 @!p1 $0x2;
	p2 =	por !p2, p1;
	s21 =	sand.u32 @!p1 s23, s21  }
0x2b: {  	s23 =	smov.u32 s20;
	p3 =	por !p3, p1;
	s22 =	simm.s32 @p2 $0x1  }
0x2c: {  	p2 =	sgt.s32 @!p1 s20, $0x167;
	s21 =	sxor.u32 @!p1 $0xFFFFFFFF, s21;
	s20 =	sand.u32 @!p1 s24, s20  }
0x2d: {  	s24 =	smov.u32 s15;
	p2 =	por !p2, p1;
	s21 =	sadd.s32 @!p1 s21, s22  }
0x2e: {  	s23 =	simm.s32 @p2 $0x167;
	p2 =	sgt.s32 @!p1 s21, $0x0;
	s21 =	ssub.s32 @!p1 $0x1, s21  }
0x2f: {  	s20 =	ssub.s32 @!p1 s23, s20;
	p2 =	por !p2, p1;
	s23 =	smov.u32 s18  }
0x30: {  	s22 =	sadd.s32 @!p1 $0xFFFFFE99, s20;
	s21 =	simm.s32 @!p2 $0x0;
	s20 =	ssub.s32 @!p1 $0x168, s20  }
0x31: {  	s23 =	simm.s32 @p3 $0xE8;
	p2 =	sgt.s32 @!p1 s22, $0x0;
	s22 =	ssub.s32 @!p1 $0x0, s19  }
0x32: {  	p2 =	por !p2, p1;
	s19 =	smin.u32 @!p1 s19, s22;
	s22 =	sshra.s32 @!p1 s18, $0x1F  }
0x33: {  	s18 =	sand.u32 @!p1 s22, s18;
	p3 =	sgt.s32 @!p1 s19, $0x7F;
	s19 =	ssub.s32 @!p1 $0x80, s19  }
0x34: {  	s20 =	simm.s32 @!p2 $0x0;
	s18 =	ssub.s32 @!p1 s23, s18;
	p3 =	por !p3, p1  }
0x35: {  	s23 =	smov.u32 s14;
	s22 =	sadd.s32 @!p1 $0xFFFFFF18, s18;
	s19 =	simm.s32 @!p3 $0x0  }
0x36: {  	p2 =	sgt.s32 @!p1 s22, $0x7F;
	s19 =	smul.u32 @!p1 s21, s19;
	s22 =	sadd.s32 $0x80, s13  }
0x37: {  	s18 =	ssub.s32 @!p1 $0x168, s18;
	s21 =	sadd.s32 $0x10, s14;
	p3 =	sgt.s32 s22, $0x167  }
0x38: {  	p2 =	por !p2, p1;
	s19 =	smul.u32 @!p1 s20, s19;
	s23 =	smov.u32 @p3 s21  }
0x39: {  	s18 =	simm.s32 @!p2 $0x0;
	s20 =	sadd.s32 $0x80, s15;
	p2 =	sgt.s32 s23, $0x167  }
0x3a: {  	s22 =	simm.s32 @p3 $0x0;
	s21 =	smov.u32 s12;
	s24 =	smov.u32 @p2 s20  }
0x3b: {  	s18 =	smul.u32 @!p1 s18, s19;
	s19 =	sadd.s32 $0x2, s16;
	p3 =	sgt.s32 s24, $0x7F  }
0x3c: {  	s12 =	smov.u32 s16;
	s23 =	smov.u32 @p2 s3;
	s25 =	smov.u32 @p3 s19  }
0x3d: {  	s20 =	smov.u32 s10;
	s10 =	smov.u32 s14;
	p2 =	sgt.s32 s25, $0x1  }
0x3e: {  	s14 =	smov.u32 s23;
	s25 =	smov.u32 @p2 s1;
	p2 =	sne.s32 s17, s8  }
.Ltmp1:
0x3f: {  	s18 =	sand.u32 @!p1 $0x3FFFFFFF, s18;
	s24 =	simm.s32 @p3 $0x0;
	(pc) =	sbr.rel @!p2 .LBB1_6-.Ltmp1, $4  }
0x40: {  	s19 =	smov.u32 s11;
	s11 =	smov.u32 s15;
	_ =	swait.ge @!p1 [sflag:s26], s18  }
0x41: {  	s27 =	ssub.s32 @!p1 $0x0, s18;
	s18 =	smov.u32 s9;
	s9 =	smov.u32 s13  }
0x42: {  	s13 =	smov.u32 s22;
	s15 =	smov.u32 s24;
	[sflag:s26] =	ssyncset.done @!p1 $0x0  }
0x43: {  	s17 =	sadd.s32 $0x1, s17;
	[sflag:s26] =	ssyncadd.s32 @!p1 s27;
	s16 =	smov.u32 s25  }
.LBB1_1:
0x44: {  	p1 =	sge.u32 s17, s6  }
0x45: {  	s22 =	sshrl.u32 @!p1 s14, $0x3  }
0x46: {  	s23 =	sshll.u32 @!p1 s13, $0x3;
	s22 =	smul.u32 @!p1 $0xC00, s22  }
0x47: {  	s24 =	sshll.u32 @!p1 s14, $0x7;
	s23 =	sand.u32 @!p1 $0xFFFFFC00, s23  }
0x48: {  	s22 =	sadd.s32 @!p1 s22, s23;
	s23 =	sand.u32 @!p1 $0x380, s24  }
0x49: {  	s24 =	sand.u32 @!p1 $0x7F, s13;
	s22 =	sor.u32 @!p1 s23, s22  }
0x4a: {  	s23 =	sor.u32 @!p1 s24, s22;
	s22 =	smulhi.u32 @!p1 $0xAAAAAAAB, s22;
	_ =	sdelay $0x1  }
0x4b: {  	s24 =	smulhi.u32 @!p1 $0xAAAAAAAB, s23;
	s22 =	sshrl.u32 @!p1 s22, $0x8  }
0x4c: {  	s25 =	smulhi.u32 @!p1 $0xB60B61, s22  }
0x4d: {  	s27 =	smul.u32 @!p1 $0x21C000, s16  }
0x4e: {  	s24 =	sshrl.u32 @!p1 s24, $0x8;
	s25 =	smul.u32 @!p1 $0x168, s25  }
0x4f: {  	s31 =	sadd.s32 $0xFFFFFFFF, s17;
	s26 =	sxor.u32 @!p1 $0xFFFFFFFF, s17;
	s24 =	smul.u32 @!p1 $0x180, s24  }
0x50: {  	s26 =	sshll.u32 @!p1 s26, $0xE;
	s22 =	ssub.s32 @!p1 s22, s25;
	s25 =	smul.u32 @!p1 $0x4380, s15  }
0x51: {  	s23 =	ssub.s32 @!p1 s23, s24;
	s24 =	sadd.s32 @!p1 s7, s27;
	s22 =	smul.u32 @!p1 $0x30, s22  }
0x52: {  	s26 =	sand.u32 @!p1 $0x4000, s26;
	s24 =	sadd.s32 @!p1 s25, s24;
	s25 =	sand.u32 @!p1 $0x7, s23  }
0x53: {  	s23 =	sshrl.u32 @!p1 s23, $0x3;
	s22 =	sadd.s32 @!p1 s22, s24;
	s24 =	sshll.u32 @!p1 s25, $0x12  }
0x54: {  	s22 =	sadd.s32 @!p1 s23, s22;
	s23 =	sor.u32 @!p1 $0x80, s24;
	s24 =	simm.s32 @!p1 $0x21C00  }
0x55: {  	[tilespmem:s26], [sflag:$0x1] =	stream.strided.gather @!p1 [hbm4b:s22+s23], $0x4000, s24, s23, $0x38;
	[tilespmem:$0x10100] =	vst v63  }
0x56: {  	p1 =	sge.u32 s31, s6  }
.Ltmp2:
0x57: {  	_ = 	snop;
	(pc) =	sbr.rel @p1 .LBB1_5-.Ltmp2, $1  }
0x58: {  	_ =	sdelay $0x3  }
0x59: {  	s22 =	simm.s32 $0x1  }
0x5a: {  	_ =	swait.ge [sflag:s5], $0x4000;
	s22 =	simm.s32 @!p0 $0x0  }
0x5b: {  	[sflag:s5] =	ssyncset.done $0x0;
	s23 =	sshll.u32 s22, $0xE  }
0x5c: {  	[sflag:s5] =	ssyncadd.s32 $0xFFFFC000;
	s23 =	sor.u32 $0x40, s23  }
0x5d: {  	s22 =	smul.u32 $0x10200, s22;
	v0 =	vld [tilespmem:s23+$0x30]  }
0x5e: {  	v1 =	vld [tilespmem:s23+$0xFFFFFFD0]  }
0x5f: {  	s22 =	sshrl.u32 s22, $0x2;
	v5 =	vld [tilespmem:s23+$0xFFFFFFE0]  }
0x60: {  	v6 =	vld [tilespmem:s23+$0xFFFFFFF0];
	s24 =	sor.u32 $0x8000, s22  }
0x61: {  	s31 =	sand.u32 $0x1, s17;
	v4 =	vld [tilespmem:s23+$0x0];
	s25 =	sadd.s32 $0x0, s24  }
0x62: {  	v3 =	vld [tilespmem:s23+$0x10];
	s22 =	smul.u32 $0x10200, s31;
	[tilespmem:s25+$0x3870 ss:$0x81] =	vst.msk $0xffff, v0  }
0x63: {  	v2 =	vld [tilespmem:s23+$0x20];
	[tilespmem:s25+$0x810 ss:$0x81] =	vst.msk $0xffff, v1  }
0x64: {  	s22 =	sshrl.u32 s22, $0x2;
	v1 =	vld [tilespmem:s23+$0xFFFFFFC0];
	[tilespmem:s25+$0x1020 ss:$0x81] =	vst.msk $0xffff, v5;
	s23 =	sadd.s32 $0x80, s23  }
0x65: {  	s26 =	simm.s32 $0x4;
	s27 =	simm.s32 $0x8;
	s22 =	sor.u32 $0x8000, s22;
	[tilespmem:s25+$0x1830 ss:$0x81] =	vst.msk $0xffff, v6;
	v0 =	vld [tilespmem:s23+$0x30]  }
.LBB1_3:
0x66: {  	p1 =	sne.s32 s27, $0x1FC;
	v5 =	vld [tilespmem:s23+$0xFFFFFFD0];
	[tilespmem:s25+$0x2040 ss:$0x81] =	vst.msk $0xffff, v4  }
0x67: {  	v6 =	vld [tilespmem:s23+$0xFFFFFFE0];
	[tilespmem:s25+$0x2850 ss:$0x81] =	vst.msk $0xffff, v3  }
0x68: {  	s28 =	sshra.s32 s26, $0x2;
	s26 =	smov.u32 s27;
	v7 =	vld [tilespmem:s23+$0xFFFFFFF0];
	[tilespmem:s25+$0x3060 ss:$0x81] =	vst.msk $0xffff, v2  }
.Ltmp3:
0x69: {  	v4 =	vld [tilespmem:s23+$0x0];
	[tilespmem:s25+$0x0 ss:$0x81] =	vst.msk $0xffff, v1;
	s25 =	sadd.s32 s28, s24;
	(pc) =	sbr.rel @p1 .LBB1_3-.Ltmp3, $4  }
0x6a: {  	v3 =	vld [tilespmem:s23+$0x10];
	[tilespmem:s25+$0x3870 ss:$0x81] =	vst.msk $0xffff, v0  }
0x6b: {  	[tilespmem:s25+$0x810 ss:$0x81] =	vst.msk $0xffff, v5;
	v2 =	vld [tilespmem:s23+$0x20]  }
0x6c: {  	v1 =	vld [tilespmem:s23+$0xFFFFFFC0];
	[tilespmem:s25+$0x1020 ss:$0x81] =	vst.msk $0xffff, v6;
	s23 =	sadd.s32 $0x80, s23  }
0x6d: {  	s27 =	sadd.s32 $0x4, s27;
	v0 =	vld [tilespmem:s23+$0x30];
	[tilespmem:s25+$0x1830 ss:$0x81] =	vst.msk $0xffff, v7  }
.Ltmp4:
0x6e: {  	_ = 	snop;
	(pc) =	sbr.rel .LBB1_4-.Ltmp4, $1  }
0x6f: {  	_ =	sdelay $0x3  }
.LBB1_6:
0x70: {  	_ =	sfence.sel $0x180000  }
0x71: {  	s1 =	simm.s32 $0x1;
	[bflag:$0x0] =	sbarrier.arrive $0xFFFF  }
0x72: {  	s31 =	simm.s32 $0x2;
	[sflag:s1] =	ssyncpa.u1 $0x1  }
0x73: {  	[sflag:s31] =	ssyncpa.u1 $0x1  }
0x74: {  	p0 =	sne.s32 s0, $0x0;
	_ =	strace $0x9000004A  }
0x75: {  	s0 =	sadd.s32 @!p0 $0x100000, s2;
	[bflag:$0x2] =	sbarrier.arrive $0xFFFF  }
0x76: {  	[sflag:s0] =	ssyncadd.tile.s32 @!p0 $0x1;
	_ =	shalt  }
.Lfunc_end1:
_tile_overlayer_lowered:
.L_overlay_start_2:
0x77: {  	(tag) =	ssettag $0x2  }
0x78: {  	s0 =	rddreg [dreg:$0x0];
	s2 =	stileid.u32  }
0x79: {  	s1 =	rddreg [dreg:$0x1];
	p0 =	sne.s32 s2, $0x0  }
0x7a: {  	s3 =	rddreg [dreg:$0x2];
	[bflag:$0x3] =	sbarrier.arrive $0xFFFF;
	s2 =	simm.s32 @!p0 $0x1C01  }
0x7b: {  	[timem:s3], [sflag:s2] =	dma.local @!p0 [hbm:s0], s1  }
0x7c: {  	s0 =	simm.s32 @!p0 $0x1  }
0x7d: {  	_ =	swait.ge @!p0 [sflag:s0], s1  }
0x7e: {  	s1 =	ssub.s32 @!p0 $0x0, s1;
	[sflag:s0] =	ssyncset.done @!p0 $0x0  }
0x7f: {  	[sflag:s0] =	ssyncadd.s32 @!p0 s1  }
0x80: {  	[bflag:$0x3] =	sbarrier.arrive $0xFFFF  }
0x81: {  	_ =	shalt  }

</sc_bundles>
